<compile_context>
chip_gen: v7x
topology: tpu7x:2x2x1
jax: 0.10.2.dev20260603
libtpu: 0.0.44.dev20260713+nightly
codegen_flags: <defaults>
</compile_context>

<pallas_src>
import functools

import jax
import jax.numpy as jnp
from jax import lax
from jax.experimental import pallas as pl
from jax.experimental.pallas import tpu as pltpu
from jax.experimental.pallas import tpu_sc as plsc

_VOCAB = 100000
_EMBED = 128
_BATCH = 16384

_NC = 2
_NS = 16
_NW = _NC * _NS
_BPW = _BATCH // _NW
_CHUNK = 128
_NCHUNK = _BPW // _CHUNK
_L = 16


def _glove_body(cidx_hbm, tidx_hbm, cooc_hbm, wt_hbm, ev_hbm, eu_hbm,
                vb_hbm, ub_hbm, out_hbm,
                cidx_v, tidx_v, cooc_v, wt_v,
                vrows0, urows0, vb0, ub0,
                vrows1, urows1, vb1, ub1,
                prod_v, outvec_v, sem0, sem1):
    wid = lax.axis_index("s") * _NC + lax.axis_index("c")
    base = wid * _BPW

    pltpu.sync_copy(cooc_hbm.at[pl.ds(base, _BPW)], cooc_v)
    pltpu.sync_copy(wt_hbm.at[pl.ds(base, _BPW)], wt_v)
    pltpu.sync_copy(cidx_hbm.at[pl.ds(base, _BPW)], cidx_v)
    pltpu.sync_copy(tidx_hbm.at[pl.ds(base, _BPW)], tidx_v)

    bufs = ((vrows0, urows0, vb0, ub0, sem0),
            (vrows1, urows1, vb1, ub1, sem1))

    def issue(c):
        vr, ur, vb, ub, sem = bufs[c % 2]
        cid = cidx_v.at[pl.ds(c * _CHUNK, _CHUNK)]
        tid = tidx_v.at[pl.ds(c * _CHUNK, _CHUNK)]
        return (pltpu.async_copy(ev_hbm.at[cid], vr, sem),
                pltpu.async_copy(eu_hbm.at[tid], ur, sem),
                pltpu.async_copy(vb_hbm.at[cid], vb, sem),
                pltpu.async_copy(ub_hbm.at[tid], ub, sem))

    pend = issue(0)
    lane = lax.iota(jnp.int32, _L)
    zero16 = jnp.zeros((_L,), jnp.int32)
    lacc = jnp.zeros((_L,), jnp.float32)

    for c in range(_NCHUNK):
        for h in pend:
            h.wait()
        if c + 1 < _NCHUNK:
            pend = issue(c + 1)
        vr, ur, vb, ub, _ = bufs[c % 2]
        off = c * _CHUNK

        @plsc.parallel_loop(0, _CHUNK, unroll=4)
        def _row(r, _vr=vr, _ur=ur):
            p = [_vr[r, pl.ds(j * _L, _L)] * _ur[r, pl.ds(j * _L, _L)]
                 for j in range(_EMBED // _L)]
            while len(p) > 1:
                p = [p[i] + p[i + 1] for i in range(0, len(p) - 1, 2)] + (
                    [p[-1]] if len(p) % 2 else [])
            prod_v[r, pl.ds(0, _L)] = p[0]

        @plsc.parallel_loop(0, _CHUNK // _L, unroll=2, carry=lacc)
        def _group(g, acc, _off=off, _vb=vb, _ub=ub):
            ridx = g * _L + lane
            dvec = plsc.load_gather(prod_v, [ridx, jnp.zeros((_L,), jnp.int32)])
            for j in range(1, _L):
                dvec = dvec + plsc.load_gather(
                    prod_v, [ridx, jnp.full((_L,), j, jnp.int32)])
            cb = _vb[pl.ds(g * _L, _L)]
            tb = _ub[pl.ds(g * _L, _L)]
            co = cooc_v[pl.ds(_off + g * _L, _L)]
            w = wt_v[pl.ds(_off + g * _L, _L)]
            err = dvec + cb + tb - co
            return acc + w * err * err

        lacc = _group

    outvec_v[...] = lacc
    pltpu.sync_copy(outvec_v, out_hbm.at[wid])


@jax.jit
def _glove(cidx, tidx, cooc, wt, ev, eu, vb, ub):
    mesh = plsc.VectorSubcoreMesh(core_axis_name="c", subcore_axis_name="s",
                                  num_cores=_NC, num_subcores=_NS)
    run = pl.kernel(
        _glove_body,
        out_type=jax.ShapeDtypeStruct((_NW, _L), jnp.float32),
        mesh=mesh,
        compiler_params=pltpu.CompilerParams(needs_layout_passes=False),
        scratch_types=[
            pltpu.VMEM((_BPW,), jnp.int32),
            pltpu.VMEM((_BPW,), jnp.int32),
            pltpu.VMEM((_BPW,), jnp.float32),
            pltpu.VMEM((_BPW,), jnp.float32),
            pltpu.VMEM((_CHUNK, _EMBED), jnp.float32),
            pltpu.VMEM((_CHUNK, _EMBED), jnp.float32),
            pltpu.VMEM((_CHUNK,), jnp.float32),
            pltpu.VMEM((_CHUNK,), jnp.float32),
            pltpu.VMEM((_CHUNK, _EMBED), jnp.float32),
            pltpu.VMEM((_CHUNK, _EMBED), jnp.float32),
            pltpu.VMEM((_CHUNK,), jnp.float32),
            pltpu.VMEM((_CHUNK,), jnp.float32),
            pltpu.VMEM((_CHUNK, _L), jnp.float32),
            pltpu.VMEM((_L,), jnp.float32),
            pltpu.SemaphoreType.DMA,
            pltpu.SemaphoreType.DMA,
        ],
    )
    partials = run(cidx, tidx, cooc, wt, ev, eu, vb, ub)
    return jnp.sum(partials) * jnp.float32(1.0 / _BATCH)


def kernel(center_words, target_words, co_occurrences, weightings,
           embedding_v, embedding_u, v_bias, u_bias):
    cidx = center_words.astype(jnp.int32)
    tidx = target_words.astype(jnp.int32)
    vb = jnp.reshape(v_bias, (_VOCAB,))
    ub = jnp.reshape(u_bias, (_VOCAB,))
    return _glove(cidx, tidx, co_occurrences, weightings,
                  embedding_v, embedding_u, vb, ub)

# --- scband reference (transcript-rebuilt; emitter-appended) ---
"""Pipeline reference for scband-glo-ve-31250182046115 (READ-ONLY COPY).

The authoritative reference and input builder live on the scoring server;
editing this copy changes nothing except your own understanding.
"""

import jax, jax.numpy as jnp
import numpy as np

VOCAB = 100000
EMBED = 128
BATCH = 16384

def setup_inputs(seed: int = 0) -> dict:
    key = jax.random.key(seed)
    k1, k2, k3, k4, k5, k6, k7, k8 = jax.random.split(key, 8)
    center_words = jax.random.randint(k1, (BATCH,), 0, VOCAB, dtype=jnp.int64) if jax.config.jax_enable_x64 else jax.random.randint(k1, (BATCH,), 0, VOCAB).astype(jnp.int32)
    target_words = jax.random.randint(k2, (BATCH,), 0, VOCAB).astype(center_words.dtype)
    co_occurrences = jax.random.uniform(k3, (BATCH,), dtype=jnp.float32)
    weightings = jax.random.uniform(k4, (BATCH,), dtype=jnp.float32)
    embedding_v = jax.random.normal(k5, (VOCAB, EMBED), dtype=jnp.float32) * 0.02
    embedding_u = jax.random.normal(k6, (VOCAB, EMBED), dtype=jnp.float32) * 0.02
    v_bias = jax.random.normal(k7, (VOCAB, 1), dtype=jnp.float32) * 0.02
    u_bias = jax.random.normal(k8, (VOCAB, 1), dtype=jnp.float32) * 0.02
    return {
        "center_words": center_words,
        "target_words": target_words,
        "co_occurrences": co_occurrences,
        "weightings": weightings,
        "embedding_v": embedding_v,
        "embedding_u": embedding_u,
        "v_bias": v_bias,
        "u_bias": u_bias,
    }

def reference(center_words, target_words, co_occurrences, weightings, embedding_v, embedding_u, v_bias, u_bias):
    center_embed = jnp.take(embedding_v, center_words, axis=0)
    target_embed = jnp.take(embedding_u, target_words, axis=0)
    center_bias = jnp.take(v_bias, center_words, axis=0)[:, 0]
    target_bias = jnp.take(u_bias, target_words, axis=0)[:, 0]
    inner_product = jnp.sum(center_embed * target_embed, axis=1)
    loss = weightings * jnp.square(inner_product + center_bias + target_bias - co_occurrences)
    return jnp.mean(loss)

if __name__ == "__main__":
    import jax
    _d = setup_inputs()
    print(jax.jit(kernel)(*tuple(_d.values())))

</pallas_src>

<mosaic_0001>
#map = affine_map<(d0, d1) -> (0)>
#map1 = affine_map<(d0, d1) -> (0, 0)>
module attributes {stable_mosaic.version = 14 : i64} {
  func.func @_glove_body(%arg0: i32, %arg1: i32, %arg2: memref<16384xi32, #tpu.memory_space<hbm>>, %arg3: memref<16384xi32, #tpu.memory_space<hbm>>, %arg4: memref<16384xf32, #tpu.memory_space<hbm>>, %arg5: memref<16384xf32, #tpu.memory_space<hbm>>, %arg6: memref<100000x128xf32, #tpu.memory_space<hbm>>, %arg7: memref<100000x128xf32, #tpu.memory_space<hbm>>, %arg8: memref<100000xf32, #tpu.memory_space<hbm>>, %arg9: memref<100000xf32, #tpu.memory_space<hbm>>, %arg10: memref<32x16xf32, #tpu.memory_space<hbm>>, %arg11: memref<512xi32, #tpu.memory_space<vmem>>, %arg12: memref<512xi32, #tpu.memory_space<vmem>>, %arg13: memref<512xf32, #tpu.memory_space<vmem>>, %arg14: memref<512xf32, #tpu.memory_space<vmem>>, %arg15: memref<128x128xf32, #tpu.memory_space<vmem>>, %arg16: memref<128x128xf32, #tpu.memory_space<vmem>>, %arg17: memref<128xf32, #tpu.memory_space<vmem>>, %arg18: memref<128xf32, #tpu.memory_space<vmem>>, %arg19: memref<128x128xf32, #tpu.memory_space<vmem>>, %arg20: memref<128x128xf32, #tpu.memory_space<vmem>>, %arg21: memref<128xf32, #tpu.memory_space<vmem>>, %arg22: memref<128xf32, #tpu.memory_space<vmem>>, %arg23: memref<128x16xf32, #tpu.memory_space<vmem>>, %arg24: memref<16xf32, #tpu.memory_space<vmem>>, %arg25: memref<!tpu.dma_semaphore, #tpu.memory_space<semaphore_mem>>, %arg26: memref<!tpu.dma_semaphore, #tpu.memory_space<semaphore_mem>>) attributes {dimension_semantics = [#tpu.dimension_semantics<core_parallel>, #tpu.dimension_semantics<subcore_parallel>], iteration_bounds = array<i64: 2, 16>, scalar_prefetch = 0 : i64, scratch_operands = 16 : i64, tpu.core_type = #tpu.core_type<sc_vector_subcore>, window_params = [{transform_indices = #map}, {transform_indices = #map}, {transform_indices = #map}, {transform_indices = #map}, {transform_indices = #map1}, {transform_indices = #map1}, {transform_indices = #map}, {transform_indices = #map}, {transform_indices = #map1}]} {
    %mul3A = arith.constant 2 : i32
    %mul3A_0 = arith.muli %arg1, %mul3A : i32
    %add3A = arith.addi %mul3A_0, %arg0 : i32
    %mul3A_1 = arith.constant 512 : i32
    %mul3A_2 = arith.muli %add3A, %mul3A_1 : i32
    "tpu.region"() ({
      %run_scoped3A = tpu.sem_alloc : memref<!tpu.dma_semaphore, #tpu.memory_space<semaphore_mem>>
      %dma_start3A_176 = tpu.memref_slice %arg4[%mul3A_2] : memref<16384xf32, #tpu.memory_space<hbm>> -> memref<512xf32, #tpu.memory_space<hbm>>
      %dma_start3A_177 = tpu.memref_slice %arg4[%mul3A_2] : memref<16384xf32, #tpu.memory_space<hbm>> -> memref<512xf32, #tpu.memory_space<hbm>>
      tpu.enqueue_dma source(%dma_start3A_177 : memref<512xf32, #tpu.memory_space<hbm>>) target(%arg13 : memref<512xf32, #tpu.memory_space<vmem>>) target_semaphore(%run_scoped3A : memref<!tpu.dma_semaphore, #tpu.memory_space<semaphore_mem>>)
      %dma_wait3A_178 = tpu.memref_slice %arg4[%mul3A_2] : memref<16384xf32, #tpu.memory_space<hbm>> -> memref<512xf32, #tpu.memory_space<hbm>>
      %dma_wait3A_179 = tpu.memref_slice %arg4[%mul3A_2] : memref<16384xf32, #tpu.memory_space<hbm>> -> memref<512xf32, #tpu.memory_space<hbm>>
      tpu.wait_dma2 semaphore(%run_scoped3A : memref<!tpu.dma_semaphore, #tpu.memory_space<semaphore_mem>>) src(%dma_wait3A_179 : memref<512xf32, #tpu.memory_space<hbm>>) dst(%arg13 : memref<512xf32, #tpu.memory_space<vmem>>)
      tpu.yield
    }) : () -> ()
    "tpu.region"() ({
      %run_scoped3A = tpu.sem_alloc : memref<!tpu.dma_semaphore, #tpu.memory_space<semaphore_mem>>
      %dma_start3A_176 = tpu.memref_slice %arg5[%mul3A_2] : memref<16384xf32, #tpu.memory_space<hbm>> -> memref<512xf32, #tpu.memory_space<hbm>>
      %dma_start3A_177 = tpu.memref_slice %arg5[%mul3A_2] : memref<16384xf32, #tpu.memory_space<hbm>> -> memref<512xf32, #tpu.memory_space<hbm>>
      tpu.enqueue_dma source(%dma_start3A_177 : memref<512xf32, #tpu.memory_space<hbm>>) target(%arg14 : memref<512xf32, #tpu.memory_space<vmem>>) target_semaphore(%run_scoped3A : memref<!tpu.dma_semaphore, #tpu.memory_space<semaphore_mem>>)
      %dma_wait3A_178 = tpu.memref_slice %arg5[%mul3A_2] : memref<16384xf32, #tpu.memory_space<hbm>> -> memref<512xf32, #tpu.memory_space<hbm>>
      %dma_wait3A_179 = tpu.memref_slice %arg5[%mul3A_2] : memref<16384xf32, #tpu.memory_space<hbm>> -> memref<512xf32, #tpu.memory_space<hbm>>
      tpu.wait_dma2 semaphore(%run_scoped3A : memref<!tpu.dma_semaphore, #tpu.memory_space<semaphore_mem>>) src(%dma_wait3A_179 : memref<512xf32, #tpu.memory_space<hbm>>) dst(%arg14 : memref<512xf32, #tpu.memory_space<vmem>>)
      tpu.yield
    }) : () -> ()
    "tpu.region"() ({
      %run_scoped3A = tpu.sem_alloc : memref<!tpu.dma_semaphore, #tpu.memory_space<semaphore_mem>>
      %dma_start3A_176 = tpu.memref_slice %arg2[%mul3A_2] : memref<16384xi32, #tpu.memory_space<hbm>> -> memref<512xi32, #tpu.memory_space<hbm>>
      %dma_start3A_177 = tpu.memref_slice %arg2[%mul3A_2] : memref<16384xi32, #tpu.memory_space<hbm>> -> memref<512xi32, #tpu.memory_space<hbm>>
      tpu.enqueue_dma source(%dma_start3A_177 : memref<512xi32, #tpu.memory_space<hbm>>) target(%arg11 : memref<512xi32, #tpu.memory_space<vmem>>) target_semaphore(%run_scoped3A : memref<!tpu.dma_semaphore, #tpu.memory_space<semaphore_mem>>)
      %dma_wait3A_178 = tpu.memref_slice %arg2[%mul3A_2] : memref<16384xi32, #tpu.memory_space<hbm>> -> memref<512xi32, #tpu.memory_space<hbm>>
      %dma_wait3A_179 = tpu.memref_slice %arg2[%mul3A_2] : memref<16384xi32, #tpu.memory_space<hbm>> -> memref<512xi32, #tpu.memory_space<hbm>>
      tpu.wait_dma2 semaphore(%run_scoped3A : memref<!tpu.dma_semaphore, #tpu.memory_space<semaphore_mem>>) src(%dma_wait3A_179 : memref<512xi32, #tpu.memory_space<hbm>>) dst(%arg11 : memref<512xi32, #tpu.memory_space<vmem>>)
      tpu.yield
    }) : () -> ()
    "tpu.region"() ({
      %run_scoped3A = tpu.sem_alloc : memref<!tpu.dma_semaphore, #tpu.memory_space<semaphore_mem>>
      %dma_start3A_176 = tpu.memref_slice %arg3[%mul3A_2] : memref<16384xi32, #tpu.memory_space<hbm>> -> memref<512xi32, #tpu.memory_space<hbm>>
      %dma_start3A_177 = tpu.memref_slice %arg3[%mul3A_2] : memref<16384xi32, #tpu.memory_space<hbm>> -> memref<512xi32, #tpu.memory_space<hbm>>
      tpu.enqueue_dma source(%dma_start3A_177 : memref<512xi32, #tpu.memory_space<hbm>>) target(%arg12 : memref<512xi32, #tpu.memory_space<vmem>>) target_semaphore(%run_scoped3A : memref<!tpu.dma_semaphore, #tpu.memory_space<semaphore_mem>>)
      %dma_wait3A_178 = tpu.memref_slice %arg3[%mul3A_2] : memref<16384xi32, #tpu.memory_space<hbm>> -> memref<512xi32, #tpu.memory_space<hbm>>
      %dma_wait3A_179 = tpu.memref_slice %arg3[%mul3A_2] : memref<16384xi32, #tpu.memory_space<hbm>> -> memref<512xi32, #tpu.memory_space<hbm>>
      tpu.wait_dma2 semaphore(%run_scoped3A : memref<!tpu.dma_semaphore, #tpu.memory_space<semaphore_mem>>) src(%dma_wait3A_179 : memref<512xi32, #tpu.memory_space<hbm>>) dst(%arg12 : memref<512xi32, #tpu.memory_space<vmem>>)
      tpu.yield
    }) : () -> ()
    %dma_start3A = arith.constant 0 : i32
    %dma_start3A_3 = tpu.memref_slice %arg11[%dma_start3A] : memref<512xi32, #tpu.memory_space<vmem>> -> memref<128xi32, #tpu.memory_space<vmem>>
    %dma_start3A_4 = arith.constant 0 : i32
    %dma_start3A_5 = arith.constant 0 : i32
    %dma_start3A_6 = tpu.memref_slice %arg6[%dma_start3A_4, %dma_start3A_5] : memref<100000x128xf32, #tpu.memory_space<hbm>> -> memref<100000x128xf32, #tpu.memory_space<hbm>>
    tpu.enqueue_indirect_dma source(%dma_start3A_6 : memref<100000x128xf32, #tpu.memory_space<hbm>>) target(%arg15 : memref<128x128xf32, #tpu.memory_space<vmem>>) offsets(%dma_start3A_3 : memref<128xi32, #tpu.memory_space<vmem>>) semaphore(%arg25 : memref<!tpu.dma_semaphore, #tpu.memory_space<semaphore_mem>>)
    %dma_start3A_7 = arith.constant 0 : i32
    %dma_start3A_8 = tpu.memref_slice %arg12[%dma_start3A_7] : memref<512xi32, #tpu.memory_space<vmem>> -> memref<128xi32, #tpu.memory_space<vmem>>
    %dma_start3A_9 = arith.constant 0 : i32
    %dma_start3A_10 = arith.constant 0 : i32
    %dma_start3A_11 = tpu.memref_slice %arg7[%dma_start3A_9, %dma_start3A_10] : memref<100000x128xf32, #tpu.memory_space<hbm>> -> memref<100000x128xf32, #tpu.memory_space<hbm>>
    tpu.enqueue_indirect_dma source(%dma_start3A_11 : memref<100000x128xf32, #tpu.memory_space<hbm>>) target(%arg16 : memref<128x128xf32, #tpu.memory_space<vmem>>) offsets(%dma_start3A_8 : memref<128xi32, #tpu.memory_space<vmem>>) semaphore(%arg25 : memref<!tpu.dma_semaphore, #tpu.memory_space<semaphore_mem>>)
    %dma_start3A_12 = arith.constant 0 : i32
    %dma_start3A_13 = tpu.memref_slice %arg11[%dma_start3A_12] : memref<512xi32, #tpu.memory_space<vmem>> -> memref<128xi32, #tpu.memory_space<vmem>>
    %dma_start3A_14 = arith.constant 0 : i32
    %dma_start3A_15 = tpu.memref_slice %arg8[%dma_start3A_14] : memref<100000xf32, #tpu.memory_space<hbm>> -> memref<100000xf32, #tpu.memory_space<hbm>>
    tpu.enqueue_indirect_dma source(%dma_start3A_15 : memref<100000xf32, #tpu.memory_space<hbm>>) target(%arg17 : memref<128xf32, #tpu.memory_space<vmem>>) offsets(%dma_start3A_13 : memref<128xi32, #tpu.memory_space<vmem>>) semaphore(%arg25 : memref<!tpu.dma_semaphore, #tpu.memory_space<semaphore_mem>>)
    %dma_start3A_16 = arith.constant 0 : i32
    %dma_start3A_17 = tpu.memref_slice %arg12[%dma_start3A_16] : memref<512xi32, #tpu.memory_space<vmem>> -> memref<128xi32, #tpu.memory_space<vmem>>
    %dma_start3A_18 = arith.constant 0 : i32
    %dma_start3A_19 = tpu.memref_slice %arg9[%dma_start3A_18] : memref<100000xf32, #tpu.memory_space<hbm>> -> memref<100000xf32, #tpu.memory_space<hbm>>
    tpu.enqueue_indirect_dma source(%dma_start3A_19 : memref<100000xf32, #tpu.memory_space<hbm>>) target(%arg18 : memref<128xf32, #tpu.memory_space<vmem>>) offsets(%dma_start3A_17 : memref<128xi32, #tpu.memory_space<vmem>>) semaphore(%arg25 : memref<!tpu.dma_semaphore, #tpu.memory_space<semaphore_mem>>)
    %iota3A = tpu.iota {dimensions = array<i32: 0>} : vector<16xi32>
    %broadcast_in_dim3A = arith.constant 0 : i32
    %broadcast_in_dim3A_20 = vector.broadcast %broadcast_in_dim3A : i32 to vector<16xi32>
    %broadcast_in_dim3A_21 = arith.constant 0.000000e+00 : f32
    %broadcast_in_dim3A_22 = vector.broadcast %broadcast_in_dim3A_21 : f32 to vector<16xf32>
    %dma_wait3A = arith.constant 0 : i32
    %dma_wait3A_23 = tpu.memref_slice %arg11[%dma_wait3A] : memref<512xi32, #tpu.memory_space<vmem>> -> memref<128xi32, #tpu.memory_space<vmem>>
    %dma_wait3A_24 = arith.constant 0 : i32
    %dma_wait3A_25 = arith.constant 0 : i32
    %dma_wait3A_26 = tpu.memref_slice %arg6[%dma_wait3A_24, %dma_wait3A_25] : memref<100000x128xf32, #tpu.memory_space<hbm>> -> memref<100000x128xf32, #tpu.memory_space<hbm>>
    tpu.wait_indirect_dma semaphore(%arg25 : memref<!tpu.dma_semaphore, #tpu.memory_space<semaphore_mem>>) src(%dma_wait3A_26 : memref<100000x128xf32, #tpu.memory_space<hbm>>) dst(%arg15 : memref<128x128xf32, #tpu.memory_space<vmem>>)
    %dma_wait3A_27 = arith.constant 0 : i32
    %dma_wait3A_28 = tpu.memref_slice %arg12[%dma_wait3A_27] : memref<512xi32, #tpu.memory_space<vmem>> -> memref<128xi32, #tpu.memory_space<vmem>>
    %dma_wait3A_29 = arith.constant 0 : i32
    %dma_wait3A_30 = arith.constant 0 : i32
    %dma_wait3A_31 = tpu.memref_slice %arg7[%dma_wait3A_29, %dma_wait3A_30] : memref<100000x128xf32, #tpu.memory_space<hbm>> -> memref<100000x128xf32, #tpu.memory_space<hbm>>
    tpu.wait_indirect_dma semaphore(%arg25 : memref<!tpu.dma_semaphore, #tpu.memory_space<semaphore_mem>>) src(%dma_wait3A_31 : memref<100000x128xf32, #tpu.memory_space<hbm>>) dst(%arg16 : memref<128x128xf32, #tpu.memory_space<vmem>>)
    %dma_wait3A_32 = arith.constant 0 : i32
    %dma_wait3A_33 = tpu.memref_slice %arg11[%dma_wait3A_32] : memref<512xi32, #tpu.memory_space<vmem>> -> memref<128xi32, #tpu.memory_space<vmem>>
    %dma_wait3A_34 = arith.constant 0 : i32
    %dma_wait3A_35 = tpu.memref_slice %arg8[%dma_wait3A_34] : memref<100000xf32, #tpu.memory_space<hbm>> -> memref<100000xf32, #tpu.memory_space<hbm>>
    tpu.wait_indirect_dma semaphore(%arg25 : memref<!tpu.dma_semaphore, #tpu.memory_space<semaphore_mem>>) src(%dma_wait3A_35 : memref<100000xf32, #tpu.memory_space<hbm>>) dst(%arg17 : memref<128xf32, #tpu.memory_space<vmem>>)
    %dma_wait3A_36 = arith.constant 0 : i32
    %dma_wait3A_37 = tpu.memref_slice %arg12[%dma_wait3A_36] : memref<512xi32, #tpu.memory_space<vmem>> -> memref<128xi32, #tpu.memory_space<vmem>>
    %dma_wait3A_38 = arith.constant 0 : i32
    %dma_wait3A_39 = tpu.memref_slice %arg9[%dma_wait3A_38] : memref<100000xf32, #tpu.memory_space<hbm>> -> memref<100000xf32, #tpu.memory_space<hbm>>
    tpu.wait_indirect_dma semaphore(%arg25 : memref<!tpu.dma_semaphore, #tpu.memory_space<semaphore_mem>>) src(%dma_wait3A_39 : memref<100000xf32, #tpu.memory_space<hbm>>) dst(%arg18 : memref<128xf32, #tpu.memory_space<vmem>>)
    %dma_start3A_40 = arith.constant 128 : i32
    %dma_start3A_41 = tpu.memref_slice %arg11[%dma_start3A_40] : memref<512xi32, #tpu.memory_space<vmem>> -> memref<128xi32, #tpu.memory_space<vmem>>
    %dma_start3A_42 = arith.constant 0 : i32
    %dma_start3A_43 = arith.constant 0 : i32
    %dma_start3A_44 = tpu.memref_slice %arg6[%dma_start3A_42, %dma_start3A_43] : memref<100000x128xf32, #tpu.memory_space<hbm>> -> memref<100000x128xf32, #tpu.memory_space<hbm>>
    tpu.enqueue_indirect_dma source(%dma_start3A_44 : memref<100000x128xf32, #tpu.memory_space<hbm>>) target(%arg19 : memref<128x128xf32, #tpu.memory_space<vmem>>) offsets(%dma_start3A_41 : memref<128xi32, #tpu.memory_space<vmem>>) semaphore(%arg26 : memref<!tpu.dma_semaphore, #tpu.memory_space<semaphore_mem>>)
    %dma_start3A_45 = arith.constant 128 : i32
    %dma_start3A_46 = tpu.memref_slice %arg12[%dma_start3A_45] : memref<512xi32, #tpu.memory_space<vmem>> -> memref<128xi32, #tpu.memory_space<vmem>>
    %dma_start3A_47 = arith.constant 0 : i32
    %dma_start3A_48 = arith.constant 0 : i32
    %dma_start3A_49 = tpu.memref_slice %arg7[%dma_start3A_47, %dma_start3A_48] : memref<100000x128xf32, #tpu.memory_space<hbm>> -> memref<100000x128xf32, #tpu.memory_space<hbm>>
    tpu.enqueue_indirect_dma source(%dma_start3A_49 : memref<100000x128xf32, #tpu.memory_space<hbm>>) target(%arg20 : memref<128x128xf32, #tpu.memory_space<vmem>>) offsets(%dma_start3A_46 : memref<128xi32, #tpu.memory_space<vmem>>) semaphore(%arg26 : memref<!tpu.dma_semaphore, #tpu.memory_space<semaphore_mem>>)
    %dma_start3A_50 = arith.constant 128 : i32
    %dma_start3A_51 = tpu.memref_slice %arg11[%dma_start3A_50] : memref<512xi32, #tpu.memory_space<vmem>> -> memref<128xi32, #tpu.memory_space<vmem>>
    %dma_start3A_52 = arith.constant 0 : i32
    %dma_start3A_53 = tpu.memref_slice %arg8[%dma_start3A_52] : memref<100000xf32, #tpu.memory_space<hbm>> -> memref<100000xf32, #tpu.memory_space<hbm>>
    tpu.enqueue_indirect_dma source(%dma_start3A_53 : memref<100000xf32, #tpu.memory_space<hbm>>) target(%arg21 : memref<128xf32, #tpu.memory_space<vmem>>) offsets(%dma_start3A_51 : memref<128xi32, #tpu.memory_space<vmem>>) semaphore(%arg26 : memref<!tpu.dma_semaphore, #tpu.memory_space<semaphore_mem>>)
    %dma_start3A_54 = arith.constant 128 : i32
    %dma_start3A_55 = tpu.memref_slice %arg12[%dma_start3A_54] : memref<512xi32, #tpu.memory_space<vmem>> -> memref<128xi32, #tpu.memory_space<vmem>>
    %dma_start3A_56 = arith.constant 0 : i32
    %dma_start3A_57 = tpu.memref_slice %arg9[%dma_start3A_56] : memref<100000xf32, #tpu.memory_space<hbm>> -> memref<100000xf32, #tpu.memory_space<hbm>>
    tpu.enqueue_indirect_dma source(%dma_start3A_57 : memref<100000xf32, #tpu.memory_space<hbm>>) target(%arg22 : memref<128xf32, #tpu.memory_space<vmem>>) offsets(%dma_start3A_55 : memref<128xi32, #tpu.memory_space<vmem>>) semaphore(%arg26 : memref<!tpu.dma_semaphore, #tpu.memory_space<semaphore_mem>>)
    %parallel_loop3A = arith.constant 0 : i32
    %parallel_loop3A_58 = arith.constant 128 : i32
    %parallel_loop3A_59 = arith.constant 1 : i32
    scf.for %parallel_loop3A_176 = %parallel_loop3A to %parallel_loop3A_58 step %parallel_loop3A_59  : i32 {
      %parallel_loop3A_177 = arith.index_cast %parallel_loop3A_176 : i32 to index
      %parallel_loop3A_178 = arith.constant 0 : index
      %parallel_loop3A_179 = tpu.vector_load %arg15[%parallel_loop3A_177, %parallel_loop3A_178] {strides = array<i32>} : memref<128x128xf32, #tpu.memory_space<vmem>>, vector<16xf32>,
      %parallel_loop3A_180 = arith.index_cast %parallel_loop3A_176 : i32 to index
      %parallel_loop3A_181 = arith.constant 0 : index
      %parallel_loop3A_182 = tpu.vector_load %arg16[%parallel_loop3A_180, %parallel_loop3A_181] {strides = array<i32>} : memref<128x128xf32, #tpu.memory_space<vmem>>, vector<16xf32>,
      %parallel_loop3A_183 = arith.mulf %parallel_loop3A_179, %parallel_loop3A_182 : vector<16xf32>
      %parallel_loop3A_184 = arith.index_cast %parallel_loop3A_176 : i32 to index
      %parallel_loop3A_185 = arith.constant 16 : index
      %parallel_loop3A_186 = tpu.vector_load %arg15[%parallel_loop3A_184, %parallel_loop3A_185] {strides = array<i32>} : memref<128x128xf32, #tpu.memory_space<vmem>>, vector<16xf32>,
      %parallel_loop3A_187 = arith.index_cast %parallel_loop3A_176 : i32 to index
      %parallel_loop3A_188 = arith.constant 16 : index
      %parallel_loop3A_189 = tpu.vector_load %arg16[%parallel_loop3A_187, %parallel_loop3A_188] {strides = array<i32>} : memref<128x128xf32, #tpu.memory_space<vmem>>, vector<16xf32>,
      %parallel_loop3A_190 = arith.mulf %parallel_loop3A_186, %parallel_loop3A_189 : vector<16xf32>
      %parallel_loop3A_191 = arith.index_cast %parallel_loop3A_176 : i32 to index
      %parallel_loop3A_192 = arith.constant 32 : index
      %parallel_loop3A_193 = tpu.vector_load %arg15[%parallel_loop3A_191, %parallel_loop3A_192] {strides = array<i32>} : memref<128x128xf32, #tpu.memory_space<vmem>>, vector<16xf32>,
      %parallel_loop3A_194 = arith.index_cast %parallel_loop3A_176 : i32 to index
      %parallel_loop3A_195 = arith.constant 32 : index
      %parallel_loop3A_196 = tpu.vector_load %arg16[%parallel_loop3A_194, %parallel_loop3A_195] {strides = array<i32>} : memref<128x128xf32, #tpu.memory_space<vmem>>, vector<16xf32>,
      %parallel_loop3A_197 = arith.mulf %parallel_loop3A_193, %parallel_loop3A_196 : vector<16xf32>
      %parallel_loop3A_198 = arith.index_cast %parallel_loop3A_176 : i32 to index
      %parallel_loop3A_199 = arith.constant 48 : index
      %parallel_loop3A_200 = tpu.vector_load %arg15[%parallel_loop3A_198, %parallel_loop3A_199] {strides = array<i32>} : memref<128x128xf32, #tpu.memory_space<vmem>>, vector<16xf32>,
      %parallel_loop3A_201 = arith.index_cast %parallel_loop3A_176 : i32 to index
      %parallel_loop3A_202 = arith.constant 48 : index
      %parallel_loop3A_203 = tpu.vector_load %arg16[%parallel_loop3A_201, %parallel_loop3A_202] {strides = array<i32>} : memref<128x128xf32, #tpu.memory_space<vmem>>, vector<16xf32>,
      %parallel_loop3A_204 = arith.mulf %parallel_loop3A_200, %parallel_loop3A_203 : vector<16xf32>
      %parallel_loop3A_205 = arith.index_cast %parallel_loop3A_176 : i32 to index
      %parallel_loop3A_206 = arith.constant 64 : index
      %parallel_loop3A_207 = tpu.vector_load %arg15[%parallel_loop3A_205, %parallel_loop3A_206] {strides = array<i32>} : memref<128x128xf32, #tpu.memory_space<vmem>>, vector<16xf32>,
      %parallel_loop3A_208 = arith.index_cast %parallel_loop3A_176 : i32 to index
      %parallel_loop3A_209 = arith.constant 64 : index
      %parallel_loop3A_210 = tpu.vector_load %arg16[%parallel_loop3A_208, %parallel_loop3A_209] {strides = array<i32>} : memref<128x128xf32, #tpu.memory_space<vmem>>, vector<16xf32>,
      %parallel_loop3A_211 = arith.mulf %parallel_loop3A_207, %parallel_loop3A_210 : vector<16xf32>
      %parallel_loop3A_212 = arith.index_cast %parallel_loop3A_176 : i32 to index
      %parallel_loop3A_213 = arith.constant 80 : index
      %parallel_loop3A_214 = tpu.vector_load %arg15[%parallel_loop3A_212, %parallel_loop3A_213] {strides = array<i32>} : memref<128x128xf32, #tpu.memory_space<vmem>>, vector<16xf32>,
      %parallel_loop3A_215 = arith.index_cast %parallel_loop3A_176 : i32 to index
      %parallel_loop3A_216 = arith.constant 80 : index
      %parallel_loop3A_217 = tpu.vector_load %arg16[%parallel_loop3A_215, %parallel_loop3A_216] {strides = array<i32>} : memref<128x128xf32, #tpu.memory_space<vmem>>, vector<16xf32>,
      %parallel_loop3A_218 = arith.mulf %parallel_loop3A_214, %parallel_loop3A_217 : vector<16xf32>
      %parallel_loop3A_219 = arith.index_cast %parallel_loop3A_176 : i32 to index
      %parallel_loop3A_220 = arith.constant 96 : index
      %parallel_loop3A_221 = tpu.vector_load %arg15[%parallel_loop3A_219, %parallel_loop3A_220] {strides = array<i32>} : memref<128x128xf32, #tpu.memory_space<vmem>>, vector<16xf32>,
      %parallel_loop3A_222 = arith.index_cast %parallel_loop3A_176 : i32 to index
      %parallel_loop3A_223 = arith.constant 96 : index
      %parallel_loop3A_224 = tpu.vector_load %arg16[%parallel_loop3A_222, %parallel_loop3A_223] {strides = array<i32>} : memref<128x128xf32, #tpu.memory_space<vmem>>, vector<16xf32>,
      %parallel_loop3A_225 = arith.mulf %parallel_loop3A_221, %parallel_loop3A_224 : vector<16xf32>
      %parallel_loop3A_226 = arith.index_cast %parallel_loop3A_176 : i32 to index
      %parallel_loop3A_227 = arith.constant 112 : index
      %parallel_loop3A_228 = tpu.vector_load %arg15[%parallel_loop3A_226, %parallel_loop3A_227] {strides = array<i32>} : memref<128x128xf32, #tpu.memory_space<vmem>>, vector<16xf32>,
      %parallel_loop3A_229 = arith.index_cast %parallel_loop3A_176 : i32 to index
      %parallel_loop3A_230 = arith.constant 112 : index
      %parallel_loop3A_231 = tpu.vector_load %arg16[%parallel_loop3A_229, %parallel_loop3A_230] {strides = array<i32>} : memref<128x128xf32, #tpu.memory_space<vmem>>, vector<16xf32>,
      %parallel_loop3A_232 = arith.mulf %parallel_loop3A_228, %parallel_loop3A_231 : vector<16xf32>
      %parallel_loop3A_233 = arith.addf %parallel_loop3A_183, %parallel_loop3A_190 : vector<16xf32>
      %parallel_loop3A_234 = arith.addf %parallel_loop3A_197, %parallel_loop3A_204 : vector<16xf32>
      %parallel_loop3A_235 = arith.addf %parallel_loop3A_211, %parallel_loop3A_218 : vector<16xf32>
      %parallel_loop3A_236 = arith.addf %parallel_loop3A_225, %parallel_loop3A_232 : vector<16xf32>
      %parallel_loop3A_237 = arith.addf %parallel_loop3A_233, %parallel_loop3A_234 : vector<16xf32>
      %parallel_loop3A_238 = arith.addf %parallel_loop3A_235, %parallel_loop3A_236 : vector<16xf32>
      %parallel_loop3A_239 = arith.addf %parallel_loop3A_237, %parallel_loop3A_238 : vector<16xf32>
      %parallel_loop3A_240 = arith.index_cast %parallel_loop3A_176 : i32 to index
      %parallel_loop3A_241 = arith.constant 0 : index
      %parallel_loop3A_242 = tpu.vector_load %arg23[%parallel_loop3A_240, %parallel_loop3A_241] {strides = array<i32>} : memref<128x16xf32, #tpu.memory_space<vmem>>, vector<16xf32>,
      tpu.vector_store %arg23[%parallel_loop3A_240, %parallel_loop3A_241], %parallel_loop3A_239 {strides = array<i32>} : memref<128x16xf32, #tpu.memory_space<vmem>>, vector<16xf32>,
    } {sc.loop_unroll_factor = 4 : i64, sc.parallel_access}
    %parallel_loop3A_60 = arith.constant 0 : i32
    %parallel_loop3A_61 = arith.constant 8 : i32
    %parallel_loop3A_62 = arith.constant 1 : i32
    %parallel_loop3A_63 = scf.for %parallel_loop3A_176 = %parallel_loop3A_60 to %parallel_loop3A_61 step %parallel_loop3A_62 iter_args(%parallel_loop3A_177 = %broadcast_in_dim3A_22) -> (vector<16xf32>)  : i32 {
      %parallel_loop3A_178 = arith.constant 16 : i32
      %parallel_loop3A_179 = arith.muli %parallel_loop3A_176, %parallel_loop3A_178 : i32
      %parallel_loop3A_180 = vector.broadcast %parallel_loop3A_179 : i32 to vector<16xi32>
      %parallel_loop3A_181 = arith.addi %parallel_loop3A_180, %iota3A : vector<16xi32>
      %parallel_loop3A_182 = arith.constant 0 : i32
      %parallel_loop3A_183 = vector.broadcast %parallel_loop3A_182 : i32 to vector<16xi32>
      %parallel_loop3A_184 = tpu.vector_load_idx %arg23[%parallel_loop3A_181, %parallel_loop3A_183] : memref<128x16xf32, #tpu.memory_space<vmem>>[vector<16xi32>, vector<16xi32>], vector<16xf32>,
      %parallel_loop3A_185 = arith.constant 1 : i32
      %parallel_loop3A_186 = vector.broadcast %parallel_loop3A_185 : i32 to vector<16xi32>
      %parallel_loop3A_187 = tpu.vector_load_idx %arg23[%parallel_loop3A_181, %parallel_loop3A_186] : memref<128x16xf32, #tpu.memory_space<vmem>>[vector<16xi32>, vector<16xi32>], vector<16xf32>,
      %parallel_loop3A_188 = arith.addf %parallel_loop3A_184, %parallel_loop3A_187 : vector<16xf32>
      %parallel_loop3A_189 = arith.constant 2 : i32
      %parallel_loop3A_190 = vector.broadcast %parallel_loop3A_189 : i32 to vector<16xi32>
      %parallel_loop3A_191 = tpu.vector_load_idx %arg23[%parallel_loop3A_181, %parallel_loop3A_190] : memref<128x16xf32, #tpu.memory_space<vmem>>[vector<16xi32>, vector<16xi32>], vector<16xf32>,
      %parallel_loop3A_192 = arith.addf %parallel_loop3A_188, %parallel_loop3A_191 : vector<16xf32>
      %parallel_loop3A_193 = arith.constant 3 : i32
      %parallel_loop3A_194 = vector.broadcast %parallel_loop3A_193 : i32 to vector<16xi32>
      %parallel_loop3A_195 = tpu.vector_load_idx %arg23[%parallel_loop3A_181, %parallel_loop3A_194] : memref<128x16xf32, #tpu.memory_space<vmem>>[vector<16xi32>, vector<16xi32>], vector<16xf32>,
      %parallel_loop3A_196 = arith.addf %parallel_loop3A_192, %parallel_loop3A_195 : vector<16xf32>
      %parallel_loop3A_197 = arith.constant 4 : i32
      %parallel_loop3A_198 = vector.broadcast %parallel_loop3A_197 : i32 to vector<16xi32>
      %parallel_loop3A_199 = tpu.vector_load_idx %arg23[%parallel_loop3A_181, %parallel_loop3A_198] : memref<128x16xf32, #tpu.memory_space<vmem>>[vector<16xi32>, vector<16xi32>], vector<16xf32>,
      %parallel_loop3A_200 = arith.addf %parallel_loop3A_196, %parallel_loop3A_199 : vector<16xf32>
      %parallel_loop3A_201 = arith.constant 5 : i32
      %parallel_loop3A_202 = vector.broadcast %parallel_loop3A_201 : i32 to vector<16xi32>
      %parallel_loop3A_203 = tpu.vector_load_idx %arg23[%parallel_loop3A_181, %parallel_loop3A_202] : memref<128x16xf32, #tpu.memory_space<vmem>>[vector<16xi32>, vector<16xi32>], vector<16xf32>,
      %parallel_loop3A_204 = arith.addf %parallel_loop3A_200, %parallel_loop3A_203 : vector<16xf32>
      %parallel_loop3A_205 = arith.constant 6 : i32
      %parallel_loop3A_206 = vector.broadcast %parallel_loop3A_205 : i32 to vector<16xi32>
      %parallel_loop3A_207 = tpu.vector_load_idx %arg23[%parallel_loop3A_181, %parallel_loop3A_206] : memref<128x16xf32, #tpu.memory_space<vmem>>[vector<16xi32>, vector<16xi32>], vector<16xf32>,
      %parallel_loop3A_208 = arith.addf %parallel_loop3A_204, %parallel_loop3A_207 : vector<16xf32>
      %parallel_loop3A_209 = arith.constant 7 : i32
      %parallel_loop3A_210 = vector.broadcast %parallel_loop3A_209 : i32 to vector<16xi32>
      %parallel_loop3A_211 = tpu.vector_load_idx %arg23[%parallel_loop3A_181, %parallel_loop3A_210] : memref<128x16xf32, #tpu.memory_space<vmem>>[vector<16xi32>, vector<16xi32>], vector<16xf32>,
      %parallel_loop3A_212 = arith.addf %parallel_loop3A_208, %parallel_loop3A_211 : vector<16xf32>
      %parallel_loop3A_213 = arith.constant 8 : i32
      %parallel_loop3A_214 = vector.broadcast %parallel_loop3A_213 : i32 to vector<16xi32>
      %parallel_loop3A_215 = tpu.vector_load_idx %arg23[%parallel_loop3A_181, %parallel_loop3A_214] : memref<128x16xf32, #tpu.memory_space<vmem>>[vector<16xi32>, vector<16xi32>], vector<16xf32>,
      %parallel_loop3A_216 = arith.addf %parallel_loop3A_212, %parallel_loop3A_215 : vector<16xf32>
      %parallel_loop3A_217 = arith.constant 9 : i32
      %parallel_loop3A_218 = vector.broadcast %parallel_loop3A_217 : i32 to vector<16xi32>
      %parallel_loop3A_219 = tpu.vector_load_idx %arg23[%parallel_loop3A_181, %parallel_loop3A_218] : memref<128x16xf32, #tpu.memory_space<vmem>>[vector<16xi32>, vector<16xi32>], vector<16xf32>,
      %parallel_loop3A_220 = arith.addf %parallel_loop3A_216, %parallel_loop3A_219 : vector<16xf32>
      %parallel_loop3A_221 = arith.constant 10 : i32
      %parallel_loop3A_222 = vector.broadcast %parallel_loop3A_221 : i32 to vector<16xi32>
      %parallel_loop3A_223 = tpu.vector_load_idx %arg23[%parallel_loop3A_181, %parallel_loop3A_222] : memref<128x16xf32, #tpu.memory_space<vmem>>[vector<16xi32>, vector<16xi32>], vector<16xf32>,
      %parallel_loop3A_224 = arith.addf %parallel_loop3A_220, %parallel_loop3A_223 : vector<16xf32>
      %parallel_loop3A_225 = arith.constant 11 : i32
      %parallel_loop3A_226 = vector.broadcast %parallel_loop3A_225 : i32 to vector<16xi32>
      %parallel_loop3A_227 = tpu.vector_load_idx %arg23[%parallel_loop3A_181, %parallel_loop3A_226] : memref<128x16xf32, #tpu.memory_space<vmem>>[vector<16xi32>, vector<16xi32>], vector<16xf32>,
      %parallel_loop3A_228 = arith.addf %parallel_loop3A_224, %parallel_loop3A_227 : vector<16xf32>
      %parallel_loop3A_229 = arith.constant 12 : i32
      %parallel_loop3A_230 = vector.broadcast %parallel_loop3A_229 : i32 to vector<16xi32>
      %parallel_loop3A_231 = tpu.vector_load_idx %arg23[%parallel_loop3A_181, %parallel_loop3A_230] : memref<128x16xf32, #tpu.memory_space<vmem>>[vector<16xi32>, vector<16xi32>], vector<16xf32>,
      %parallel_loop3A_232 = arith.addf %parallel_loop3A_228, %parallel_loop3A_231 : vector<16xf32>
      %parallel_loop3A_233 = arith.constant 13 : i32
      %parallel_loop3A_234 = vector.broadcast %parallel_loop3A_233 : i32 to vector<16xi32>
      %parallel_loop3A_235 = tpu.vector_load_idx %arg23[%parallel_loop3A_181, %parallel_loop3A_234] : memref<128x16xf32, #tpu.memory_space<vmem>>[vector<16xi32>, vector<16xi32>], vector<16xf32>,
      %parallel_loop3A_236 = arith.addf %parallel_loop3A_232, %parallel_loop3A_235 : vector<16xf32>
      %parallel_loop3A_237 = arith.constant 14 : i32
      %parallel_loop3A_238 = vector.broadcast %parallel_loop3A_237 : i32 to vector<16xi32>
      %parallel_loop3A_239 = tpu.vector_load_idx %arg23[%parallel_loop3A_181, %parallel_loop3A_238] : memref<128x16xf32, #tpu.memory_space<vmem>>[vector<16xi32>, vector<16xi32>], vector<16xf32>,
      %parallel_loop3A_240 = arith.addf %parallel_loop3A_236, %parallel_loop3A_239 : vector<16xf32>
      %parallel_loop3A_241 = arith.constant 15 : i32
      %parallel_loop3A_242 = vector.broadcast %parallel_loop3A_241 : i32 to vector<16xi32>
      %parallel_loop3A_243 = tpu.vector_load_idx %arg23[%parallel_loop3A_181, %parallel_loop3A_242] : memref<128x16xf32, #tpu.memory_space<vmem>>[vector<16xi32>, vector<16xi32>], vector<16xf32>,
      %parallel_loop3A_244 = arith.addf %parallel_loop3A_240, %parallel_loop3A_243 : vector<16xf32>
      %parallel_loop3A_245 = arith.constant 16 : i32
      %parallel_loop3A_246 = arith.muli %parallel_loop3A_176, %parallel_loop3A_245 : i32
      %parallel_loop3A_247 = arith.index_cast %parallel_loop3A_246 : i32 to index
      %parallel_loop3A_248 = tpu.vector_load %arg17[%parallel_loop3A_247] {strides = array<i32>} : memref<128xf32, #tpu.memory_space<vmem>>, vector<16xf32>,
      %parallel_loop3A_249 = arith.constant 16 : i32
      %parallel_loop3A_250 = arith.muli %parallel_loop3A_176, %parallel_loop3A_249 : i32
      %parallel_loop3A_251 = arith.index_cast %parallel_loop3A_250 : i32 to index
      %parallel_loop3A_252 = tpu.vector_load %arg18[%parallel_loop3A_251] {strides = array<i32>} : memref<128xf32, #tpu.memory_space<vmem>>, vector<16xf32>,
      %parallel_loop3A_253 = arith.constant 16 : i32
      %parallel_loop3A_254 = arith.muli %parallel_loop3A_176, %parallel_loop3A_253 : i32
      %parallel_loop3A_255 = arith.constant 0 : i32
      %parallel_loop3A_256 = arith.addi %parallel_loop3A_255, %parallel_loop3A_254 : i32
      %parallel_loop3A_257 = arith.index_cast %parallel_loop3A_256 : i32 to index
      %parallel_loop3A_258 = tpu.vector_load %arg13[%parallel_loop3A_257] {strides = array<i32>} : memref<512xf32, #tpu.memory_space<vmem>>, vector<16xf32>,
      %parallel_loop3A_259 = arith.constant 16 : i32
      %parallel_loop3A_260 = arith.muli %parallel_loop3A_176, %parallel_loop3A_259 : i32
      %parallel_loop3A_261 = arith.constant 0 : i32
      %parallel_loop3A_262 = arith.addi %parallel_loop3A_261, %parallel_loop3A_260 : i32
      %parallel_loop3A_263 = arith.index_cast %parallel_loop3A_262 : i32 to index
      %parallel_loop3A_264 = tpu.vector_load %arg14[%parallel_loop3A_263] {strides = array<i32>} : memref<512xf32, #tpu.memory_space<vmem>>, vector<16xf32>,
      %parallel_loop3A_265 = arith.addf %parallel_loop3A_244, %parallel_loop3A_248 : vector<16xf32>
      %parallel_loop3A_266 = arith.addf %parallel_loop3A_265, %parallel_loop3A_252 : vector<16xf32>
      %parallel_loop3A_267 = arith.subf %parallel_loop3A_266, %parallel_loop3A_258 : vector<16xf32>
      %parallel_loop3A_268 = arith.mulf %parallel_loop3A_264, %parallel_loop3A_267 : vector<16xf32>
      %parallel_loop3A_269 = arith.mulf %parallel_loop3A_268, %parallel_loop3A_267 : vector<16xf32>
      %parallel_loop3A_270 = arith.addf %parallel_loop3A_177, %parallel_loop3A_269 : vector<16xf32>
      scf.yield %parallel_loop3A_270 : vector<16xf32>
    } {sc.loop_unroll_factor = 2 : i64, sc.parallel_access}
    %dma_wait3A_64 = arith.constant 128 : i32
    %dma_wait3A_65 = tpu.memref_slice %arg11[%dma_wait3A_64] : memref<512xi32, #tpu.memory_space<vmem>> -> memref<128xi32, #tpu.memory_space<vmem>>
    %dma_wait3A_66 = arith.constant 0 : i32
    %dma_wait3A_67 = arith.constant 0 : i32
    %dma_wait3A_68 = tpu.memref_slice %arg6[%dma_wait3A_66, %dma_wait3A_67] : memref<100000x128xf32, #tpu.memory_space<hbm>> -> memref<100000x128xf32, #tpu.memory_space<hbm>>
    tpu.wait_indirect_dma semaphore(%arg26 : memref<!tpu.dma_semaphore, #tpu.memory_space<semaphore_mem>>) src(%dma_wait3A_68 : memref<100000x128xf32, #tpu.memory_space<hbm>>) dst(%arg19 : memref<128x128xf32, #tpu.memory_space<vmem>>)
    %dma_wait3A_69 = arith.constant 128 : i32
    %dma_wait3A_70 = tpu.memref_slice %arg12[%dma_wait3A_69] : memref<512xi32, #tpu.memory_space<vmem>> -> memref<128xi32, #tpu.memory_space<vmem>>
    %dma_wait3A_71 = arith.constant 0 : i32
    %dma_wait3A_72 = arith.constant 0 : i32
    %dma_wait3A_73 = tpu.memref_slice %arg7[%dma_wait3A_71, %dma_wait3A_72] : memref<100000x128xf32, #tpu.memory_space<hbm>> -> memref<100000x128xf32, #tpu.memory_space<hbm>>
    tpu.wait_indirect_dma semaphore(%arg26 : memref<!tpu.dma_semaphore, #tpu.memory_space<semaphore_mem>>) src(%dma_wait3A_73 : memref<100000x128xf32, #tpu.memory_space<hbm>>) dst(%arg20 : memref<128x128xf32, #tpu.memory_space<vmem>>)
    %dma_wait3A_74 = arith.constant 128 : i32
    %dma_wait3A_75 = tpu.memref_slice %arg11[%dma_wait3A_74] : memref<512xi32, #tpu.memory_space<vmem>> -> memref<128xi32, #tpu.memory_space<vmem>>
    %dma_wait3A_76 = arith.constant 0 : i32
    %dma_wait3A_77 = tpu.memref_slice %arg8[%dma_wait3A_76] : memref<100000xf32, #tpu.memory_space<hbm>> -> memref<100000xf32, #tpu.memory_space<hbm>>
    tpu.wait_indirect_dma semaphore(%arg26 : memref<!tpu.dma_semaphore, #tpu.memory_space<semaphore_mem>>) src(%dma_wait3A_77 : memref<100000xf32, #tpu.memory_space<hbm>>) dst(%arg21 : memref<128xf32, #tpu.memory_space<vmem>>)
    %dma_wait3A_78 = arith.constant 128 : i32
    %dma_wait3A_79 = tpu.memref_slice %arg12[%dma_wait3A_78] : memref<512xi32, #tpu.memory_space<vmem>> -> memref<128xi32, #tpu.memory_space<vmem>>
    %dma_wait3A_80 = arith.constant 0 : i32
    %dma_wait3A_81 = tpu.memref_slice %arg9[%dma_wait3A_80] : memref<100000xf32, #tpu.memory_space<hbm>> -> memref<100000xf32, #tpu.memory_space<hbm>>
    tpu.wait_indirect_dma semaphore(%arg26 : memref<!tpu.dma_semaphore, #tpu.memory_space<semaphore_mem>>) src(%dma_wait3A_81 : memref<100000xf32, #tpu.memory_space<hbm>>) dst(%arg22 : memref<128xf32, #tpu.memory_space<vmem>>)
    %dma_start3A_82 = arith.constant 256 : i32
    %dma_start3A_83 = tpu.memref_slice %arg11[%dma_start3A_82] : memref<512xi32, #tpu.memory_space<vmem>> -> memref<128xi32, #tpu.memory_space<vmem>>
    %dma_start3A_84 = arith.constant 0 : i32
    %dma_start3A_85 = arith.constant 0 : i32
    %dma_start3A_86 = tpu.memref_slice %arg6[%dma_start3A_84, %dma_start3A_85] : memref<100000x128xf32, #tpu.memory_space<hbm>> -> memref<100000x128xf32, #tpu.memory_space<hbm>>
    tpu.enqueue_indirect_dma source(%dma_start3A_86 : memref<100000x128xf32, #tpu.memory_space<hbm>>) target(%arg15 : memref<128x128xf32, #tpu.memory_space<vmem>>) offsets(%dma_start3A_83 : memref<128xi32, #tpu.memory_space<vmem>>) semaphore(%arg25 : memref<!tpu.dma_semaphore, #tpu.memory_space<semaphore_mem>>)
    %dma_start3A_87 = arith.constant 256 : i32
    %dma_start3A_88 = tpu.memref_slice %arg12[%dma_start3A_87] : memref<512xi32, #tpu.memory_space<vmem>> -> memref<128xi32, #tpu.memory_space<vmem>>
    %dma_start3A_89 = arith.constant 0 : i32
    %dma_start3A_90 = arith.constant 0 : i32
    %dma_start3A_91 = tpu.memref_slice %arg7[%dma_start3A_89, %dma_start3A_90] : memref<100000x128xf32, #tpu.memory_space<hbm>> -> memref<100000x128xf32, #tpu.memory_space<hbm>>
    tpu.enqueue_indirect_dma source(%dma_start3A_91 : memref<100000x128xf32, #tpu.memory_space<hbm>>) target(%arg16 : memref<128x128xf32, #tpu.memory_space<vmem>>) offsets(%dma_start3A_88 : memref<128xi32, #tpu.memory_space<vmem>>) semaphore(%arg25 : memref<!tpu.dma_semaphore, #tpu.memory_space<semaphore_mem>>)
    %dma_start3A_92 = arith.constant 256 : i32
    %dma_start3A_93 = tpu.memref_slice %arg11[%dma_start3A_92] : memref<512xi32, #tpu.memory_space<vmem>> -> memref<128xi32, #tpu.memory_space<vmem>>
    %dma_start3A_94 = arith.constant 0 : i32
    %dma_start3A_95 = tpu.memref_slice %arg8[%dma_start3A_94] : memref<100000xf32, #tpu.memory_space<hbm>> -> memref<100000xf32, #tpu.memory_space<hbm>>
    tpu.enqueue_indirect_dma source(%dma_start3A_95 : memref<100000xf32, #tpu.memory_space<hbm>>) target(%arg17 : memref<128xf32, #tpu.memory_space<vmem>>) offsets(%dma_start3A_93 : memref<128xi32, #tpu.memory_space<vmem>>) semaphore(%arg25 : memref<!tpu.dma_semaphore, #tpu.memory_space<semaphore_mem>>)
    %dma_start3A_96 = arith.constant 256 : i32
    %dma_start3A_97 = tpu.memref_slice %arg12[%dma_start3A_96] : memref<512xi32, #tpu.memory_space<vmem>> -> memref<128xi32, #tpu.memory_space<vmem>>
    %dma_start3A_98 = arith.constant 0 : i32
    %dma_start3A_99 = tpu.memref_slice %arg9[%dma_start3A_98] : memref<100000xf32, #tpu.memory_space<hbm>> -> memref<100000xf32, #tpu.memory_space<hbm>>
    tpu.enqueue_indirect_dma source(%dma_start3A_99 : memref<100000xf32, #tpu.memory_space<hbm>>) target(%arg18 : memref<128xf32, #tpu.memory_space<vmem>>) offsets(%dma_start3A_97 : memref<128xi32, #tpu.memory_space<vmem>>) semaphore(%arg25 : memref<!tpu.dma_semaphore, #tpu.memory_space<semaphore_mem>>)
    %parallel_loop3A_100 = arith.constant 0 : i32
    %parallel_loop3A_101 = arith.constant 128 : i32
    %parallel_loop3A_102 = arith.constant 1 : i32
    scf.for %parallel_loop3A_176 = %parallel_loop3A_100 to %parallel_loop3A_101 step %parallel_loop3A_102  : i32 {
      %parallel_loop3A_177 = arith.index_cast %parallel_loop3A_176 : i32 to index
      %parallel_loop3A_178 = arith.constant 0 : index
      %parallel_loop3A_179 = tpu.vector_load %arg19[%parallel_loop3A_177, %parallel_loop3A_178] {strides = array<i32>} : memref<128x128xf32, #tpu.memory_space<vmem>>, vector<16xf32>,
      %parallel_loop3A_180 = arith.index_cast %parallel_loop3A_176 : i32 to index
      %parallel_loop3A_181 = arith.constant 0 : index
      %parallel_loop3A_182 = tpu.vector_load %arg20[%parallel_loop3A_180, %parallel_loop3A_181] {strides = array<i32>} : memref<128x128xf32, #tpu.memory_space<vmem>>, vector<16xf32>,
      %parallel_loop3A_183 = arith.mulf %parallel_loop3A_179, %parallel_loop3A_182 : vector<16xf32>
      %parallel_loop3A_184 = arith.index_cast %parallel_loop3A_176 : i32 to index
      %parallel_loop3A_185 = arith.constant 16 : index
      %parallel_loop3A_186 = tpu.vector_load %arg19[%parallel_loop3A_184, %parallel_loop3A_185] {strides = array<i32>} : memref<128x128xf32, #tpu.memory_space<vmem>>, vector<16xf32>,
      %parallel_loop3A_187 = arith.index_cast %parallel_loop3A_176 : i32 to index
      %parallel_loop3A_188 = arith.constant 16 : index
      %parallel_loop3A_189 = tpu.vector_load %arg20[%parallel_loop3A_187, %parallel_loop3A_188] {strides = array<i32>} : memref<128x128xf32, #tpu.memory_space<vmem>>, vector<16xf32>,
      %parallel_loop3A_190 = arith.mulf %parallel_loop3A_186, %parallel_loop3A_189 : vector<16xf32>
      %parallel_loop3A_191 = arith.index_cast %parallel_loop3A_176 : i32 to index
      %parallel_loop3A_192 = arith.constant 32 : index
      %parallel_loop3A_193 = tpu.vector_load %arg19[%parallel_loop3A_191, %parallel_loop3A_192] {strides = array<i32>} : memref<128x128xf32, #tpu.memory_space<vmem>>, vector<16xf32>,
      %parallel_loop3A_194 = arith.index_cast %parallel_loop3A_176 : i32 to index
      %parallel_loop3A_195 = arith.constant 32 : index
      %parallel_loop3A_196 = tpu.vector_load %arg20[%parallel_loop3A_194, %parallel_loop3A_195] {strides = array<i32>} : memref<128x128xf32, #tpu.memory_space<vmem>>, vector<16xf32>,
      %parallel_loop3A_197 = arith.mulf %parallel_loop3A_193, %parallel_loop3A_196 : vector<16xf32>
      %parallel_loop3A_198 = arith.index_cast %parallel_loop3A_176 : i32 to index
      %parallel_loop3A_199 = arith.constant 48 : index
      %parallel_loop3A_200 = tpu.vector_load %arg19[%parallel_loop3A_198, %parallel_loop3A_199] {strides = array<i32>} : memref<128x128xf32, #tpu.memory_space<vmem>>, vector<16xf32>,
      %parallel_loop3A_201 = arith.index_cast %parallel_loop3A_176 : i32 to index
      %parallel_loop3A_202 = arith.constant 48 : index
      %parallel_loop3A_203 = tpu.vector_load %arg20[%parallel_loop3A_201, %parallel_loop3A_202] {strides = array<i32>} : memref<128x128xf32, #tpu.memory_space<vmem>>, vector<16xf32>,
      %parallel_loop3A_204 = arith.mulf %parallel_loop3A_200, %parallel_loop3A_203 : vector<16xf32>
      %parallel_loop3A_205 = arith.index_cast %parallel_loop3A_176 : i32 to index
      %parallel_loop3A_206 = arith.constant 64 : index
      %parallel_loop3A_207 = tpu.vector_load %arg19[%parallel_loop3A_205, %parallel_loop3A_206] {strides = array<i32>} : memref<128x128xf32, #tpu.memory_space<vmem>>, vector<16xf32>,
      %parallel_loop3A_208 = arith.index_cast %parallel_loop3A_176 : i32 to index
      %parallel_loop3A_209 = arith.constant 64 : index
      %parallel_loop3A_210 = tpu.vector_load %arg20[%parallel_loop3A_208, %parallel_loop3A_209] {strides = array<i32>} : memref<128x128xf32, #tpu.memory_space<vmem>>, vector<16xf32>,
      %parallel_loop3A_211 = arith.mulf %parallel_loop3A_207, %parallel_loop3A_210 : vector<16xf32>
      %parallel_loop3A_212 = arith.index_cast %parallel_loop3A_176 : i32 to index
      %parallel_loop3A_213 = arith.constant 80 : index
      %parallel_loop3A_214 = tpu.vector_load %arg19[%parallel_loop3A_212, %parallel_loop3A_213] {strides = array<i32>} : memref<128x128xf32, #tpu.memory_space<vmem>>, vector<16xf32>,
      %parallel_loop3A_215 = arith.index_cast %parallel_loop3A_176 : i32 to index
      %parallel_loop3A_216 = arith.constant 80 : index
      %parallel_loop3A_217 = tpu.vector_load %arg20[%parallel_loop3A_215, %parallel_loop3A_216] {strides = array<i32>} : memref<128x128xf32, #tpu.memory_space<vmem>>, vector<16xf32>,
      %parallel_loop3A_218 = arith.mulf %parallel_loop3A_214, %parallel_loop3A_217 : vector<16xf32>
      %parallel_loop3A_219 = arith.index_cast %parallel_loop3A_176 : i32 to index
      %parallel_loop3A_220 = arith.constant 96 : index
      %parallel_loop3A_221 = tpu.vector_load %arg19[%parallel_loop3A_219, %parallel_loop3A_220] {strides = array<i32>} : memref<128x128xf32, #tpu.memory_space<vmem>>, vector<16xf32>,
      %parallel_loop3A_222 = arith.index_cast %parallel_loop3A_176 : i32 to index
      %parallel_loop3A_223 = arith.constant 96 : index
      %parallel_loop3A_224 = tpu.vector_load %arg20[%parallel_loop3A_222, %parallel_loop3A_223] {strides = array<i32>} : memref<128x128xf32, #tpu.memory_space<vmem>>, vector<16xf32>,
      %parallel_loop3A_225 = arith.mulf %parallel_loop3A_221, %parallel_loop3A_224 : vector<16xf32>
      %parallel_loop3A_226 = arith.index_cast %parallel_loop3A_176 : i32 to index
      %parallel_loop3A_227 = arith.constant 112 : index
      %parallel_loop3A_228 = tpu.vector_load %arg19[%parallel_loop3A_226, %parallel_loop3A_227] {strides = array<i32>} : memref<128x128xf32, #tpu.memory_space<vmem>>, vector<16xf32>,
      %parallel_loop3A_229 = arith.index_cast %parallel_loop3A_176 : i32 to index
      %parallel_loop3A_230 = arith.constant 112 : index
      %parallel_loop3A_231 = tpu.vector_load %arg20[%parallel_loop3A_229, %parallel_loop3A_230] {strides = array<i32>} : memref<128x128xf32, #tpu.memory_space<vmem>>, vector<16xf32>,
      %parallel_loop3A_232 = arith.mulf %parallel_loop3A_228, %parallel_loop3A_231 : vector<16xf32>
      %parallel_loop3A_233 = arith.addf %parallel_loop3A_183, %parallel_loop3A_190 : vector<16xf32>
      %parallel_loop3A_234 = arith.addf %parallel_loop3A_197, %parallel_loop3A_204 : vector<16xf32>
      %parallel_loop3A_235 = arith.addf %parallel_loop3A_211, %parallel_loop3A_218 : vector<16xf32>
      %parallel_loop3A_236 = arith.addf %parallel_loop3A_225, %parallel_loop3A_232 : vector<16xf32>
      %parallel_loop3A_237 = arith.addf %parallel_loop3A_233, %parallel_loop3A_234 : vector<16xf32>
      %parallel_loop3A_238 = arith.addf %parallel_loop3A_235, %parallel_loop3A_236 : vector<16xf32>
      %parallel_loop3A_239 = arith.addf %parallel_loop3A_237, %parallel_loop3A_238 : vector<16xf32>
      %parallel_loop3A_240 = arith.index_cast %parallel_loop3A_176 : i32 to index
      %parallel_loop3A_241 = arith.constant 0 : index
      %parallel_loop3A_242 = tpu.vector_load %arg23[%parallel_loop3A_240, %parallel_loop3A_241] {strides = array<i32>} : memref<128x16xf32, #tpu.memory_space<vmem>>, vector<16xf32>,
      tpu.vector_store %arg23[%parallel_loop3A_240, %parallel_loop3A_241], %parallel_loop3A_239 {strides = array<i32>} : memref<128x16xf32, #tpu.memory_space<vmem>>, vector<16xf32>,
    } {sc.loop_unroll_factor = 4 : i64, sc.parallel_access}
    %parallel_loop3A_103 = arith.constant 0 : i32
    %parallel_loop3A_104 = arith.constant 8 : i32
    %parallel_loop3A_105 = arith.constant 1 : i32
    %parallel_loop3A_106 = scf.for %parallel_loop3A_176 = %parallel_loop3A_103 to %parallel_loop3A_104 step %parallel_loop3A_105 iter_args(%parallel_loop3A_177 = %parallel_loop3A_63) -> (vector<16xf32>)  : i32 {
      %parallel_loop3A_178 = arith.constant 16 : i32
      %parallel_loop3A_179 = arith.muli %parallel_loop3A_176, %parallel_loop3A_178 : i32
      %parallel_loop3A_180 = vector.broadcast %parallel_loop3A_179 : i32 to vector<16xi32>
      %parallel_loop3A_181 = arith.addi %parallel_loop3A_180, %iota3A : vector<16xi32>
      %parallel_loop3A_182 = arith.constant 0 : i32
      %parallel_loop3A_183 = vector.broadcast %parallel_loop3A_182 : i32 to vector<16xi32>
      %parallel_loop3A_184 = tpu.vector_load_idx %arg23[%parallel_loop3A_181, %parallel_loop3A_183] : memref<128x16xf32, #tpu.memory_space<vmem>>[vector<16xi32>, vector<16xi32>], vector<16xf32>,
      %parallel_loop3A_185 = arith.constant 1 : i32
      %parallel_loop3A_186 = vector.broadcast %parallel_loop3A_185 : i32 to vector<16xi32>
      %parallel_loop3A_187 = tpu.vector_load_idx %arg23[%parallel_loop3A_181, %parallel_loop3A_186] : memref<128x16xf32, #tpu.memory_space<vmem>>[vector<16xi32>, vector<16xi32>], vector<16xf32>,
      %parallel_loop3A_188 = arith.addf %parallel_loop3A_184, %parallel_loop3A_187 : vector<16xf32>
      %parallel_loop3A_189 = arith.constant 2 : i32
      %parallel_loop3A_190 = vector.broadcast %parallel_loop3A_189 : i32 to vector<16xi32>
      %parallel_loop3A_191 = tpu.vector_load_idx %arg23[%parallel_loop3A_181, %parallel_loop3A_190] : memref<128x16xf32, #tpu.memory_space<vmem>>[vector<16xi32>, vector<16xi32>], vector<16xf32>,
      %parallel_loop3A_192 = arith.addf %parallel_loop3A_188, %parallel_loop3A_191 : vector<16xf32>
      %parallel_loop3A_193 = arith.constant 3 : i32
      %parallel_loop3A_194 = vector.broadcast %parallel_loop3A_193 : i32 to vector<16xi32>
      %parallel_loop3A_195 = tpu.vector_load_idx %arg23[%parallel_loop3A_181, %parallel_loop3A_194] : memref<128x16xf32, #tpu.memory_space<vmem>>[vector<16xi32>, vector<16xi32>], vector<16xf32>,
      %parallel_loop3A_196 = arith.addf %parallel_loop3A_192, %parallel_loop3A_195 : vector<16xf32>
      %parallel_loop3A_197 = arith.constant 4 : i32
      %parallel_loop3A_198 = vector.broadcast %parallel_loop3A_197 : i32 to vector<16xi32>
      %parallel_loop3A_199 = tpu.vector_load_idx %arg23[%parallel_loop3A_181, %parallel_loop3A_198] : memref<128x16xf32, #tpu.memory_space<vmem>>[vector<16xi32>, vector<16xi32>], vector<16xf32>,
      %parallel_loop3A_200 = arith.addf %parallel_loop3A_196, %parallel_loop3A_199 : vector<16xf32>
      %parallel_loop3A_201 = arith.constant 5 : i32
      %parallel_loop3A_202 = vector.broadcast %parallel_loop3A_201 : i32 to vector<16xi32>
      %parallel_loop3A_203 = tpu.vector_load_idx %arg23[%parallel_loop3A_181, %parallel_loop3A_202] : memref<128x16xf32, #tpu.memory_space<vmem>>[vector<16xi32>, vector<16xi32>], vector<16xf32>,
      %parallel_loop3A_204 = arith.addf %parallel_loop3A_200, %parallel_loop3A_203 : vector<16xf32>
      %parallel_loop3A_205 = arith.constant 6 : i32
      %parallel_loop3A_206 = vector.broadcast %parallel_loop3A_205 : i32 to vector<16xi32>
      %parallel_loop3A_207 = tpu.vector_load_idx %arg23[%parallel_loop3A_181, %parallel_loop3A_206] : memref<128x16xf32, #tpu.memory_space<vmem>>[vector<16xi32>, vector<16xi32>], vector<16xf32>,
      %parallel_loop3A_208 = arith.addf %parallel_loop3A_204, %parallel_loop3A_207 : vector<16xf32>
      %parallel_loop3A_209 = arith.constant 7 : i32
      %parallel_loop3A_210 = vector.broadcast %parallel_loop3A_209 : i32 to vector<16xi32>
      %parallel_loop3A_211 = tpu.vector_load_idx %arg23[%parallel_loop3A_181, %parallel_loop3A_210] : memref<128x16xf32, #tpu.memory_space<vmem>>[vector<16xi32>, vector<16xi32>], vector<16xf32>,
      %parallel_loop3A_212 = arith.addf %parallel_loop3A_208, %parallel_loop3A_211 : vector<16xf32>
      %parallel_loop3A_213 = arith.constant 8 : i32
      %parallel_loop3A_214 = vector.broadcast %parallel_loop3A_213 : i32 to vector<16xi32>
      %parallel_loop3A_215 = tpu.vector_load_idx %arg23[%parallel_loop3A_181, %parallel_loop3A_214] : memref<128x16xf32, #tpu.memory_space<vmem>>[vector<16xi32>, vector<16xi32>], vector<16xf32>,
      %parallel_loop3A_216 = arith.addf %parallel_loop3A_212, %parallel_loop3A_215 : vector<16xf32>
      %parallel_loop3A_217 = arith.constant 9 : i32
      %parallel_loop3A_218 = vector.broadcast %parallel_loop3A_217 : i32 to vector<16xi32>
      %parallel_loop3A_219 = tpu.vector_load_idx %arg23[%parallel_loop3A_181, %parallel_loop3A_218] : memref<128x16xf32, #tpu.memory_space<vmem>>[vector<16xi32>, vector<16xi32>], vector<16xf32>,
      %parallel_loop3A_220 = arith.addf %parallel_loop3A_216, %parallel_loop3A_219 : vector<16xf32>
      %parallel_loop3A_221 = arith.constant 10 : i32
      %parallel_loop3A_222 = vector.broadcast %parallel_loop3A_221 : i32 to vector<16xi32>
      %parallel_loop3A_223 = tpu.vector_load_idx %arg23[%parallel_loop3A_181, %parallel_loop3A_222] : memref<128x16xf32, #tpu.memory_space<vmem>>[vector<16xi32>, vector<16xi32>], vector<16xf32>,
      %parallel_loop3A_224 = arith.addf %parallel_loop3A_220, %parallel_loop3A_223 : vector<16xf32>
      %parallel_loop3A_225 = arith.constant 11 : i32
      %parallel_loop3A_226 = vector.broadcast %parallel_loop3A_225 : i32 to vector<16xi32>
      %parallel_loop3A_227 = tpu.vector_load_idx %arg23[%parallel_loop3A_181, %parallel_loop3A_226] : memref<128x16xf32, #tpu.memory_space<vmem>>[vector<16xi32>, vector<16xi32>], vector<16xf32>,
      %parallel_loop3A_228 = arith.addf %parallel_loop3A_224, %parallel_loop3A_227 : vector<16xf32>
      %parallel_loop3A_229 = arith.constant 12 : i32
      %parallel_loop3A_230 = vector.broadcast %parallel_loop3A_229 : i32 to vector<16xi32>
      %parallel_loop3A_231 = tpu.vector_load_idx %arg23[%parallel_loop3A_181, %parallel_loop3A_230] : memref<128x16xf32, #tpu.memory_space<vmem>>[vector<16xi32>, vector<16xi32>], vector<16xf32>,
      %parallel_loop3A_232 = arith.addf %parallel_loop3A_228, %parallel_loop3A_231 : vector<16xf32>
      %parallel_loop3A_233 = arith.constant 13 : i32
      %parallel_loop3A_234 = vector.broadcast %parallel_loop3A_233 : i32 to vector<16xi32>
      %parallel_loop3A_235 = tpu.vector_load_idx %arg23[%parallel_loop3A_181, %parallel_loop3A_234] : memref<128x16xf32, #tpu.memory_space<vmem>>[vector<16xi32>, vector<16xi32>], vector<16xf32>,
      %parallel_loop3A_236 = arith.addf %parallel_loop3A_232, %parallel_loop3A_235 : vector<16xf32>
      %parallel_loop3A_237 = arith.constant 14 : i32
      %parallel_loop3A_238 = vector.broadcast %parallel_loop3A_237 : i32 to vector<16xi32>
      %parallel_loop3A_239 = tpu.vector_load_idx %arg23[%parallel_loop3A_181, %parallel_loop3A_238] : memref<128x16xf32, #tpu.memory_space<vmem>>[vector<16xi32>, vector<16xi32>], vector<16xf32>,
      %parallel_loop3A_240 = arith.addf %parallel_loop3A_236, %parallel_loop3A_239 : vector<16xf32>
      %parallel_loop3A_241 = arith.constant 15 : i32
      %parallel_loop3A_242 = vector.broadcast %parallel_loop3A_241 : i32 to vector<16xi32>
      %parallel_loop3A_243 = tpu.vector_load_idx %arg23[%parallel_loop3A_181, %parallel_loop3A_242] : memref<128x16xf32, #tpu.memory_space<vmem>>[vector<16xi32>, vector<16xi32>], vector<16xf32>,
      %parallel_loop3A_244 = arith.addf %parallel_loop3A_240, %parallel_loop3A_243 : vector<16xf32>
      %parallel_loop3A_245 = arith.constant 16 : i32
      %parallel_loop3A_246 = arith.muli %parallel_loop3A_176, %parallel_loop3A_245 : i32
      %parallel_loop3A_247 = arith.index_cast %parallel_loop3A_246 : i32 to index
      %parallel_loop3A_248 = tpu.vector_load %arg21[%parallel_loop3A_247] {strides = array<i32>} : memref<128xf32, #tpu.memory_space<vmem>>, vector<16xf32>,
      %parallel_loop3A_249 = arith.constant 16 : i32
      %parallel_loop3A_250 = arith.muli %parallel_loop3A_176, %parallel_loop3A_249 : i32
      %parallel_loop3A_251 = arith.index_cast %parallel_loop3A_250 : i32 to index
      %parallel_loop3A_252 = tpu.vector_load %arg22[%parallel_loop3A_251] {strides = array<i32>} : memref<128xf32, #tpu.memory_space<vmem>>, vector<16xf32>,
      %parallel_loop3A_253 = arith.constant 16 : i32
      %parallel_loop3A_254 = arith.muli %parallel_loop3A_176, %parallel_loop3A_253 : i32
      %parallel_loop3A_255 = arith.constant 128 : i32
      %parallel_loop3A_256 = arith.addi %parallel_loop3A_255, %parallel_loop3A_254 : i32
      %parallel_loop3A_257 = arith.index_cast %parallel_loop3A_256 : i32 to index
      %parallel_loop3A_258 = tpu.vector_load %arg13[%parallel_loop3A_257] {strides = array<i32>} : memref<512xf32, #tpu.memory_space<vmem>>, vector<16xf32>,
      %parallel_loop3A_259 = arith.constant 16 : i32
      %parallel_loop3A_260 = arith.muli %parallel_loop3A_176, %parallel_loop3A_259 : i32
      %parallel_loop3A_261 = arith.constant 128 : i32
      %parallel_loop3A_262 = arith.addi %parallel_loop3A_261, %parallel_loop3A_260 : i32
      %parallel_loop3A_263 = arith.index_cast %parallel_loop3A_262 : i32 to index
      %parallel_loop3A_264 = tpu.vector_load %arg14[%parallel_loop3A_263] {strides = array<i32>} : memref<512xf32, #tpu.memory_space<vmem>>, vector<16xf32>,
      %parallel_loop3A_265 = arith.addf %parallel_loop3A_244, %parallel_loop3A_248 : vector<16xf32>
      %parallel_loop3A_266 = arith.addf %parallel_loop3A_265, %parallel_loop3A_252 : vector<16xf32>
      %parallel_loop3A_267 = arith.subf %parallel_loop3A_266, %parallel_loop3A_258 : vector<16xf32>
      %parallel_loop3A_268 = arith.mulf %parallel_loop3A_264, %parallel_loop3A_267 : vector<16xf32>
      %parallel_loop3A_269 = arith.mulf %parallel_loop3A_268, %parallel_loop3A_267 : vector<16xf32>
      %parallel_loop3A_270 = arith.addf %parallel_loop3A_177, %parallel_loop3A_269 : vector<16xf32>
      scf.yield %parallel_loop3A_270 : vector<16xf32>
    } {sc.loop_unroll_factor = 2 : i64, sc.parallel_access}
    %dma_wait3A_107 = arith.constant 256 : i32
    %dma_wait3A_108 = tpu.memref_slice %arg11[%dma_wait3A_107] : memref<512xi32, #tpu.memory_space<vmem>> -> memref<128xi32, #tpu.memory_space<vmem>>
    %dma_wait3A_109 = arith.constant 0 : i32
    %dma_wait3A_110 = arith.constant 0 : i32
    %dma_wait3A_111 = tpu.memref_slice %arg6[%dma_wait3A_109, %dma_wait3A_110] : memref<100000x128xf32, #tpu.memory_space<hbm>> -> memref<100000x128xf32, #tpu.memory_space<hbm>>
    tpu.wait_indirect_dma semaphore(%arg25 : memref<!tpu.dma_semaphore, #tpu.memory_space<semaphore_mem>>) src(%dma_wait3A_111 : memref<100000x128xf32, #tpu.memory_space<hbm>>) dst(%arg15 : memref<128x128xf32, #tpu.memory_space<vmem>>)
    %dma_wait3A_112 = arith.constant 256 : i32
    %dma_wait3A_113 = tpu.memref_slice %arg12[%dma_wait3A_112] : memref<512xi32, #tpu.memory_space<vmem>> -> memref<128xi32, #tpu.memory_space<vmem>>
    %dma_wait3A_114 = arith.constant 0 : i32
    %dma_wait3A_115 = arith.constant 0 : i32
    %dma_wait3A_116 = tpu.memref_slice %arg7[%dma_wait3A_114, %dma_wait3A_115] : memref<100000x128xf32, #tpu.memory_space<hbm>> -> memref<100000x128xf32, #tpu.memory_space<hbm>>
    tpu.wait_indirect_dma semaphore(%arg25 : memref<!tpu.dma_semaphore, #tpu.memory_space<semaphore_mem>>) src(%dma_wait3A_116 : memref<100000x128xf32, #tpu.memory_space<hbm>>) dst(%arg16 : memref<128x128xf32, #tpu.memory_space<vmem>>)
    %dma_wait3A_117 = arith.constant 256 : i32
    %dma_wait3A_118 = tpu.memref_slice %arg11[%dma_wait3A_117] : memref<512xi32, #tpu.memory_space<vmem>> -> memref<128xi32, #tpu.memory_space<vmem>>
    %dma_wait3A_119 = arith.constant 0 : i32
    %dma_wait3A_120 = tpu.memref_slice %arg8[%dma_wait3A_119] : memref<100000xf32, #tpu.memory_space<hbm>> -> memref<100000xf32, #tpu.memory_space<hbm>>
    tpu.wait_indirect_dma semaphore(%arg25 : memref<!tpu.dma_semaphore, #tpu.memory_space<semaphore_mem>>) src(%dma_wait3A_120 : memref<100000xf32, #tpu.memory_space<hbm>>) dst(%arg17 : memref<128xf32, #tpu.memory_space<vmem>>)
    %dma_wait3A_121 = arith.constant 256 : i32
    %dma_wait3A_122 = tpu.memref_slice %arg12[%dma_wait3A_121] : memref<512xi32, #tpu.memory_space<vmem>> -> memref<128xi32, #tpu.memory_space<vmem>>
    %dma_wait3A_123 = arith.constant 0 : i32
    %dma_wait3A_124 = tpu.memref_slice %arg9[%dma_wait3A_123] : memref<100000xf32, #tpu.memory_space<hbm>> -> memref<100000xf32, #tpu.memory_space<hbm>>
    tpu.wait_indirect_dma semaphore(%arg25 : memref<!tpu.dma_semaphore, #tpu.memory_space<semaphore_mem>>) src(%dma_wait3A_124 : memref<100000xf32, #tpu.memory_space<hbm>>) dst(%arg18 : memref<128xf32, #tpu.memory_space<vmem>>)
    %dma_start3A_125 = arith.constant 384 : i32
    %dma_start3A_126 = tpu.memref_slice %arg11[%dma_start3A_125] : memref<512xi32, #tpu.memory_space<vmem>> -> memref<128xi32, #tpu.memory_space<vmem>>
    %dma_start3A_127 = arith.constant 0 : i32
    %dma_start3A_128 = arith.constant 0 : i32
    %dma_start3A_129 = tpu.memref_slice %arg6[%dma_start3A_127, %dma_start3A_128] : memref<100000x128xf32, #tpu.memory_space<hbm>> -> memref<100000x128xf32, #tpu.memory_space<hbm>>
    tpu.enqueue_indirect_dma source(%dma_start3A_129 : memref<100000x128xf32, #tpu.memory_space<hbm>>) target(%arg19 : memref<128x128xf32, #tpu.memory_space<vmem>>) offsets(%dma_start3A_126 : memref<128xi32, #tpu.memory_space<vmem>>) semaphore(%arg26 : memref<!tpu.dma_semaphore, #tpu.memory_space<semaphore_mem>>)
    %dma_start3A_130 = arith.constant 384 : i32
    %dma_start3A_131 = tpu.memref_slice %arg12[%dma_start3A_130] : memref<512xi32, #tpu.memory_space<vmem>> -> memref<128xi32, #tpu.memory_space<vmem>>
    %dma_start3A_132 = arith.constant 0 : i32
    %dma_start3A_133 = arith.constant 0 : i32
    %dma_start3A_134 = tpu.memref_slice %arg7[%dma_start3A_132, %dma_start3A_133] : memref<100000x128xf32, #tpu.memory_space<hbm>> -> memref<100000x128xf32, #tpu.memory_space<hbm>>
    tpu.enqueue_indirect_dma source(%dma_start3A_134 : memref<100000x128xf32, #tpu.memory_space<hbm>>) target(%arg20 : memref<128x128xf32, #tpu.memory_space<vmem>>) offsets(%dma_start3A_131 : memref<128xi32, #tpu.memory_space<vmem>>) semaphore(%arg26 : memref<!tpu.dma_semaphore, #tpu.memory_space<semaphore_mem>>)
    %dma_start3A_135 = arith.constant 384 : i32
    %dma_start3A_136 = tpu.memref_slice %arg11[%dma_start3A_135] : memref<512xi32, #tpu.memory_space<vmem>> -> memref<128xi32, #tpu.memory_space<vmem>>
    %dma_start3A_137 = arith.constant 0 : i32
    %dma_start3A_138 = tpu.memref_slice %arg8[%dma_start3A_137] : memref<100000xf32, #tpu.memory_space<hbm>> -> memref<100000xf32, #tpu.memory_space<hbm>>
    tpu.enqueue_indirect_dma source(%dma_start3A_138 : memref<100000xf32, #tpu.memory_space<hbm>>) target(%arg21 : memref<128xf32, #tpu.memory_space<vmem>>) offsets(%dma_start3A_136 : memref<128xi32, #tpu.memory_space<vmem>>) semaphore(%arg26 : memref<!tpu.dma_semaphore, #tpu.memory_space<semaphore_mem>>)
    %dma_start3A_139 = arith.constant 384 : i32
    %dma_start3A_140 = tpu.memref_slice %arg12[%dma_start3A_139] : memref<512xi32, #tpu.memory_space<vmem>> -> memref<128xi32, #tpu.memory_space<vmem>>
    %dma_start3A_141 = arith.constant 0 : i32
    %dma_start3A_142 = tpu.memref_slice %arg9[%dma_start3A_141] : memref<100000xf32, #tpu.memory_space<hbm>> -> memref<100000xf32, #tpu.memory_space<hbm>>
    tpu.enqueue_indirect_dma source(%dma_start3A_142 : memref<100000xf32, #tpu.memory_space<hbm>>) target(%arg22 : memref<128xf32, #tpu.memory_space<vmem>>) offsets(%dma_start3A_140 : memref<128xi32, #tpu.memory_space<vmem>>) semaphore(%arg26 : memref<!tpu.dma_semaphore, #tpu.memory_space<semaphore_mem>>)
    %parallel_loop3A_143 = arith.constant 0 : i32
    %parallel_loop3A_144 = arith.constant 128 : i32
    %parallel_loop3A_145 = arith.constant 1 : i32
    scf.for %parallel_loop3A_176 = %parallel_loop3A_143 to %parallel_loop3A_144 step %parallel_loop3A_145  : i32 {
      %parallel_loop3A_177 = arith.index_cast %parallel_loop3A_176 : i32 to index
      %parallel_loop3A_178 = arith.constant 0 : index
      %parallel_loop3A_179 = tpu.vector_load %arg15[%parallel_loop3A_177, %parallel_loop3A_178] {strides = array<i32>} : memref<128x128xf32, #tpu.memory_space<vmem>>, vector<16xf32>,
      %parallel_loop3A_180 = arith.index_cast %parallel_loop3A_176 : i32 to index
      %parallel_loop3A_181 = arith.constant 0 : index
      %parallel_loop3A_182 = tpu.vector_load %arg16[%parallel_loop3A_180, %parallel_loop3A_181] {strides = array<i32>} : memref<128x128xf32, #tpu.memory_space<vmem>>, vector<16xf32>,
      %parallel_loop3A_183 = arith.mulf %parallel_loop3A_179, %parallel_loop3A_182 : vector<16xf32>
      %parallel_loop3A_184 = arith.index_cast %parallel_loop3A_176 : i32 to index
      %parallel_loop3A_185 = arith.constant 16 : index
      %parallel_loop3A_186 = tpu.vector_load %arg15[%parallel_loop3A_184, %parallel_loop3A_185] {strides = array<i32>} : memref<128x128xf32, #tpu.memory_space<vmem>>, vector<16xf32>,
      %parallel_loop3A_187 = arith.index_cast %parallel_loop3A_176 : i32 to index
      %parallel_loop3A_188 = arith.constant 16 : index
      %parallel_loop3A_189 = tpu.vector_load %arg16[%parallel_loop3A_187, %parallel_loop3A_188] {strides = array<i32>} : memref<128x128xf32, #tpu.memory_space<vmem>>, vector<16xf32>,
      %parallel_loop3A_190 = arith.mulf %parallel_loop3A_186, %parallel_loop3A_189 : vector<16xf32>
      %parallel_loop3A_191 = arith.index_cast %parallel_loop3A_176 : i32 to index
      %parallel_loop3A_192 = arith.constant 32 : index
      %parallel_loop3A_193 = tpu.vector_load %arg15[%parallel_loop3A_191, %parallel_loop3A_192] {strides = array<i32>} : memref<128x128xf32, #tpu.memory_space<vmem>>, vector<16xf32>,
      %parallel_loop3A_194 = arith.index_cast %parallel_loop3A_176 : i32 to index
      %parallel_loop3A_195 = arith.constant 32 : index
      %parallel_loop3A_196 = tpu.vector_load %arg16[%parallel_loop3A_194, %parallel_loop3A_195] {strides = array<i32>} : memref<128x128xf32, #tpu.memory_space<vmem>>, vector<16xf32>,
      %parallel_loop3A_197 = arith.mulf %parallel_loop3A_193, %parallel_loop3A_196 : vector<16xf32>
      %parallel_loop3A_198 = arith.index_cast %parallel_loop3A_176 : i32 to index
      %parallel_loop3A_199 = arith.constant 48 : index
      %parallel_loop3A_200 = tpu.vector_load %arg15[%parallel_loop3A_198, %parallel_loop3A_199] {strides = array<i32>} : memref<128x128xf32, #tpu.memory_space<vmem>>, vector<16xf32>,
      %parallel_loop3A_201 = arith.index_cast %parallel_loop3A_176 : i32 to index
      %parallel_loop3A_202 = arith.constant 48 : index
      %parallel_loop3A_203 = tpu.vector_load %arg16[%parallel_loop3A_201, %parallel_loop3A_202] {strides = array<i32>} : memref<128x128xf32, #tpu.memory_space<vmem>>, vector<16xf32>,
      %parallel_loop3A_204 = arith.mulf %parallel_loop3A_200, %parallel_loop3A_203 : vector<16xf32>
      %parallel_loop3A_205 = arith.index_cast %parallel_loop3A_176 : i32 to index
      %parallel_loop3A_206 = arith.constant 64 : index
      %parallel_loop3A_207 = tpu.vector_load %arg15[%parallel_loop3A_205, %parallel_loop3A_206] {strides = array<i32>} : memref<128x128xf32, #tpu.memory_space<vmem>>, vector<16xf32>,
      %parallel_loop3A_208 = arith.index_cast %parallel_loop3A_176 : i32 to index
      %parallel_loop3A_209 = arith.constant 64 : index
      %parallel_loop3A_210 = tpu.vector_load %arg16[%parallel_loop3A_208, %parallel_loop3A_209] {strides = array<i32>} : memref<128x128xf32, #tpu.memory_space<vmem>>, vector<16xf32>,
      %parallel_loop3A_211 = arith.mulf %parallel_loop3A_207, %parallel_loop3A_210 : vector<16xf32>
      %parallel_loop3A_212 = arith.index_cast %parallel_loop3A_176 : i32 to index
      %parallel_loop3A_213 = arith.constant 80 : index
      %parallel_loop3A_214 = tpu.vector_load %arg15[%parallel_loop3A_212, %parallel_loop3A_213] {strides = array<i32>} : memref<128x128xf32, #tpu.memory_space<vmem>>, vector<16xf32>,
      %parallel_loop3A_215 = arith.index_cast %parallel_loop3A_176 : i32 to index
      %parallel_loop3A_216 = arith.constant 80 : index
      %parallel_loop3A_217 = tpu.vector_load %arg16[%parallel_loop3A_215, %parallel_loop3A_216] {strides = array<i32>} : memref<128x128xf32, #tpu.memory_space<vmem>>, vector<16xf32>,
      %parallel_loop3A_218 = arith.mulf %parallel_loop3A_214, %parallel_loop3A_217 : vector<16xf32>
      %parallel_loop3A_219 = arith.index_cast %parallel_loop3A_176 : i32 to index
      %parallel_loop3A_220 = arith.constant 96 : index
      %parallel_loop3A_221 = tpu.vector_load %arg15[%parallel_loop3A_219, %parallel_loop3A_220] {strides = array<i32>} : memref<128x128xf32, #tpu.memory_space<vmem>>, vector<16xf32>,
      %parallel_loop3A_222 = arith.index_cast %parallel_loop3A_176 : i32 to index
      %parallel_loop3A_223 = arith.constant 96 : index
      %parallel_loop3A_224 = tpu.vector_load %arg16[%parallel_loop3A_222, %parallel_loop3A_223] {strides = array<i32>} : memref<128x128xf32, #tpu.memory_space<vmem>>, vector<16xf32>,
      %parallel_loop3A_225 = arith.mulf %parallel_loop3A_221, %parallel_loop3A_224 : vector<16xf32>
      %parallel_loop3A_226 = arith.index_cast %parallel_loop3A_176 : i32 to index
      %parallel_loop3A_227 = arith.constant 112 : index
      %parallel_loop3A_228 = tpu.vector_load %arg15[%parallel_loop3A_226, %parallel_loop3A_227] {strides = array<i32>} : memref<128x128xf32, #tpu.memory_space<vmem>>, vector<16xf32>,
      %parallel_loop3A_229 = arith.index_cast %parallel_loop3A_176 : i32 to index
      %parallel_loop3A_230 = arith.constant 112 : index
      %parallel_loop3A_231 = tpu.vector_load %arg16[%parallel_loop3A_229, %parallel_loop3A_230] {strides = array<i32>} : memref<128x128xf32, #tpu.memory_space<vmem>>, vector<16xf32>,
      %parallel_loop3A_232 = arith.mulf %parallel_loop3A_228, %parallel_loop3A_231 : vector<16xf32>
      %parallel_loop3A_233 = arith.addf %parallel_loop3A_183, %parallel_loop3A_190 : vector<16xf32>
      %parallel_loop3A_234 = arith.addf %parallel_loop3A_197, %parallel_loop3A_204 : vector<16xf32>
      %parallel_loop3A_235 = arith.addf %parallel_loop3A_211, %parallel_loop3A_218 : vector<16xf32>
      %parallel_loop3A_236 = arith.addf %parallel_loop3A_225, %parallel_loop3A_232 : vector<16xf32>
      %parallel_loop3A_237 = arith.addf %parallel_loop3A_233, %parallel_loop3A_234 : vector<16xf32>
      %parallel_loop3A_238 = arith.addf %parallel_loop3A_235, %parallel_loop3A_236 : vector<16xf32>
      %parallel_loop3A_239 = arith.addf %parallel_loop3A_237, %parallel_loop3A_238 : vector<16xf32>
      %parallel_loop3A_240 = arith.index_cast %parallel_loop3A_176 : i32 to index
      %parallel_loop3A_241 = arith.constant 0 : index
      %parallel_loop3A_242 = tpu.vector_load %arg23[%parallel_loop3A_240, %parallel_loop3A_241] {strides = array<i32>} : memref<128x16xf32, #tpu.memory_space<vmem>>, vector<16xf32>,
      tpu.vector_store %arg23[%parallel_loop3A_240, %parallel_loop3A_241], %parallel_loop3A_239 {strides = array<i32>} : memref<128x16xf32, #tpu.memory_space<vmem>>, vector<16xf32>,
    } {sc.loop_unroll_factor = 4 : i64, sc.parallel_access}
    %parallel_loop3A_146 = arith.constant 0 : i32
    %parallel_loop3A_147 = arith.constant 8 : i32
    %parallel_loop3A_148 = arith.constant 1 : i32
    %parallel_loop3A_149 = scf.for %parallel_loop3A_176 = %parallel_loop3A_146 to %parallel_loop3A_147 step %parallel_loop3A_148 iter_args(%parallel_loop3A_177 = %parallel_loop3A_106) -> (vector<16xf32>)  : i32 {
      %parallel_loop3A_178 = arith.constant 16 : i32
      %parallel_loop3A_179 = arith.muli %parallel_loop3A_176, %parallel_loop3A_178 : i32
      %parallel_loop3A_180 = vector.broadcast %parallel_loop3A_179 : i32 to vector<16xi32>
      %parallel_loop3A_181 = arith.addi %parallel_loop3A_180, %iota3A : vector<16xi32>
      %parallel_loop3A_182 = arith.constant 0 : i32
      %parallel_loop3A_183 = vector.broadcast %parallel_loop3A_182 : i32 to vector<16xi32>
      %parallel_loop3A_184 = tpu.vector_load_idx %arg23[%parallel_loop3A_181, %parallel_loop3A_183] : memref<128x16xf32, #tpu.memory_space<vmem>>[vector<16xi32>, vector<16xi32>], vector<16xf32>,
      %parallel_loop3A_185 = arith.constant 1 : i32
      %parallel_loop3A_186 = vector.broadcast %parallel_loop3A_185 : i32 to vector<16xi32>
      %parallel_loop3A_187 = tpu.vector_load_idx %arg23[%parallel_loop3A_181, %parallel_loop3A_186] : memref<128x16xf32, #tpu.memory_space<vmem>>[vector<16xi32>, vector<16xi32>], vector<16xf32>,
      %parallel_loop3A_188 = arith.addf %parallel_loop3A_184, %parallel_loop3A_187 : vector<16xf32>
      %parallel_loop3A_189 = arith.constant 2 : i32
      %parallel_loop3A_190 = vector.broadcast %parallel_loop3A_189 : i32 to vector<16xi32>
      %parallel_loop3A_191 = tpu.vector_load_idx %arg23[%parallel_loop3A_181, %parallel_loop3A_190] : memref<128x16xf32, #tpu.memory_space<vmem>>[vector<16xi32>, vector<16xi32>], vector<16xf32>,
      %parallel_loop3A_192 = arith.addf %parallel_loop3A_188, %parallel_loop3A_191 : vector<16xf32>
      %parallel_loop3A_193 = arith.constant 3 : i32
      %parallel_loop3A_194 = vector.broadcast %parallel_loop3A_193 : i32 to vector<16xi32>
      %parallel_loop3A_195 = tpu.vector_load_idx %arg23[%parallel_loop3A_181, %parallel_loop3A_194] : memref<128x16xf32, #tpu.memory_space<vmem>>[vector<16xi32>, vector<16xi32>], vector<16xf32>,
      %parallel_loop3A_196 = arith.addf %parallel_loop3A_192, %parallel_loop3A_195 : vector<16xf32>
      %parallel_loop3A_197 = arith.constant 4 : i32
      %parallel_loop3A_198 = vector.broadcast %parallel_loop3A_197 : i32 to vector<16xi32>
      %parallel_loop3A_199 = tpu.vector_load_idx %arg23[%parallel_loop3A_181, %parallel_loop3A_198] : memref<128x16xf32, #tpu.memory_space<vmem>>[vector<16xi32>, vector<16xi32>], vector<16xf32>,
      %parallel_loop3A_200 = arith.addf %parallel_loop3A_196, %parallel_loop3A_199 : vector<16xf32>
      %parallel_loop3A_201 = arith.constant 5 : i32
      %parallel_loop3A_202 = vector.broadcast %parallel_loop3A_201 : i32 to vector<16xi32>
      %parallel_loop3A_203 = tpu.vector_load_idx %arg23[%parallel_loop3A_181, %parallel_loop3A_202] : memref<128x16xf32, #tpu.memory_space<vmem>>[vector<16xi32>, vector<16xi32>], vector<16xf32>,
      %parallel_loop3A_204 = arith.addf %parallel_loop3A_200, %parallel_loop3A_203 : vector<16xf32>
      %parallel_loop3A_205 = arith.constant 6 : i32
      %parallel_loop3A_206 = vector.broadcast %parallel_loop3A_205 : i32 to vector<16xi32>
      %parallel_loop3A_207 = tpu.vector_load_idx %arg23[%parallel_loop3A_181, %parallel_loop3A_206] : memref<128x16xf32, #tpu.memory_space<vmem>>[vector<16xi32>, vector<16xi32>], vector<16xf32>,
      %parallel_loop3A_208 = arith.addf %parallel_loop3A_204, %parallel_loop3A_207 : vector<16xf32>
      %parallel_loop3A_209 = arith.constant 7 : i32
      %parallel_loop3A_210 = vector.broadcast %parallel_loop3A_209 : i32 to vector<16xi32>
      %parallel_loop3A_211 = tpu.vector_load_idx %arg23[%parallel_loop3A_181, %parallel_loop3A_210] : memref<128x16xf32, #tpu.memory_space<vmem>>[vector<16xi32>, vector<16xi32>], vector<16xf32>,
      %parallel_loop3A_212 = arith.addf %parallel_loop3A_208, %parallel_loop3A_211 : vector<16xf32>
      %parallel_loop3A_213 = arith.constant 8 : i32
      %parallel_loop3A_214 = vector.broadcast %parallel_loop3A_213 : i32 to vector<16xi32>
      %parallel_loop3A_215 = tpu.vector_load_idx %arg23[%parallel_loop3A_181, %parallel_loop3A_214] : memref<128x16xf32, #tpu.memory_space<vmem>>[vector<16xi32>, vector<16xi32>], vector<16xf32>,
      %parallel_loop3A_216 = arith.addf %parallel_loop3A_212, %parallel_loop3A_215 : vector<16xf32>
      %parallel_loop3A_217 = arith.constant 9 : i32
      %parallel_loop3A_218 = vector.broadcast %parallel_loop3A_217 : i32 to vector<16xi32>
      %parallel_loop3A_219 = tpu.vector_load_idx %arg23[%parallel_loop3A_181, %parallel_loop3A_218] : memref<128x16xf32, #tpu.memory_space<vmem>>[vector<16xi32>, vector<16xi32>], vector<16xf32>,
      %parallel_loop3A_220 = arith.addf %parallel_loop3A_216, %parallel_loop3A_219 : vector<16xf32>
      %parallel_loop3A_221 = arith.constant 10 : i32
      %parallel_loop3A_222 = vector.broadcast %parallel_loop3A_221 : i32 to vector<16xi32>
      %parallel_loop3A_223 = tpu.vector_load_idx %arg23[%parallel_loop3A_181, %parallel_loop3A_222] : memref<128x16xf32, #tpu.memory_space<vmem>>[vector<16xi32>, vector<16xi32>], vector<16xf32>,
      %parallel_loop3A_224 = arith.addf %parallel_loop3A_220, %parallel_loop3A_223 : vector<16xf32>
      %parallel_loop3A_225 = arith.constant 11 : i32
      %parallel_loop3A_226 = vector.broadcast %parallel_loop3A_225 : i32 to vector<16xi32>
      %parallel_loop3A_227 = tpu.vector_load_idx %arg23[%parallel_loop3A_181, %parallel_loop3A_226] : memref<128x16xf32, #tpu.memory_space<vmem>>[vector<16xi32>, vector<16xi32>], vector<16xf32>,
      %parallel_loop3A_228 = arith.addf %parallel_loop3A_224, %parallel_loop3A_227 : vector<16xf32>
      %parallel_loop3A_229 = arith.constant 12 : i32
      %parallel_loop3A_230 = vector.broadcast %parallel_loop3A_229 : i32 to vector<16xi32>
      %parallel_loop3A_231 = tpu.vector_load_idx %arg23[%parallel_loop3A_181, %parallel_loop3A_230] : memref<128x16xf32, #tpu.memory_space<vmem>>[vector<16xi32>, vector<16xi32>], vector<16xf32>,
      %parallel_loop3A_232 = arith.addf %parallel_loop3A_228, %parallel_loop3A_231 : vector<16xf32>
      %parallel_loop3A_233 = arith.constant 13 : i32
      %parallel_loop3A_234 = vector.broadcast %parallel_loop3A_233 : i32 to vector<16xi32>
      %parallel_loop3A_235 = tpu.vector_load_idx %arg23[%parallel_loop3A_181, %parallel_loop3A_234] : memref<128x16xf32, #tpu.memory_space<vmem>>[vector<16xi32>, vector<16xi32>], vector<16xf32>,
      %parallel_loop3A_236 = arith.addf %parallel_loop3A_232, %parallel_loop3A_235 : vector<16xf32>
      %parallel_loop3A_237 = arith.constant 14 : i32
      %parallel_loop3A_238 = vector.broadcast %parallel_loop3A_237 : i32 to vector<16xi32>
      %parallel_loop3A_239 = tpu.vector_load_idx %arg23[%parallel_loop3A_181, %parallel_loop3A_238] : memref<128x16xf32, #tpu.memory_space<vmem>>[vector<16xi32>, vector<16xi32>], vector<16xf32>,
      %parallel_loop3A_240 = arith.addf %parallel_loop3A_236, %parallel_loop3A_239 : vector<16xf32>
      %parallel_loop3A_241 = arith.constant 15 : i32
      %parallel_loop3A_242 = vector.broadcast %parallel_loop3A_241 : i32 to vector<16xi32>
      %parallel_loop3A_243 = tpu.vector_load_idx %arg23[%parallel_loop3A_181, %parallel_loop3A_242] : memref<128x16xf32, #tpu.memory_space<vmem>>[vector<16xi32>, vector<16xi32>], vector<16xf32>,
      %parallel_loop3A_244 = arith.addf %parallel_loop3A_240, %parallel_loop3A_243 : vector<16xf32>
      %parallel_loop3A_245 = arith.constant 16 : i32
      %parallel_loop3A_246 = arith.muli %parallel_loop3A_176, %parallel_loop3A_245 : i32
      %parallel_loop3A_247 = arith.index_cast %parallel_loop3A_246 : i32 to index
      %parallel_loop3A_248 = tpu.vector_load %arg17[%parallel_loop3A_247] {strides = array<i32>} : memref<128xf32, #tpu.memory_space<vmem>>, vector<16xf32>,
      %parallel_loop3A_249 = arith.constant 16 : i32
      %parallel_loop3A_250 = arith.muli %parallel_loop3A_176, %parallel_loop3A_249 : i32
      %parallel_loop3A_251 = arith.index_cast %parallel_loop3A_250 : i32 to index
      %parallel_loop3A_252 = tpu.vector_load %arg18[%parallel_loop3A_251] {strides = array<i32>} : memref<128xf32, #tpu.memory_space<vmem>>, vector<16xf32>,
      %parallel_loop3A_253 = arith.constant 16 : i32
      %parallel_loop3A_254 = arith.muli %parallel_loop3A_176, %parallel_loop3A_253 : i32
      %parallel_loop3A_255 = arith.constant 256 : i32
      %parallel_loop3A_256 = arith.addi %parallel_loop3A_255, %parallel_loop3A_254 : i32
      %parallel_loop3A_257 = arith.index_cast %parallel_loop3A_256 : i32 to index
      %parallel_loop3A_258 = tpu.vector_load %arg13[%parallel_loop3A_257] {strides = array<i32>} : memref<512xf32, #tpu.memory_space<vmem>>, vector<16xf32>,
      %parallel_loop3A_259 = arith.constant 16 : i32
      %parallel_loop3A_260 = arith.muli %parallel_loop3A_176, %parallel_loop3A_259 : i32
      %parallel_loop3A_261 = arith.constant 256 : i32
      %parallel_loop3A_262 = arith.addi %parallel_loop3A_261, %parallel_loop3A_260 : i32
      %parallel_loop3A_263 = arith.index_cast %parallel_loop3A_262 : i32 to index
      %parallel_loop3A_264 = tpu.vector_load %arg14[%parallel_loop3A_263] {strides = array<i32>} : memref<512xf32, #tpu.memory_space<vmem>>, vector<16xf32>,
      %parallel_loop3A_265 = arith.addf %parallel_loop3A_244, %parallel_loop3A_248 : vector<16xf32>
      %parallel_loop3A_266 = arith.addf %parallel_loop3A_265, %parallel_loop3A_252 : vector<16xf32>
      %parallel_loop3A_267 = arith.subf %parallel_loop3A_266, %parallel_loop3A_258 : vector<16xf32>
      %parallel_loop3A_268 = arith.mulf %parallel_loop3A_264, %parallel_loop3A_267 : vector<16xf32>
      %parallel_loop3A_269 = arith.mulf %parallel_loop3A_268, %parallel_loop3A_267 : vector<16xf32>
      %parallel_loop3A_270 = arith.addf %parallel_loop3A_177, %parallel_loop3A_269 : vector<16xf32>
      scf.yield %parallel_loop3A_270 : vector<16xf32>
    } {sc.loop_unroll_factor = 2 : i64, sc.parallel_access}
    %dma_wait3A_150 = arith.constant 384 : i32
    %dma_wait3A_151 = tpu.memref_slice %arg11[%dma_wait3A_150] : memref<512xi32, #tpu.memory_space<vmem>> -> memref<128xi32, #tpu.memory_space<vmem>>
    %dma_wait3A_152 = arith.constant 0 : i32
    %dma_wait3A_153 = arith.constant 0 : i32
    %dma_wait3A_154 = tpu.memref_slice %arg6[%dma_wait3A_152, %dma_wait3A_153] : memref<100000x128xf32, #tpu.memory_space<hbm>> -> memref<100000x128xf32, #tpu.memory_space<hbm>>
    tpu.wait_indirect_dma semaphore(%arg26 : memref<!tpu.dma_semaphore, #tpu.memory_space<semaphore_mem>>) src(%dma_wait3A_154 : memref<100000x128xf32, #tpu.memory_space<hbm>>) dst(%arg19 : memref<128x128xf32, #tpu.memory_space<vmem>>)
    %dma_wait3A_155 = arith.constant 384 : i32
    %dma_wait3A_156 = tpu.memref_slice %arg12[%dma_wait3A_155] : memref<512xi32, #tpu.memory_space<vmem>> -> memref<128xi32, #tpu.memory_space<vmem>>
    %dma_wait3A_157 = arith.constant 0 : i32
    %dma_wait3A_158 = arith.constant 0 : i32
    %dma_wait3A_159 = tpu.memref_slice %arg7[%dma_wait3A_157, %dma_wait3A_158] : memref<100000x128xf32, #tpu.memory_space<hbm>> -> memref<100000x128xf32, #tpu.memory_space<hbm>>
    tpu.wait_indirect_dma semaphore(%arg26 : memref<!tpu.dma_semaphore, #tpu.memory_space<semaphore_mem>>) src(%dma_wait3A_159 : memref<100000x128xf32, #tpu.memory_space<hbm>>) dst(%arg20 : memref<128x128xf32, #tpu.memory_space<vmem>>)
    %dma_wait3A_160 = arith.constant 384 : i32
    %dma_wait3A_161 = tpu.memref_slice %arg11[%dma_wait3A_160] : memref<512xi32, #tpu.memory_space<vmem>> -> memref<128xi32, #tpu.memory_space<vmem>>
    %dma_wait3A_162 = arith.constant 0 : i32
    %dma_wait3A_163 = tpu.memref_slice %arg8[%dma_wait3A_162] : memref<100000xf32, #tpu.memory_space<hbm>> -> memref<100000xf32, #tpu.memory_space<hbm>>
    tpu.wait_indirect_dma semaphore(%arg26 : memref<!tpu.dma_semaphore, #tpu.memory_space<semaphore_mem>>) src(%dma_wait3A_163 : memref<100000xf32, #tpu.memory_space<hbm>>) dst(%arg21 : memref<128xf32, #tpu.memory_space<vmem>>)
    %dma_wait3A_164 = arith.constant 384 : i32
    %dma_wait3A_165 = tpu.memref_slice %arg12[%dma_wait3A_164] : memref<512xi32, #tpu.memory_space<vmem>> -> memref<128xi32, #tpu.memory_space<vmem>>
    %dma_wait3A_166 = arith.constant 0 : i32
    %dma_wait3A_167 = tpu.memref_slice %arg9[%dma_wait3A_166] : memref<100000xf32, #tpu.memory_space<hbm>> -> memref<100000xf32, #tpu.memory_space<hbm>>
    tpu.wait_indirect_dma semaphore(%arg26 : memref<!tpu.dma_semaphore, #tpu.memory_space<semaphore_mem>>) src(%dma_wait3A_167 : memref<100000xf32, #tpu.memory_space<hbm>>) dst(%arg22 : memref<128xf32, #tpu.memory_space<vmem>>)
    %parallel_loop3A_168 = arith.constant 0 : i32
    %parallel_loop3A_169 = arith.constant 128 : i32
    %parallel_loop3A_170 = arith.constant 1 : i32
    scf.for %parallel_loop3A_176 = %parallel_loop3A_168 to %parallel_loop3A_169 step %parallel_loop3A_170  : i32 {
      %parallel_loop3A_177 = arith.index_cast %parallel_loop3A_176 : i32 to index
      %parallel_loop3A_178 = arith.constant 0 : index
      %parallel_loop3A_179 = tpu.vector_load %arg19[%parallel_loop3A_177, %parallel_loop3A_178] {strides = array<i32>} : memref<128x128xf32, #tpu.memory_space<vmem>>, vector<16xf32>,
      %parallel_loop3A_180 = arith.index_cast %parallel_loop3A_176 : i32 to index
      %parallel_loop3A_181 = arith.constant 0 : index
      %parallel_loop3A_182 = tpu.vector_load %arg20[%parallel_loop3A_180, %parallel_loop3A_181] {strides = array<i32>} : memref<128x128xf32, #tpu.memory_space<vmem>>, vector<16xf32>,
      %parallel_loop3A_183 = arith.mulf %parallel_loop3A_179, %parallel_loop3A_182 : vector<16xf32>
      %parallel_loop3A_184 = arith.index_cast %parallel_loop3A_176 : i32 to index
      %parallel_loop3A_185 = arith.constant 16 : index
      %parallel_loop3A_186 = tpu.vector_load %arg19[%parallel_loop3A_184, %parallel_loop3A_185] {strides = array<i32>} : memref<128x128xf32, #tpu.memory_space<vmem>>, vector<16xf32>,
      %parallel_loop3A_187 = arith.index_cast %parallel_loop3A_176 : i32 to index
      %parallel_loop3A_188 = arith.constant 16 : index
      %parallel_loop3A_189 = tpu.vector_load %arg20[%parallel_loop3A_187, %parallel_loop3A_188] {strides = array<i32>} : memref<128x128xf32, #tpu.memory_space<vmem>>, vector<16xf32>,
      %parallel_loop3A_190 = arith.mulf %parallel_loop3A_186, %parallel_loop3A_189 : vector<16xf32>
      %parallel_loop3A_191 = arith.index_cast %parallel_loop3A_176 : i32 to index
      %parallel_loop3A_192 = arith.constant 32 : index
      %parallel_loop3A_193 = tpu.vector_load %arg19[%parallel_loop3A_191, %parallel_loop3A_192] {strides = array<i32>} : memref<128x128xf32, #tpu.memory_space<vmem>>, vector<16xf32>,
      %parallel_loop3A_194 = arith.index_cast %parallel_loop3A_176 : i32 to index
      %parallel_loop3A_195 = arith.constant 32 : index
      %parallel_loop3A_196 = tpu.vector_load %arg20[%parallel_loop3A_194, %parallel_loop3A_195] {strides = array<i32>} : memref<128x128xf32, #tpu.memory_space<vmem>>, vector<16xf32>,
      %parallel_loop3A_197 = arith.mulf %parallel_loop3A_193, %parallel_loop3A_196 : vector<16xf32>
      %parallel_loop3A_198 = arith.index_cast %parallel_loop3A_176 : i32 to index
      %parallel_loop3A_199 = arith.constant 48 : index
      %parallel_loop3A_200 = tpu.vector_load %arg19[%parallel_loop3A_198, %parallel_loop3A_199] {strides = array<i32>} : memref<128x128xf32, #tpu.memory_space<vmem>>, vector<16xf32>,
      %parallel_loop3A_201 = arith.index_cast %parallel_loop3A_176 : i32 to index
      %parallel_loop3A_202 = arith.constant 48 : index
      %parallel_loop3A_203 = tpu.vector_load %arg20[%parallel_loop3A_201, %parallel_loop3A_202] {strides = array<i32>} : memref<128x128xf32, #tpu.memory_space<vmem>>, vector<16xf32>,
      %parallel_loop3A_204 = arith.mulf %parallel_loop3A_200, %parallel_loop3A_203 : vector<16xf32>
      %parallel_loop3A_205 = arith.index_cast %parallel_loop3A_176 : i32 to index
      %parallel_loop3A_206 = arith.constant 64 : index
      %parallel_loop3A_207 = tpu.vector_load %arg19[%parallel_loop3A_205, %parallel_loop3A_206] {strides = array<i32>} : memref<128x128xf32, #tpu.memory_space<vmem>>, vector<16xf32>,
      %parallel_loop3A_208 = arith.index_cast %parallel_loop3A_176 : i32 to index
      %parallel_loop3A_209 = arith.constant 64 : index
      %parallel_loop3A_210 = tpu.vector_load %arg20[%parallel_loop3A_208, %parallel_loop3A_209] {strides = array<i32>} : memref<128x128xf32, #tpu.memory_space<vmem>>, vector<16xf32>,
      %parallel_loop3A_211 = arith.mulf %parallel_loop3A_207, %parallel_loop3A_210 : vector<16xf32>
      %parallel_loop3A_212 = arith.index_cast %parallel_loop3A_176 : i32 to index
      %parallel_loop3A_213 = arith.constant 80 : index
      %parallel_loop3A_214 = tpu.vector_load %arg19[%parallel_loop3A_212, %parallel_loop3A_213] {strides = array<i32>} : memref<128x128xf32, #tpu.memory_space<vmem>>, vector<16xf32>,
      %parallel_loop3A_215 = arith.index_cast %parallel_loop3A_176 : i32 to index
      %parallel_loop3A_216 = arith.constant 80 : index
      %parallel_loop3A_217 = tpu.vector_load %arg20[%parallel_loop3A_215, %parallel_loop3A_216] {strides = array<i32>} : memref<128x128xf32, #tpu.memory_space<vmem>>, vector<16xf32>,
      %parallel_loop3A_218 = arith.mulf %parallel_loop3A_214, %parallel_loop3A_217 : vector<16xf32>
      %parallel_loop3A_219 = arith.index_cast %parallel_loop3A_176 : i32 to index
      %parallel_loop3A_220 = arith.constant 96 : index
      %parallel_loop3A_221 = tpu.vector_load %arg19[%parallel_loop3A_219, %parallel_loop3A_220] {strides = array<i32>} : memref<128x128xf32, #tpu.memory_space<vmem>>, vector<16xf32>,
      %parallel_loop3A_222 = arith.index_cast %parallel_loop3A_176 : i32 to index
      %parallel_loop3A_223 = arith.constant 96 : index
      %parallel_loop3A_224 = tpu.vector_load %arg20[%parallel_loop3A_222, %parallel_loop3A_223] {strides = array<i32>} : memref<128x128xf32, #tpu.memory_space<vmem>>, vector<16xf32>,
      %parallel_loop3A_225 = arith.mulf %parallel_loop3A_221, %parallel_loop3A_224 : vector<16xf32>
      %parallel_loop3A_226 = arith.index_cast %parallel_loop3A_176 : i32 to index
      %parallel_loop3A_227 = arith.constant 112 : index
      %parallel_loop3A_228 = tpu.vector_load %arg19[%parallel_loop3A_226, %parallel_loop3A_227] {strides = array<i32>} : memref<128x128xf32, #tpu.memory_space<vmem>>, vector<16xf32>,
      %parallel_loop3A_229 = arith.index_cast %parallel_loop3A_176 : i32 to index
      %parallel_loop3A_230 = arith.constant 112 : index
      %parallel_loop3A_231 = tpu.vector_load %arg20[%parallel_loop3A_229, %parallel_loop3A_230] {strides = array<i32>} : memref<128x128xf32, #tpu.memory_space<vmem>>, vector<16xf32>,
      %parallel_loop3A_232 = arith.mulf %parallel_loop3A_228, %parallel_loop3A_231 : vector<16xf32>
      %parallel_loop3A_233 = arith.addf %parallel_loop3A_183, %parallel_loop3A_190 : vector<16xf32>
      %parallel_loop3A_234 = arith.addf %parallel_loop3A_197, %parallel_loop3A_204 : vector<16xf32>
      %parallel_loop3A_235 = arith.addf %parallel_loop3A_211, %parallel_loop3A_218 : vector<16xf32>
      %parallel_loop3A_236 = arith.addf %parallel_loop3A_225, %parallel_loop3A_232 : vector<16xf32>
      %parallel_loop3A_237 = arith.addf %parallel_loop3A_233, %parallel_loop3A_234 : vector<16xf32>
      %parallel_loop3A_238 = arith.addf %parallel_loop3A_235, %parallel_loop3A_236 : vector<16xf32>
      %parallel_loop3A_239 = arith.addf %parallel_loop3A_237, %parallel_loop3A_238 : vector<16xf32>
      %parallel_loop3A_240 = arith.index_cast %parallel_loop3A_176 : i32 to index
      %parallel_loop3A_241 = arith.constant 0 : index
      %parallel_loop3A_242 = tpu.vector_load %arg23[%parallel_loop3A_240, %parallel_loop3A_241] {strides = array<i32>} : memref<128x16xf32, #tpu.memory_space<vmem>>, vector<16xf32>,
      tpu.vector_store %arg23[%parallel_loop3A_240, %parallel_loop3A_241], %parallel_loop3A_239 {strides = array<i32>} : memref<128x16xf32, #tpu.memory_space<vmem>>, vector<16xf32>,
    } {sc.loop_unroll_factor = 4 : i64, sc.parallel_access}
    %parallel_loop3A_171 = arith.constant 0 : i32
    %parallel_loop3A_172 = arith.constant 8 : i32
    %parallel_loop3A_173 = arith.constant 1 : i32
    %parallel_loop3A_174 = scf.for %parallel_loop3A_176 = %parallel_loop3A_171 to %parallel_loop3A_172 step %parallel_loop3A_173 iter_args(%parallel_loop3A_177 = %parallel_loop3A_149) -> (vector<16xf32>)  : i32 {
      %parallel_loop3A_178 = arith.constant 16 : i32
      %parallel_loop3A_179 = arith.muli %parallel_loop3A_176, %parallel_loop3A_178 : i32
      %parallel_loop3A_180 = vector.broadcast %parallel_loop3A_179 : i32 to vector<16xi32>
      %parallel_loop3A_181 = arith.addi %parallel_loop3A_180, %iota3A : vector<16xi32>
      %parallel_loop3A_182 = arith.constant 0 : i32
      %parallel_loop3A_183 = vector.broadcast %parallel_loop3A_182 : i32 to vector<16xi32>
      %parallel_loop3A_184 = tpu.vector_load_idx %arg23[%parallel_loop3A_181, %parallel_loop3A_183] : memref<128x16xf32, #tpu.memory_space<vmem>>[vector<16xi32>, vector<16xi32>], vector<16xf32>,
      %parallel_loop3A_185 = arith.constant 1 : i32
      %parallel_loop3A_186 = vector.broadcast %parallel_loop3A_185 : i32 to vector<16xi32>
      %parallel_loop3A_187 = tpu.vector_load_idx %arg23[%parallel_loop3A_181, %parallel_loop3A_186] : memref<128x16xf32, #tpu.memory_space<vmem>>[vector<16xi32>, vector<16xi32>], vector<16xf32>,
      %parallel_loop3A_188 = arith.addf %parallel_loop3A_184, %parallel_loop3A_187 : vector<16xf32>
      %parallel_loop3A_189 = arith.constant 2 : i32
      %parallel_loop3A_190 = vector.broadcast %parallel_loop3A_189 : i32 to vector<16xi32>
      %parallel_loop3A_191 = tpu.vector_load_idx %arg23[%parallel_loop3A_181, %parallel_loop3A_190] : memref<128x16xf32, #tpu.memory_space<vmem>>[vector<16xi32>, vector<16xi32>], vector<16xf32>,
      %parallel_loop3A_192 = arith.addf %parallel_loop3A_188, %parallel_loop3A_191 : vector<16xf32>
      %parallel_loop3A_193 = arith.constant 3 : i32
      %parallel_loop3A_194 = vector.broadcast %parallel_loop3A_193 : i32 to vector<16xi32>
      %parallel_loop3A_195 = tpu.vector_load_idx %arg23[%parallel_loop3A_181, %parallel_loop3A_194] : memref<128x16xf32, #tpu.memory_space<vmem>>[vector<16xi32>, vector<16xi32>], vector<16xf32>,
      %parallel_loop3A_196 = arith.addf %parallel_loop3A_192, %parallel_loop3A_195 : vector<16xf32>
      %parallel_loop3A_197 = arith.constant 4 : i32
      %parallel_loop3A_198 = vector.broadcast %parallel_loop3A_197 : i32 to vector<16xi32>
      %parallel_loop3A_199 = tpu.vector_load_idx %arg23[%parallel_loop3A_181, %parallel_loop3A_198] : memref<128x16xf32, #tpu.memory_space<vmem>>[vector<16xi32>, vector<16xi32>], vector<16xf32>,
      %parallel_loop3A_200 = arith.addf %parallel_loop3A_196, %parallel_loop3A_199 : vector<16xf32>
      %parallel_loop3A_201 = arith.constant 5 : i32
      %parallel_loop3A_202 = vector.broadcast %parallel_loop3A_201 : i32 to vector<16xi32>
      %parallel_loop3A_203 = tpu.vector_load_idx %arg23[%parallel_loop3A_181, %parallel_loop3A_202] : memref<128x16xf32, #tpu.memory_space<vmem>>[vector<16xi32>, vector<16xi32>], vector<16xf32>,
      %parallel_loop3A_204 = arith.addf %parallel_loop3A_200, %parallel_loop3A_203 : vector<16xf32>
      %parallel_loop3A_205 = arith.constant 6 : i32
      %parallel_loop3A_206 = vector.broadcast %parallel_loop3A_205 : i32 to vector<16xi32>
      %parallel_loop3A_207 = tpu.vector_load_idx %arg23[%parallel_loop3A_181, %parallel_loop3A_206] : memref<128x16xf32, #tpu.memory_space<vmem>>[vector<16xi32>, vector<16xi32>], vector<16xf32>,
      %parallel_loop3A_208 = arith.addf %parallel_loop3A_204, %parallel_loop3A_207 : vector<16xf32>
      %parallel_loop3A_209 = arith.constant 7 : i32
      %parallel_loop3A_210 = vector.broadcast %parallel_loop3A_209 : i32 to vector<16xi32>
      %parallel_loop3A_211 = tpu.vector_load_idx %arg23[%parallel_loop3A_181, %parallel_loop3A_210] : memref<128x16xf32, #tpu.memory_space<vmem>>[vector<16xi32>, vector<16xi32>], vector<16xf32>,
      %parallel_loop3A_212 = arith.addf %parallel_loop3A_208, %parallel_loop3A_211 : vector<16xf32>
      %parallel_loop3A_213 = arith.constant 8 : i32
      %parallel_loop3A_214 = vector.broadcast %parallel_loop3A_213 : i32 to vector<16xi32>
      %parallel_loop3A_215 = tpu.vector_load_idx %arg23[%parallel_loop3A_181, %parallel_loop3A_214] : memref<128x16xf32, #tpu.memory_space<vmem>>[vector<16xi32>, vector<16xi32>], vector<16xf32>,
      %parallel_loop3A_216 = arith.addf %parallel_loop3A_212, %parallel_loop3A_215 : vector<16xf32>
      %parallel_loop3A_217 = arith.constant 9 : i32
      %parallel_loop3A_218 = vector.broadcast %parallel_loop3A_217 : i32 to vector<16xi32>
      %parallel_loop3A_219 = tpu.vector_load_idx %arg23[%parallel_loop3A_181, %parallel_loop3A_218] : memref<128x16xf32, #tpu.memory_space<vmem>>[vector<16xi32>, vector<16xi32>], vector<16xf32>,
      %parallel_loop3A_220 = arith.addf %parallel_loop3A_216, %parallel_loop3A_219 : vector<16xf32>
      %parallel_loop3A_221 = arith.constant 10 : i32
      %parallel_loop3A_222 = vector.broadcast %parallel_loop3A_221 : i32 to vector<16xi32>
      %parallel_loop3A_223 = tpu.vector_load_idx %arg23[%parallel_loop3A_181, %parallel_loop3A_222] : memref<128x16xf32, #tpu.memory_space<vmem>>[vector<16xi32>, vector<16xi32>], vector<16xf32>,
      %parallel_loop3A_224 = arith.addf %parallel_loop3A_220, %parallel_loop3A_223 : vector<16xf32>
      %parallel_loop3A_225 = arith.constant 11 : i32
      %parallel_loop3A_226 = vector.broadcast %parallel_loop3A_225 : i32 to vector<16xi32>
      %parallel_loop3A_227 = tpu.vector_load_idx %arg23[%parallel_loop3A_181, %parallel_loop3A_226] : memref<128x16xf32, #tpu.memory_space<vmem>>[vector<16xi32>, vector<16xi32>], vector<16xf32>,
      %parallel_loop3A_228 = arith.addf %parallel_loop3A_224, %parallel_loop3A_227 : vector<16xf32>
      %parallel_loop3A_229 = arith.constant 12 : i32
      %parallel_loop3A_230 = vector.broadcast %parallel_loop3A_229 : i32 to vector<16xi32>
      %parallel_loop3A_231 = tpu.vector_load_idx %arg23[%parallel_loop3A_181, %parallel_loop3A_230] : memref<128x16xf32, #tpu.memory_space<vmem>>[vector<16xi32>, vector<16xi32>], vector<16xf32>,
      %parallel_loop3A_232 = arith.addf %parallel_loop3A_228, %parallel_loop3A_231 : vector<16xf32>
      %parallel_loop3A_233 = arith.constant 13 : i32
      %parallel_loop3A_234 = vector.broadcast %parallel_loop3A_233 : i32 to vector<16xi32>
      %parallel_loop3A_235 = tpu.vector_load_idx %arg23[%parallel_loop3A_181, %parallel_loop3A_234] : memref<128x16xf32, #tpu.memory_space<vmem>>[vector<16xi32>, vector<16xi32>], vector<16xf32>,
      %parallel_loop3A_236 = arith.addf %parallel_loop3A_232, %parallel_loop3A_235 : vector<16xf32>
      %parallel_loop3A_237 = arith.constant 14 : i32
      %parallel_loop3A_238 = vector.broadcast %parallel_loop3A_237 : i32 to vector<16xi32>
      %parallel_loop3A_239 = tpu.vector_load_idx %arg23[%parallel_loop3A_181, %parallel_loop3A_238] : memref<128x16xf32, #tpu.memory_space<vmem>>[vector<16xi32>, vector<16xi32>], vector<16xf32>,
      %parallel_loop3A_240 = arith.addf %parallel_loop3A_236, %parallel_loop3A_239 : vector<16xf32>
      %parallel_loop3A_241 = arith.constant 15 : i32
      %parallel_loop3A_242 = vector.broadcast %parallel_loop3A_241 : i32 to vector<16xi32>
      %parallel_loop3A_243 = tpu.vector_load_idx %arg23[%parallel_loop3A_181, %parallel_loop3A_242] : memref<128x16xf32, #tpu.memory_space<vmem>>[vector<16xi32>, vector<16xi32>], vector<16xf32>,
      %parallel_loop3A_244 = arith.addf %parallel_loop3A_240, %parallel_loop3A_243 : vector<16xf32>
      %parallel_loop3A_245 = arith.constant 16 : i32
      %parallel_loop3A_246 = arith.muli %parallel_loop3A_176, %parallel_loop3A_245 : i32
      %parallel_loop3A_247 = arith.index_cast %parallel_loop3A_246 : i32 to index
      %parallel_loop3A_248 = tpu.vector_load %arg21[%parallel_loop3A_247] {strides = array<i32>} : memref<128xf32, #tpu.memory_space<vmem>>, vector<16xf32>,
      %parallel_loop3A_249 = arith.constant 16 : i32
      %parallel_loop3A_250 = arith.muli %parallel_loop3A_176, %parallel_loop3A_249 : i32
      %parallel_loop3A_251 = arith.index_cast %parallel_loop3A_250 : i32 to index
      %parallel_loop3A_252 = tpu.vector_load %arg22[%parallel_loop3A_251] {strides = array<i32>} : memref<128xf32, #tpu.memory_space<vmem>>, vector<16xf32>,
      %parallel_loop3A_253 = arith.constant 16 : i32
      %parallel_loop3A_254 = arith.muli %parallel_loop3A_176, %parallel_loop3A_253 : i32
      %parallel_loop3A_255 = arith.constant 384 : i32
      %parallel_loop3A_256 = arith.addi %parallel_loop3A_255, %parallel_loop3A_254 : i32
      %parallel_loop3A_257 = arith.index_cast %parallel_loop3A_256 : i32 to index
      %parallel_loop3A_258 = tpu.vector_load %arg13[%parallel_loop3A_257] {strides = array<i32>} : memref<512xf32, #tpu.memory_space<vmem>>, vector<16xf32>,
      %parallel_loop3A_259 = arith.constant 16 : i32
      %parallel_loop3A_260 = arith.muli %parallel_loop3A_176, %parallel_loop3A_259 : i32
      %parallel_loop3A_261 = arith.constant 384 : i32
      %parallel_loop3A_262 = arith.addi %parallel_loop3A_261, %parallel_loop3A_260 : i32
      %parallel_loop3A_263 = arith.index_cast %parallel_loop3A_262 : i32 to index
      %parallel_loop3A_264 = tpu.vector_load %arg14[%parallel_loop3A_263] {strides = array<i32>} : memref<512xf32, #tpu.memory_space<vmem>>, vector<16xf32>,
      %parallel_loop3A_265 = arith.addf %parallel_loop3A_244, %parallel_loop3A_248 : vector<16xf32>
      %parallel_loop3A_266 = arith.addf %parallel_loop3A_265, %parallel_loop3A_252 : vector<16xf32>
      %parallel_loop3A_267 = arith.subf %parallel_loop3A_266, %parallel_loop3A_258 : vector<16xf32>
      %parallel_loop3A_268 = arith.mulf %parallel_loop3A_264, %parallel_loop3A_267 : vector<16xf32>
      %parallel_loop3A_269 = arith.mulf %parallel_loop3A_268, %parallel_loop3A_267 : vector<16xf32>
      %parallel_loop3A_270 = arith.addf %parallel_loop3A_177, %parallel_loop3A_269 : vector<16xf32>
      scf.yield %parallel_loop3A_270 : vector<16xf32>
    } {sc.loop_unroll_factor = 2 : i64, sc.parallel_access}
    %swap3A = arith.constant 0 : index
    %swap3A_175 = tpu.vector_load %arg24[%swap3A] {strides = array<i32>} : memref<16xf32, #tpu.memory_space<vmem>>, vector<16xf32>,
    tpu.vector_store %arg24[%swap3A], %parallel_loop3A_174 {strides = array<i32>} : memref<16xf32, #tpu.memory_space<vmem>>, vector<16xf32>,
    "tpu.region"() ({
      %run_scoped3A = tpu.sem_alloc : memref<!tpu.dma_semaphore, #tpu.memory_space<semaphore_mem>>
      %dma_start3A_176 = arith.constant 0 : i32
      %dma_start3A_177 = tpu.memref_slice %arg10[%add3A, %dma_start3A_176] : memref<32x16xf32, #tpu.memory_space<hbm>> -> memref<1x16xf32, #tpu.memory_space<hbm>>
      %dma_start3A_178 = tpu.memref_squeeze %dma_start3A_177 : memref<1x16xf32, #tpu.memory_space<hbm>> -> memref<16xf32, #tpu.memory_space<hbm>>
      %dma_start3A_179 = arith.constant 0 : i32
      %dma_start3A_180 = tpu.memref_slice %arg10[%add3A, %dma_start3A_179] : memref<32x16xf32, #tpu.memory_space<hbm>> -> memref<1x16xf32, #tpu.memory_space<hbm>>
      %dma_start3A_181 = tpu.memref_squeeze %dma_start3A_180 : memref<1x16xf32, #tpu.memory_space<hbm>> -> memref<16xf32, #tpu.memory_space<hbm>>
      tpu.enqueue_dma source(%arg24 : memref<16xf32, #tpu.memory_space<vmem>>) target(%dma_start3A_181 : memref<16xf32, #tpu.memory_space<hbm>>) target_semaphore(%run_scoped3A : memref<!tpu.dma_semaphore, #tpu.memory_space<semaphore_mem>>)
      %dma_wait3A_182 = arith.constant 0 : i32
      %dma_wait3A_183 = tpu.memref_slice %arg10[%add3A, %dma_wait3A_182] : memref<32x16xf32, #tpu.memory_space<hbm>> -> memref<1x16xf32, #tpu.memory_space<hbm>>
      %dma_wait3A_184 = tpu.memref_squeeze %dma_wait3A_183 : memref<1x16xf32, #tpu.memory_space<hbm>> -> memref<16xf32, #tpu.memory_space<hbm>>
      %dma_wait3A_185 = arith.constant 0 : i32
      %dma_wait3A_186 = tpu.memref_slice %arg10[%add3A, %dma_wait3A_185] : memref<32x16xf32, #tpu.memory_space<hbm>> -> memref<1x16xf32, #tpu.memory_space<hbm>>
      %dma_wait3A_187 = tpu.memref_squeeze %dma_wait3A_186 : memref<1x16xf32, #tpu.memory_space<hbm>> -> memref<16xf32, #tpu.memory_space<hbm>>
      tpu.wait_dma2 semaphore(%run_scoped3A : memref<!tpu.dma_semaphore, #tpu.memory_space<semaphore_mem>>) src(%arg24 : memref<16xf32, #tpu.memory_space<vmem>>) dst(%dma_wait3A_187 : memref<16xf32, #tpu.memory_space<hbm>>)
      tpu.yield
    }) : () -> ()
    return
  }
}

</mosaic_0001>

<sc_bundles>
// kernel: _glove.3.cloned.1.call-start
scs
__scs_entry_jumppad:
0x0: {  	(pc) =	sbr.rel $0x88, $3  }
0x1: {  	(tag) =	ssettag $0x0;
	lr =	simm.s32 $0x1  }
0x2: {  	[smem:$0x3F99] =	sst lr;
	_ =	strace $0xD0000000  }
0x3: {  	_ = 	snop  }
0x4: {  	_ = 	snop  }
0x5: {  	_ = 	snop  }
0x6: {  	_ = 	snop  }
0x7: {  	_ = 	snop  }
__scs_overlays_trampoline_lowered:
0x8: {  	[smem:$0x3FA8] =	sst s0  }
0x9: {  	[smem:$0x3FA9] =	sst s1  }
0xa: {  	[smem:$0x3FAA] =	sst s2  }
0xb: {  	[smem:$0x3FAB] =	sst s3  }
0xc: {  	[smem:$0x3FAC] =	sst s4  }
0xd: {  	[smem:$0x3FAD] =	sst s5  }
0xe: {  	[smem:$0x3FAE] =	sst s6  }
0xf: {  	[smem:$0x3FAF] =	sst s7  }
0x10: {  	[smem:$0x3FB0] =	sst s8  }
0x11: {  	[smem:$0x3FB1] =	sst s9;
	s0 =	simm.s32 @!p0 $0x0  }
0x12: {  	s1 =	sld [smem:$0x3F97];
	s0 =	simm.s32 @p0 $0x1  }
0x13: {  	[smem:$0x3FB2] =	sst s0;
	s0 =	simm.s32 @!p1 $0x0  }
0x14: {  	s2 =	sld [smem:$0x3F96];
	s0 =	simm.s32 @p1 $0x1  }
0x15: {  	[smem:$0x3FB3] =	sst s0;
	s0 =	simm.s32 @!p2 $0x0  }
0x16: {  	s3 =	sld [smem:$0x3FDB];
	s0 =	simm.s32 @p2 $0x1  }
0x17: {  	s4 =	simm.s32 $0x1BF5;
	[smem:$0x3FB5] =	sst s0  }
0x18: {  	s0 =	sld [smem:$0x3F98];
	_ =	swait.ge [sflag:s4], $0x0  }
0x19: {  	s7 =	sld [smem:$0x3F99]  }
0x1a: {  	s8 =	sadd.s32 $0xFFFFE003, lr  }
0x1b: {  	s9 =	sadd.s32 $0xFFFFFEF7, lr;
	s5 =	simm.s32 $0xFFFFFFFF;
	p2 =	slt.u32 s8, $0xFFFFF086  }
0x1c: {  	p1 =	slt.u32 s9, $0xF7A;
	s5 =	simm.s32 @!p2 $0x0  }
0x1d: {  	s5 =	simm.s32 @p1 $0x1;
	p0 =	seq.s32 s7, s2  }
0x1e: {  	s7 =	smul.u32 @!p0 $0xF7A, s2;
	p2 =	seq.s32 @!p0 s5, $0x0  }
0x1f: {  	s9 =	smul.u32 $0xF7A, s1;
	s8 =	simm.s32 @!p0 $0x1BF5;
	p2 =	por !p2, p0  }
0x20: {  	[sflag:s8] =	ssyncset.s32 @!p0 $0xFFFFF086;
	s6 =	sadd.s32 @!p0 s3, s7;
	s7 =	simm.s32 @!p0 $0x108  }
0x21: {  	s3 =	sadd.s32 s3, s9;
	s6 =	sadd.s32 @!p0 $0x88, s6;
	s7 =	simm.s32 @p2 $0x1082  }
0x22: {  	[simem:s7], [sflag:s8] =	dma.local @!p0 [hbm:s6], $0xF7A  }
0x23: {  	s9 =	sor.u32 $0xD0000000, s2;
	s6 =	simm.s32 $0x108;
	_ =	swait.ge @!p0 [sflag:s8], $0x0  }
0x24: {  	s3 =	sadd.s32 $0x88, s3;
	s6 =	simm.s32 @!p1 $0x1082;
	[sflag:s4] =	ssyncset.s32 $0xFFFFF086  }
0x25: {  	[simem:s6], [sflag:s4] =	dma.local [hbm:s3], $0xF7A  }
0x26: {  	[smem:$0x3F99] =	sst s1;
	(tag) =	ssettag s2;
	_ =	strace s9  }
0x27: {  	s1 =	sld [smem:$0x3FA9]  }
0x28: {  	s2 =	sld [smem:$0x3FAA]  }
0x29: {  	s4 =	sld [smem:$0x3FAC]  }
0x2a: {  	p0 =	seq.s32 s5, $0x0;
	s5 =	sld [smem:$0x3FAD]  }
0x2b: {  	s6 =	sld [smem:$0x3FAE]  }
0x2c: {  	s7 =	sld [smem:$0x3FAF]  }
0x2d: {  	s3 =	simm.s32 $0x108;
	s8 =	sld [smem:$0x3FB0]  }
0x2e: {  	s3 =	simm.s32 @!p0 $0x1082;
	s9 =	sld [smem:$0x3FB1]  }
0x2f: {  	lr =	sadd.s32 s0, s3;
	s0 =	sld [smem:$0x3FA8]  }
0x30: {  	s3 =	sld [smem:$0x3FAB]  }
0x31: {  	[smem:$0x3FB4] =	sst s10  }
0x32: {  	s10 =	sld [smem:$0x3FB2];
	_ =	sdelay $0x3  }
0x33: {  	p0 =	seq.s32 s10, $0x1;
	s10 =	sld [smem:$0x3FB4];
	_ =	sdelay $0x3  }
0x34: {  	[smem:$0x3FB4] =	sst s10  }
0x35: {  	s10 =	sld [smem:$0x3FB3];
	_ =	sdelay $0x3  }
0x36: {  	p1 =	seq.s32 s10, $0x1;
	s10 =	sld [smem:$0x3FB4];
	_ =	sdelay $0x3  }
0x37: {  	[smem:$0x3FB4] =	sst s10  }
0x38: {  	s10 =	sld [smem:$0x3FB5]  }
0x39: {  	_ = 	snop;
	(pc) =	sbr.ind lr, $3  }
0x3a: {  	_ = 	snop  }
0x3b: {  	_ = 	snop  }
0x3c: {  	p2 =	seq.s32 s10, $0x1;
	s10 =	sld [smem:$0x3FB4]  }
0x3d: {  	_ =	shalt  }
0x3e: {  	_ =	shalt  }
0x3f: {  	_ =	shalt  }
0x40: {  	_ =	shalt  }
0x41: {  	_ =	shalt  }
0x42: {  	_ =	shalt  }
0x43: {  	_ =	shalt  }
0x44: {  	_ =	shalt  }
0x45: {  	_ =	shalt  }
0x46: {  	_ =	shalt  }
0x47: {  	_ =	shalt  }
0x48: {  	_ =	shalt  }
0x49: {  	_ =	shalt  }
0x4a: {  	_ =	shalt  }
0x4b: {  	_ =	shalt  }
0x4c: {  	_ =	shalt  }
0x4d: {  	_ =	shalt  }
0x4e: {  	_ =	shalt  }
0x4f: {  	_ =	shalt  }
0x50: {  	_ =	shalt  }
0x51: {  	_ =	shalt  }
0x52: {  	_ =	shalt  }
0x53: {  	_ =	shalt  }
0x54: {  	_ =	shalt  }
0x55: {  	_ =	shalt  }
0x56: {  	_ =	shalt  }
0x57: {  	_ =	shalt  }
0x58: {  	_ =	shalt  }
0x59: {  	_ =	shalt  }
0x5a: {  	_ =	shalt  }
0x5b: {  	_ =	shalt  }
0x5c: {  	_ =	shalt  }
0x5d: {  	_ =	shalt  }
0x5e: {  	_ =	shalt  }
0x5f: {  	_ =	shalt  }
0x60: {  	_ =	shalt  }
0x61: {  	_ =	shalt  }
0x62: {  	_ =	shalt  }
0x63: {  	_ =	shalt  }
0x64: {  	_ =	shalt  }
0x65: {  	_ =	shalt  }
0x66: {  	_ =	shalt  }
0x67: {  	_ =	shalt  }
0x68: {  	_ =	shalt  }
0x69: {  	_ =	shalt  }
0x6a: {  	_ =	shalt  }
0x6b: {  	_ =	shalt  }
0x6c: {  	_ =	shalt  }
0x6d: {  	_ =	shalt  }
0x6e: {  	_ =	shalt  }
0x6f: {  	_ =	shalt  }
0x70: {  	_ =	shalt  }
0x71: {  	_ =	shalt  }
0x72: {  	_ =	shalt  }
0x73: {  	_ =	shalt  }
0x74: {  	_ =	shalt  }
0x75: {  	_ =	shalt  }
0x76: {  	_ =	shalt  }
0x77: {  	_ =	shalt  }
0x78: {  	_ =	shalt  }
0x79: {  	_ =	shalt  }
0x7a: {  	_ =	shalt  }
0x7b: {  	_ =	shalt  }
0x7c: {  	_ =	shalt  }
0x7d: {  	_ =	shalt  }
0x7e: {  	_ =	shalt  }
0x7f: {  	_ =	shalt  }
0x80: {  	_ =	shalt  }
0x81: {  	_ =	shalt  }
0x82: {  	_ =	shalt  }
0x83: {  	_ =	shalt  }
0x84: {  	_ =	shalt  }
0x85: {  	_ =	shalt  }
0x86: {  	_ =	shalt  }
0x87: {  	_ =	shalt  }
.Lfunc_end0:
.L_simem_size_0:
called_computation_lowered:
.L_overlay_start_0:
0x88: {  	s2 =	sld [smem:$0x3FD9]  }
0x89: {  	s3 =	sld [smem:$0x3FFE];
	_ =	sdelay $0x1  }
0x8a: {  	s1 =	srdreg.scid  }
0x8b: {  	s0 =	sand.u32 $0x1, s1  }
0x8c: {  	s17 =	sshll.u32 s0, $0xA;
	s2 =	sadd.s32 s3, s2  }
0x8d: {  	s2 =	sadd.s32 s2, s17  }
0x8e: {  	[smem:$0x3FC0] =	sst s2  }
0x8f: {  	_ = 	snop  }
0x90: {  	s2 =	sld [smem:$0x3FC9]  }
0x91: {  	s18 =	sld [smem:$0x3FC8]  }
0x92: {  	s4 =	sld [smem:$0x3FC7]  }
0x93: {  	s5 =	sld [smem:$0x3FC6]  }
0x94: {  	s6 =	sld [smem:$0x3FC5]  }
0x95: {  	s7 =	sld [smem:$0x3FC4]  }
0x96: {  	s8 =	sld [smem:$0x3FC3]  }
0x97: {  	s9 =	sld [smem:$0x3FC2];
	(tm) =	ssettm $0x1  }
0x98: {  	s10 =	sld [smem:$0x3FFB];
	_ =	sdelay $0x3  }
0x99: {  	_ =	strace s10  }
0x9a: {  	s10 =	sld [smem:$0x3FFC];
	_ =	sdelay $0x3  }
0x9b: {  	_ =	strace s10  }
0x9c: {  	s10 =	sld [smem:$0x3FFD];
	_ =	sdelay $0x3  }
0x9d: {  	_ =	strace s10  }
0x9e: {  	_ =	strace $0x8FFFFFFF  }
0x9f: {  	s19 =	sld [smem:$0x3FDB];
	_ =	sdelay $0x1  }
0xa0: {  	s11 =	simm.s32 $_scs_section_size  }
0xa1: {  	s12 =	simm.s32 $_size__tile_overlayer_lowered;
	s13 =	simm.s32 $_tile_overlayer_lowered  }
0xa2: {  	s22 =	simm.s32 $0x1BFF;
	s21 =	sshll.u32 s13, $0x1;
	s10 =	sadd.s32 s11, s19  }
0xa3: {  	s14 =	simm.s32 $0x0;
	s20 =	sshll.u32 s12, $0x1;
	s12 =	sadd.s32 s21, s10  }
0xa4: {  	[timem:s14], [sflag:s22] =	dma.local [hbm:s12], s20  }
0xa5: {  	_ =	swait.ge [sflag:s22], s20  }
0xa6: {  	s11 =	ssub.s32 $0x0, s20;
	[sflag:s22] =	ssyncset.done $0x0  }
0xa7: {  	[sflag:s22] =	ssyncadd.s32 s11;
	_ =	sdelay $0x1  }
0xa8: {  	s23 =	simm.s32 $0x1B8B  }
0xa9: {  	_ =	swait.ge [sflag:s23], $0x1  }
0xaa: {  	[sflag:s23] =	ssyncset.done $0x0  }
0xab: {  	s25 =	simm.s32 $0x1B8E;
	s24 =	sld [smem:$0x3FFE];
	[sflag:s23] =	ssyncadd.s32 $0xFFFFFFFF  }
0xac: {  	s26 =	simm.s32 $execute0_lowered;
	[smem:$0x3FD2] =	sst s25  }
0xad: {  	s12 =	sshll.u32 s26, $0x1;
	_ =	strace $0x80000046;
	[dreg:$0x1] =	wrdreg $0xFFFFFFFF  }
0xae: {  	s28 =	simm.s32 $_size_execute0_lowered;
	s10 =	sadd.s32 s10, s12;
	[dreg:$0x0] =	wrdreg $0x0  }
0xaf: {  	s12 =	sshll.u32 s28, $0x1;
	[dreg:$0x2] =	wrdreg s10  }
0xb0: {  	[dreg:$0x3] =	wrdreg s12  }
0xb1: {  	[dreg:$0x4] =	wrdreg $0xC0  }
0xb2: {  	_ =	task [dreg:s14], $0x5FFFF  }
0xb3: {  	[dreg:$0x1] =	wrdreg $0xFFFFFFFF  }
0xb4: {  	[dreg:$0x0] =	wrdreg $0x60  }
0xb5: {  	[dreg:$0x2] =	wrdreg s2  }
0xb6: {  	[dreg:$0x3] =	wrdreg s18  }
0xb7: {  	[dreg:$0x4] =	wrdreg s4  }
0xb8: {  	[dreg:$0x5] =	wrdreg s5  }
0xb9: {  	[dreg:$0x6] =	wrdreg s6  }
0xba: {  	[dreg:$0x7] =	wrdreg s7  }
0xbb: {  	[dreg:$0x8] =	wrdreg s8  }
0xbc: {  	[dreg:$0x9] =	wrdreg s9  }
0xbd: {  	[dreg:$0xa] =	wrdreg s24  }
0xbe: {  	[dreg:$0xb] =	wrdreg $0x9  }
0xbf: {  	_ =	task.clear_ibuf [dreg:s14], $0xCFFFF;
	_ =	strace $0x90000046  }
0xc0: {  	s29 =	simm.s32 $0x9;
	_ =	strace $0x80000048  }
0xc1: {  	_ =	swait.ge [sflag:s29], $0x1  }
0xc2: {  	[sflag:s29] =	ssyncadd.s32 $0xFFFFFFFF  }
0xc3: {  	_ =	strace $0x90000048  }
0xc4: {  	_ =	sfence  }
0xc5: {  	s30 =	sld [smem:$0x0];
	_ =	sdelay $0x2  }
0xc6: {  	s31 =	sshll.u32 s1, $0xD;
	s1 =	sshrl.u32 s1, $0x2  }
0xc7: {  	s3 =	sand.u32 $0x4000, s31;
	s1 =	sadd.s32 s1, s30  }
0xc8: {  	s0 =	sor.u32 s3, s0;
	s1 =	sshll.u32 s1, $0x11  }
0xc9: {  	s0 =	sor.u32 s1, s0  }
0xca: {  	s0 =	sadd.s32 $0x8F2B, s0  }
0xcb: {  	[sflag:s0] =	ssyncadd.remote.s32 $0x1  }
0xcc: {  	_ =	sfence.sel $0xFFFF  }
0xcd: {  	[dreg:$0x0] =	wrdreg $0xFFFFFFFF;
	(pc) =	sbr.abs _section_cstart, $3  }
0xce: {  	[dreg:$0x1] =	wrdreg $0xFFFFFFFF  }
0xcf: {  	_ =	task.clear_ibuf [dreg:s14], $0x2FFFF;
	_ =	strace $0x9FFFFFFF  }
0xd0: {  	(tm) =	ssettm $0x7FFFFFFF  }
0xd1: {  	_ =	shalt  }
tec
execute0_lowered:
.L_overlay_start_1:
0x0: {  	(tag) =	ssettag $0x1  }
0x1: {  	s0 =	rddreg [dreg:$0x0]  }
0x2: {  	s4 =	rddreg [dreg:$0x1]  }
0x3: {  	s7 =	rddreg [dreg:$0x2]  }
0x4: {  	s8 =	rddreg [dreg:$0x3]  }
0x5: {  	s1 =	rddreg [dreg:$0x4]  }
0x6: {  	s2 =	rddreg [dreg:$0x5]  }
0x7: {  	s3 =	rddreg [dreg:$0x6]  }
0x8: {  	s5 =	rddreg [dreg:$0x7]  }
0x9: {  	s11 =	rddreg [dreg:$0x8]  }
0xa: {  	s6 =	srdreg.scid;
	s12 =	stileid.u32;
	s14 =	simm.s32 $0x3  }
0xb: {  	s16 =	simm.s32 $0x200;
	s17 =	simm.s32 $0x80;
	s22 =	simm.s32 $0x1  }
0xc: {  	s29 =	simm.s32 $0x10A00;
	s30 =	simm.s32 $0x2;
	s31 =	simm.s32 $0x100  }
0xd: {  	s15 =	simm.s32 $0x0;
	s9 =	sand.u32 $0x1, s6;
	s6 =	simm.s32 $0x0  }
0xe: {  	s12 =	sshll.u32 s12, $0x1;
	s10 =	ssub.s32 $0x2, s9;
	[smem:$0x7FF] =	sst s6  }
0xf: {  	s9 =	sor.u32 s9, s12;
	s13 =	sshrl.u32 s10, $0x1;
	_ =	strace $0x80000047  }
0x10: {  	s26 =	sshll.u32 s9, $0x6;
	s28 =	sshll.u32 s9, $0x4;
	s25 =	ssub.s32 s10, s13  }
0x11: {  	s7 =	sadd.s32 s7, s26;
	s8 =	sadd.s32 s8, s26;
	s9 =	sadd.s32 s0, s26  }
0x12: {  	v0 =	vlaneseq.u32;
	s10 =	sadd.s32 s4, s26;
	s11 =	sadd.s32 s11, s28;
	s0 =	simm.s32 $0x300  }
0x13: {  	v0 =	vmul.u32 $0x80, v0;
	s4 =	simm.s32 $0x180;
	s13 =	simm.s32 $0x380;
	s12 =	smax.u32 s25, $0x1  }
.LBB2_1:
0x14: {  	s18 =	simm.s32 $0x400  }
0x15: {  	[tilespmem:s18], [sflag:$0x3] =	stream.linear.gather [hbm4b:s7+s6], $0x200, $0x38;
	[tilespmem:$0x14A80] =	vst v63  }
0x16: {  	_ =	swait.ge [sflag:s14], $0x200  }
0x17: {  	[sflag:s14] =	ssyncset.done $0x0  }
0x18: {  	s28 =	simm.s32 $0x600;
	[sflag:s14] =	ssyncadd.s32 $0xFFFFFE00  }
0x19: {  	[tilespmem:s28], [sflag:$0x3] =	stream.linear.gather [hbm4b:s8+s6], $0x200, $0x38;
	[tilespmem:$0x14A80] =	vst v63  }
0x1a: {  	_ =	swait.ge [sflag:s14], $0x200  }
0x1b: {  	[sflag:s14] =	ssyncset.done $0x0  }
0x1c: {  	[sflag:s14] =	ssyncadd.s32 $0xFFFFFE00  }
0x1d: {  	[tilespmem:s6], [sflag:$0x3] =	stream.linear.gather [hbm4b:s9+s6], $0x200, $0x38;
	[tilespmem:$0x14A80] =	vst v63  }
0x1e: {  	_ =	swait.ge [sflag:s14], $0x200  }
0x1f: {  	[sflag:s14] =	ssyncset.done $0x0  }
0x20: {  	[sflag:s14] =	ssyncadd.s32 $0xFFFFFE00  }
0x21: {  	[tilespmem:s16], [sflag:$0x3] =	stream.linear.gather [hbm4b:s10+s6], $0x200, $0x38;
	[tilespmem:$0x14A80] =	vst v63  }
0x22: {  	_ =	swait.ge [sflag:s14], $0x200  }
0x23: {  	[sflag:s14] =	ssyncset.done $0x0  }
0x24: {  	s19 =	simm.s32 $0x800;
	[sflag:s14] =	ssyncadd.s32 $0xFFFFFE00  }
0x25: {  	[tilespmem:s19], [sflag:$0x1] =	stream.indirect.gather [hbm4b:s1+s17], $0x80, s6, s17, $0xb8;
	[tilespmem:$0x14A80] =	vst v63  }
0x26: {  	s20 =	simm.s32 $0x4800  }
0x27: {  	[tilespmem:s20], [sflag:$0x1] =	stream.indirect.gather [hbm4b:s2+s17], $0x80, s16, s17, $0xb8;
	[tilespmem:$0x14A80] =	vst v63  }
0x28: {  	s21 =	simm.s32 $0x8800  }
0x29: {  	[tilespmem:s21], [sflag:$0x1] =	stream.indirect.gather [hbm4b:s3+s17], $0x1, s6, s17, $0xb8;
	[tilespmem:$0x14A80] =	vst v63  }
0x2a: {  	s23 =	simm.s32 $0x8880  }
0x2b: {  	[tilespmem:s23], [sflag:$0x1] =	stream.indirect.gather [hbm4b:s5+s17], $0x1, s16, s17, $0xb8;
	[tilespmem:$0x14A80] =	vst v63  }
0x2c: {  	_ =	swait.ge [sflag:s22], $0x4000  }
0x2d: {  	[sflag:s22] =	ssyncset.done $0x0  }
0x2e: {  	[sflag:s22] =	ssyncadd.s32 $0xFFFFC000  }
0x2f: {  	_ =	swait.ge [sflag:s22], $0x4000  }
0x30: {  	[sflag:s22] =	ssyncset.done $0x0  }
0x31: {  	[sflag:s22] =	ssyncadd.s32 $0xFFFFC000  }
0x32: {  	_ =	swait.ge [sflag:s22], $0x80  }
0x33: {  	[sflag:s22] =	ssyncset.done $0x0  }
0x34: {  	[sflag:s22] =	ssyncadd.s32 $0xFFFFFF80  }
0x35: {  	_ =	swait.ge [sflag:s22], $0x80  }
0x36: {  	[sflag:s22] =	ssyncset.done $0x0  }
0x37: {  	s24 =	simm.s32 $0x8900;
	[sflag:s22] =	ssyncadd.s32 $0xFFFFFF80  }
0x38: {  	[tilespmem:s24], [sflag:$0x2] =	stream.indirect.gather [hbm4b:s1+s17], $0x80, s17, s17, $0xb8;
	[tilespmem:$0x14A80] =	vst v63  }
0x39: {  	s25 =	simm.s32 $0x280;
	s19 =	simm.s32 $0xC900  }
0x3a: {  	[tilespmem:s19], [sflag:$0x2] =	stream.indirect.gather [hbm4b:s2+s17], $0x80, s25, s17, $0xb8;
	[tilespmem:$0x14A80] =	vst v63  }
0x3b: {  	s26 =	simm.s32 $0x10900  }
0x3c: {  	[tilespmem:s26], [sflag:$0x2] =	stream.indirect.gather [hbm4b:s3+s17], $0x1, s17, s17, $0xb8;
	[tilespmem:$0x14A80] =	vst v63  }
0x3d: {  	s28 =	simm.s32 $0x10980;
	s26 =	simm.s32 $0x900  }
0x3e: {  	[tilespmem:s28], [sflag:$0x2] =	stream.indirect.gather [hbm4b:s5+s17], $0x1, s25, s17, $0xb8;
	[tilespmem:$0x14A80] =	vst v63  }
0x3f: {  	s21 =	simm.s32 $0x4900;
	v1 =	vld [tilespmem:s26+$0x80]  }
0x40: {  	v3 =	vld [tilespmem:s21+$0x80]  }
0x41: {  	v4 =	vld [tilespmem:s26+$0x90]  }
0x42: {  	v5 =	vld [tilespmem:s21+$0x90]  }
0x43: {  	v6 =	vld [tilespmem:s26+$0xA0]  }
0x44: {  	v7 =	vld [tilespmem:s21+$0xA0]  }
0x45: {  	v8 =	vld [tilespmem:s26+$0xB0]  }
0x46: {  	v9 =	vld [tilespmem:s21+$0xB0]  }
0x47: {  	v10 =	vld [tilespmem:s26+$0xC0]  }
0x48: {  	v11 =	vld [tilespmem:s21+$0xC0]  }
0x49: {  	v12 =	vld [tilespmem:s26+$0xD0]  }
0x4a: {  	v13 =	vld [tilespmem:s21+$0xD0]  }
0x4b: {  	v14 =	vld [tilespmem:s26+$0xE0]  }
0x4c: {  	v15 =	vld [tilespmem:s21+$0xE0]  }
0x4d: {  	v16 =	vld [tilespmem:s26+$0xF0]  }
0x4e: {  	v17 =	vld [tilespmem:s21+$0xF0]  }
0x4f: {  	v2 =	vld [tilespmem:s21+$0xFFFFFF00]  }
0x50: {  	v18 =	vld [tilespmem:s26+$0xFFFFFF10]  }
0x51: {  	v19 =	vld [tilespmem:s21+$0xFFFFFF10]  }
0x52: {  	v20 =	vld [tilespmem:s26+$0xFFFFFF20]  }
0x53: {  	v21 =	vld [tilespmem:s21+$0xFFFFFF20]  }
0x54: {  	v22 =	vld [tilespmem:s26+$0xFFFFFF30]  }
0x55: {  	v23 =	vld [tilespmem:s21+$0xFFFFFF30]  }
0x56: {  	v24 =	vld [tilespmem:s26+$0xFFFFFF40]  }
0x57: {  	v25 =	vld [tilespmem:s21+$0xFFFFFF40]  }
0x58: {  	v26 =	vld [tilespmem:s26+$0xFFFFFF50]  }
0x59: {  	v27 =	vld [tilespmem:s21+$0xFFFFFF50]  }
0x5a: {  	v28 =	vld [tilespmem:s26+$0xFFFFFF60]  }
0x5b: {  	v29 =	vld [tilespmem:s21+$0xFFFFFF60]  }
0x5c: {  	v30 =	vld [tilespmem:s26+$0xFFFFFF70]  }
0x5d: {  	v31 =	vld [tilespmem:s21+$0xFFFFFF70]  }
0x5e: {  	v32 =	vld [tilespmem:s26+$0xFFFFFF80]  }
0x5f: {  	v33 =	vld [tilespmem:s21+$0xFFFFFF80]  }
0x60: {  	v34 =	vld [tilespmem:s26+$0xFFFFFF90]  }
0x61: {  	v35 =	vld [tilespmem:s21+$0xFFFFFF90]  }
0x62: {  	v36 =	vld [tilespmem:s26+$0xFFFFFFA0]  }
0x63: {  	v37 =	vld [tilespmem:s21+$0xFFFFFFA0]  }
0x64: {  	v38 =	vld [tilespmem:s26+$0xFFFFFFB0]  }
0x65: {  	v39 =	vld [tilespmem:s21+$0xFFFFFFB0]  }
0x66: {  	v40 =	vld [tilespmem:s26+$0xFFFFFFC0]  }
0x67: {  	v41 =	vld [tilespmem:s21+$0xFFFFFFC0]  }
0x68: {  	v42 =	vld [tilespmem:s26+$0xFFFFFFD0]  }
0x69: {  	v43 =	vld [tilespmem:s21+$0xFFFFFFD0]  }
0x6a: {  	v44 =	vld [tilespmem:s26+$0xFFFFFFE0]  }
0x6b: {  	v45 =	vld [tilespmem:s21+$0xFFFFFFE0];
	v1 =	vmul.f32 v3, v1  }
0x6c: {  	v53 =	vld [tilespmem:s21+$0x20];
	v3 =	vmul.f32 v5, v4;
	v5 =	vmul.f32 v7, v6  }
0x6d: {  	v56 =	vld [tilespmem:s26+$0x30];
	v6 =	vmul.f32 v9, v8;
	v8 =	vmul.f32 v11, v10  }
0x6e: {  	v4 =	vld [tilespmem:s26+$0xFFFFFFF0];
	v9 =	vmul.f32 v13, v12;
	v11 =	vmul.f32 v15, v14  }
0x6f: {  	v7 =	vld [tilespmem:s21+$0xFFFFFFF0];
	v12 =	vmul.f32 v17, v16;
	v15 =	vmul.f32 v39, v38  }
0x70: {  	v10 =	vld [tilespmem:s26+$0x0];
	v54 =	vmul.f32 v41, v40;
	v55 =	vmul.f32 v43, v42  }
0x71: {  	v13 =	vld [tilespmem:s21+$0x0];
	v24 =	vmul.f32 v25, v24;
	v1 =	vadd.f32 v3, v1;
	v3 =	vadd.f32 v6, v5  }
0x72: {  	v14 =	vld [tilespmem:s26+$0x20];
	v57 =	vmul.f32 v29, v28;
	v6 =	vadd.f32 v9, v8;
	v8 =	vadd.f32 v12, v11  }
0x73: {  	v58 =	vmul.f32 v31, v30;
	v5 =	vld [tilespmem:s26+$0x10];
	v11 =	vmul.f32 v21, v20  }
0x74: {  	v9 =	vld [tilespmem:s21+$0x10];
	v12 =	vmul.f32 v35, v34;
	v1 =	vadd.f32 v3, v1;
	v6 =	vadd.f32 v8, v6  }
0x75: {  	v3 =	vmul.f32 v33, v32;
	v4 =	vmul.f32 v7, v4;
	v7 =	vld [tilespmem:s21+$0x30]  }
0x76: {  	v59 =	vld [tilespmem:s26+$0x50];
	v8 =	vmul.f32 v37, v36;
	v1 =	vadd.f32 v6, v1;
	v6 =	vmul.f32 v45, v44  }
0x77: {  	v17 =	vadd.f32 v55, v54;
	v10 =	vmul.f32 v13, v10;
	v13 =	vld [tilespmem:s21+$0x50];
	v3 =	vadd.f32 v12, v3  }
0x78: {  	v14 =	vmul.f32 v53, v14;
	v8 =	vadd.f32 v15, v8;
	v12 =	vld [tilespmem:s26+$0x40];
	v4 =	vadd.f32 v4, v6  }
0x79: {  	v20 =	vadd.f32 v58, v57;
	v15 =	vmul.f32 v27, v26;
	v5 =	vmul.f32 v9, v5;
	v6 =	vld [tilespmem:s21+$0x40]  }
0x7a: {  	v3 =	vadd.f32 v8, v3;
	v8 =	vld [tilespmem:s21+$0x60];
	v4 =	vadd.f32 v4, v17;
	v60 =	vmul.f32 v7, v56  }
0x7b: {  	s24 =	simm.s32 $0x10B00;
	v61 =	vmul.f32 v23, v22;
	v15 =	vadd.f32 v15, v24;
	v63 =	vadd.f32 v5, v10;
	v7 =	vld [tilespmem:s26+$0x60]  }
0x7c: {  	v9 =	vld [tilespmem:s26+$0x70];
	[tilespmem:s24+$0x80] =	vst v1;
	v1 =	vimm.f32 $0.0e+00;
	v62 =	vadd.f32 v4, v3;
	v14 =	vadd.f32 v60, v14  }
0x7d: {  	s18 =	simm.s32 $0x410;
	s20 =	simm.s32 $0x8890;
	s23 =	simm.s32 $0x610;
	v10 =	vld [tilespmem:s21+$0x70];
	v5 =	vadd.f32 v20, v15;
	v13 =	vmul.f32 v13, v59;
	v3 =	vmul.f32 v19, v18  }
0x7e: {  	s19 =	simm.s32 $0x8810;
	s25 =	simm.s32 $0x0;
	v4 =	vadd.f32 v61, v11;
	v11 =	vmul.f32 v6, v12;
	v12 =	vld [tilespmem:s26+$0xFFFFFF00];
	s26 =	simm.s32 $0xB00;
	[tilespmem:s24+$0xFFFFFF80] =	vst v62;
	v6 =	vadd.f32 v14, v63  }
.LBB2_2:
0x7f: {  	v14 =	vld [tilespmem:s26+$0x80];
	s21 =	sadd.s32 $0x200, s21  }
0x80: {  	v15 =	vld [tilespmem:s21+$0x80];
	v7 =	vmul.f32 v8, v7;
	v8 =	vadd.f32 v13, v11  }
0x81: {  	v11 =	vld [tilespmem:s26+$0x90]  }
0x82: {  	v13 =	vld [tilespmem:s21+$0x90];
	v9 =	vmul.f32 v10, v9  }
0x83: {  	v10 =	vld [tilespmem:s26+$0xA0];
	v2 =	vmul.f32 v2, v12  }
0x84: {  	v12 =	vld [tilespmem:s21+$0xA0];
	v7 =	vadd.f32 v9, v7  }
0x85: {  	v9 =	vld [tilespmem:s26+$0xB0];
	v2 =	vadd.f32 v3, v2  }
0x86: {  	v3 =	vld [tilespmem:s21+$0xB0];
	v7 =	vadd.f32 v7, v8  }
0x87: {  	v8 =	vld [tilespmem:s26+$0xC0];
	v2 =	vadd.f32 v4, v2  }
0x88: {  	v4 =	vld [tilespmem:s21+$0xC0];
	v6 =	vadd.f32 v7, v6  }
0x89: {  	v7 =	vld [tilespmem:s26+$0xD0];
	v2 =	vadd.f32 v5, v2  }
0x8a: {  	v5 =	vld [tilespmem:s21+$0xD0];
	[tilespmem:s24+$0x0] =	vst v6  }
0x8b: {  	v6 =	vld [tilespmem:s26+$0xE0];
	[tilespmem:s24+$0xFFFFFF00] =	vst v2  }
0x8c: {  	v16 =	vld [tilespmem:s21+$0xE0]  }
0x8d: {  	v17 =	vld [tilespmem:s26+$0xF0]  }
0x8e: {  	s25 =	sadd.s32 $0x4, s25;
	v18 =	vld [tilespmem:s21+$0xF0]  }
0x8f: {  	p0 =	slt.u32 s25, $0x7C;
	v2 =	vld [tilespmem:s21+$0xFFFFFF00]  }
0x90: {  	v14 =	vmul.f32 v15, v14;
	v11 =	vmul.f32 v13, v11;
	v19 =	vld [tilespmem:s26+$0xFFFFFF10]  }
0x91: {  	v10 =	vmul.f32 v12, v10;
	v3 =	vmul.f32 v3, v9;
	v13 =	vld [tilespmem:s21+$0xFFFFFF10]  }
0x92: {  	v4 =	vmul.f32 v4, v8;
	v5 =	vmul.f32 v5, v7;
	v9 =	vld [tilespmem:s26+$0xFFFFFF20]  }
0x93: {  	v6 =	vmul.f32 v16, v6;
	v7 =	vld [tilespmem:s21+$0xFFFFFF20];
	v8 =	vmul.f32 v18, v17  }
0x94: {  	v11 =	vadd.f32 v11, v14;
	v10 =	vadd.f32 v3, v10;
	v12 =	vld [tilespmem:s26+$0xFFFFFF30]  }
0x95: {  	v4 =	vadd.f32 v5, v4;
	v14 =	vld [tilespmem:s21+$0xFFFFFF30];
	v5 =	vadd.f32 v8, v6  }
0x96: {  	v3 =	vmul.f32 v13, v19;
	v6 =	vld [tilespmem:s26+$0xFFFFFF40]  }
0x97: {  	v10 =	vadd.f32 v10, v11;
	v8 =	vld [tilespmem:s21+$0xFFFFFF40];
	v4 =	vadd.f32 v5, v4  }
0x98: {  	v5 =	vmul.f32 v7, v9;
	v7 =	vld [tilespmem:s26+$0xFFFFFF50]  }
0x99: {  	v9 =	vld [tilespmem:s21+$0xFFFFFF50];
	v4 =	vadd.f32 v4, v10  }
0x9a: {  	s24 =	sadd.s32 $0x200, s24;
	v10 =	vmul.f32 v14, v12;
	v11 =	vld [tilespmem:s26+$0xFFFFFF60]  }
0x9b: {  	s28 =	simm.s32 $0x0;
	v12 =	vld [tilespmem:s21+$0xFFFFFF60];
	[tilespmem:s24+$0x80] =	vst v4  }
0x9c: {  	v6 =	vmul.f32 v8, v6;
	v8 =	vld [tilespmem:s26+$0xFFFFFF70];
	v4 =	vadd.f32 v10, v5  }
0x9d: {  	v5 =	vld [tilespmem:s21+$0xFFFFFF70]  }
0x9e: {  	v7 =	vmul.f32 v9, v7;
	v9 =	vld [tilespmem:s26+$0xFFFFFF80]  }
0x9f: {  	v10 =	vld [tilespmem:s21+$0xFFFFFF80]  }
0xa0: {  	v11 =	vmul.f32 v12, v11;
	v6 =	vadd.f32 v7, v6;
	v7 =	vld [tilespmem:s26+$0xFFFFFF90]  }
0xa1: {  	v12 =	vld [tilespmem:s21+$0xFFFFFF90]  }
0xa2: {  	v5 =	vmul.f32 v5, v8;
	v8 =	vld [tilespmem:s26+$0xFFFFFFA0]  }
0xa3: {  	v13 =	vld [tilespmem:s21+$0xFFFFFFA0]  }
0xa4: {  	v5 =	vadd.f32 v5, v11;
	v9 =	vmul.f32 v10, v9;
	v10 =	vld [tilespmem:s26+$0xFFFFFFB0]  }
0xa5: {  	v11 =	vld [tilespmem:s21+$0xFFFFFFB0]  }
0xa6: {  	v5 =	vadd.f32 v5, v6;
	v6 =	vmul.f32 v12, v7;
	v7 =	vld [tilespmem:s26+$0xFFFFFFC0]  }
0xa7: {  	v12 =	vld [tilespmem:s21+$0xFFFFFFC0]  }
0xa8: {  	v8 =	vmul.f32 v13, v8;
	v13 =	vld [tilespmem:s26+$0xFFFFFFD0];
	v6 =	vadd.f32 v6, v9  }
0xa9: {  	v9 =	vld [tilespmem:s21+$0xFFFFFFD0]  }
0xaa: {  	v10 =	vmul.f32 v11, v10;
	v11 =	vld [tilespmem:s26+$0xFFFFFFE0]  }
0xab: {  	v14 =	vld [tilespmem:s21+$0xFFFFFFE0]  }
0xac: {  	v7 =	vmul.f32 v12, v7;
	v12 =	vld [tilespmem:s26+$0xFFFFFFF0];
	v8 =	vadd.f32 v10, v8  }
0xad: {  	v10 =	vld [tilespmem:s21+$0xFFFFFFF0]  }
0xae: {  	v9 =	vmul.f32 v9, v13;
	v6 =	vadd.f32 v8, v6;
	v8 =	vld [tilespmem:s26+$0x0]  }
0xaf: {  	v13 =	vld [tilespmem:s21+$0x0]  }
0xb0: {  	v11 =	vmul.f32 v14, v11;
	v7 =	vadd.f32 v9, v7;
	v9 =	vld [tilespmem:s26+$0x10]  }
0xb1: {  	v14 =	vld [tilespmem:s21+$0x10]  }
0xb2: {  	v10 =	vmul.f32 v10, v12;
	v12 =	vld [tilespmem:s26+$0x20]  }
0xb3: {  	v15 =	vld [tilespmem:s21+$0x20]  }
0xb4: {  	v10 =	vadd.f32 v10, v11;
	v8 =	vmul.f32 v13, v8;
	v11 =	vld [tilespmem:s26+$0x30]  }
0xb5: {  	v13 =	vld [tilespmem:s21+$0x30]  }
0xb6: {  	v7 =	vadd.f32 v10, v7;
	v9 =	vmul.f32 v14, v9;
	v10 =	vld [tilespmem:s26+$0x40]  }
0xb7: {  	v14 =	vld [tilespmem:s21+$0x40]  }
0xb8: {  	v6 =	vadd.f32 v7, v6;
	v12 =	vmul.f32 v15, v12;
	v15 =	vld [tilespmem:s26+$0x50];
	v16 =	vadd.f32 v9, v8  }
0xb9: {  	v17 =	vld [tilespmem:s21+$0x50]  }
.Ltmp0:
0xba: {  	[tilespmem:s24+$0xFFFFFF80] =	vst v6;
	v6 =	vmul.f32 v13, v11;
	v7 =	vld [tilespmem:s26+$0x60];
	(pc) =	sbr.rel @p0 .LBB2_2-.Ltmp0, $4  }
0xbb: {  	v8 =	vld [tilespmem:s21+$0x60]  }
0xbc: {  	v11 =	vmul.f32 v14, v10;
	v9 =	vld [tilespmem:s26+$0x70];
	v6 =	vadd.f32 v6, v12  }
0xbd: {  	v10 =	vld [tilespmem:s21+$0x70]  }
0xbe: {  	v12 =	vld [tilespmem:s26+$0xFFFFFF00];
	v13 =	vmul.f32 v17, v15;
	v6 =	vadd.f32 v6, v16;
	s26 =	sadd.s32 $0x200, s26  }
0xbf: {  	_ =	sdelay $0x2  }
0xc0: {  	v7 =	vmul.f32 v8, v7;
	v8 =	vmul.f32 v10, v9  }
0xc1: {  	v2 =	vmul.f32 v2, v12  }
0xc2: {  	v9 =	vadd.f32 v13, v11;
	v7 =	vadd.f32 v8, v7  }
0xc3: {  	v2 =	vadd.f32 v3, v2;
	v3 =	vmov s28  }
0xc4: {  	s21 =	simm.s32 $0x10;
	v7 =	vadd.f32 v7, v9;
	v3 =	vshll.u32 v3, $0x7  }
0xc5: {  	v8 =	vmov s21;
	v2 =	vadd.f32 v4, v2;
	v3 =	vor.u32 v0, v3  }
0xc6: {  	v4 =	vshll.u32 v8, $0x7;
	v6 =	vadd.f32 v7, v6  }
0xc7: {  	v4 =	vor.u32 v0, v4;
	v2 =	vadd.f32 v5, v2  }
0xc8: {  	v8 =	vor.u32 $0x3, v3;
	[tilespmem:s24+$0x0] =	vst v6  }
0xc9: {  	v11 =	vor.u32 $0x4, v3;
	[tilespmem:s24+$0xFFFFFF00] =	vst v2  }
0xca: {  	v50 =	vor.u32 $0x5, v3;
	v7 =	vld.idx.msk [tilespmem:v3+s29+$0x0], $0xffff  }
0xcb: {  	v15 =	vor.u32 $0x6, v3;
	v35 =	vld [tilespmem:s18+$0x0]  }
0xcc: {  	v17 =	vor.u32 $0x7, v3;
	v9 =	vld.idx.msk [tilespmem:v4+s29+$0x0], $0xffff  }
0xcd: {  	v19 =	vor.u32 $0x8, v3;
	v8 =	vld.idx.msk [tilespmem:v8+s29+$0x0], $0xffff  }
0xce: {  	v21 =	vor.u32 $0x9, v3;
	v11 =	vld.idx.msk [tilespmem:v11+s29+$0x0], $0xffff  }
0xcf: {  	v23 =	vor.u32 $0xA, v3;
	v13 =	vld.idx.msk [tilespmem:v50+s29+$0x0], $0xffff  }
0xd0: {  	v25 =	vor.u32 $0xB, v3;
	v15 =	vld.idx.msk [tilespmem:v15+s29+$0x0], $0xffff  }
0xd1: {  	v27 =	vor.u32 $0xC, v3;
	v17 =	vld.idx.msk [tilespmem:v17+s29+$0x0], $0xffff  }
0xd2: {  	v29 =	vor.u32 $0xD, v3;
	v19 =	vld.idx.msk [tilespmem:v19+s29+$0x0], $0xffff  }
0xd3: {  	v5 =	vor.u32 $0x1, v3;
	v21 =	vld.idx.msk [tilespmem:v21+s29+$0x0], $0xffff  }
0xd4: {  	v10 =	vor.u32 $0x2, v4;
	v23 =	vld.idx.msk [tilespmem:v23+s29+$0x0], $0xffff  }
0xd5: {  	v49 =	vor.u32 $0x3, v4;
	v25 =	vld.idx.msk [tilespmem:v25+s29+$0x0], $0xffff  }
0xd6: {  	v14 =	vor.u32 $0x4, v4;
	v27 =	vld.idx.msk [tilespmem:v27+s29+$0x0], $0xffff  }
0xd7: {  	v16 =	vor.u32 $0x5, v4;
	v29 =	vld.idx.msk [tilespmem:v29+s29+$0x0], $0xffff  }
0xd8: {  	v18 =	vor.u32 $0x6, v4;
	v5 =	vld.idx.msk [tilespmem:v5+s29+$0x0], $0xffff  }
0xd9: {  	v20 =	vor.u32 $0x7, v4;
	v10 =	vld.idx.msk [tilespmem:v10+s29+$0x0], $0xffff  }
0xda: {  	v6 =	vor.u32 $0x1, v4;
	v12 =	vld.idx.msk [tilespmem:v49+s29+$0x0], $0xffff  }
0xdb: {  	v2 =	vor.u32 $0x2, v3;
	v14 =	vld.idx.msk [tilespmem:v14+s29+$0x0], $0xffff  }
0xdc: {  	v22 =	vor.u32 $0x8, v4;
	v16 =	vld.idx.msk [tilespmem:v16+s29+$0x0], $0xffff  }
0xdd: {  	v24 =	vor.u32 $0x9, v4;
	v18 =	vld.idx.msk [tilespmem:v18+s29+$0x0], $0xffff  }
0xde: {  	v26 =	vor.u32 $0xA, v4;
	v20 =	vld.idx.msk [tilespmem:v20+s29+$0x0], $0xffff  }
0xdf: {  	v28 =	vor.u32 $0xB, v4;
	v6 =	vld.idx.msk [tilespmem:v6+s29+$0x0], $0xffff  }
0xe0: {  	v30 =	vor.u32 $0xC, v4;
	v2 =	vld.idx.msk [tilespmem:v2+s29+$0x0], $0xffff  }
0xe1: {  	v32 =	vor.u32 $0xD, v4;
	v22 =	vld.idx.msk [tilespmem:v22+s29+$0x0], $0xffff  }
0xe2: {  	v24 =	vld.idx.msk [tilespmem:v24+s29+$0x0], $0xffff  }
0xe3: {  	v31 =	vor.u32 $0xE, v3;
	v3 =	vor.u32 $0xF, v3;
	v26 =	vld.idx.msk [tilespmem:v26+s29+$0x0], $0xffff;
	v5 =	vadd.f32 v5, v7  }
0xe4: {  	v33 =	vor.u32 $0xE, v4;
	v4 =	vor.u32 $0xF, v4;
	v28 =	vld.idx.msk [tilespmem:v28+s29+$0x0], $0xffff  }
0xe5: {  	v30 =	vld.idx.msk [tilespmem:v30+s29+$0x0], $0xffff;
	v2 =	vadd.f32 v2, v5;
	v5 =	vadd.f32 v6, v9  }
0xe6: {  	v51 =	vld.idx.msk [tilespmem:v32+s29+$0x0], $0xffff  }
0xe7: {  	v32 =	vld [tilespmem:s19+$0x0];
	v2 =	vadd.f32 v8, v2;
	v5 =	vadd.f32 v10, v5  }
0xe8: {  	v3 =	vld.idx.msk [tilespmem:v3+s29+$0x0], $0xffff  }
0xe9: {  	v4 =	vld.idx.msk [tilespmem:v4+s29+$0x0], $0xffff;
	v2 =	vadd.f32 v11, v2;
	v5 =	vadd.f32 v12, v5  }
0xea: {  	s26 =	simm.s32 $0x20;
	v7 =	vld.idx.msk [tilespmem:v31+s29+$0x0], $0xffff  }
0xeb: {  	v6 =	vld.idx.msk [tilespmem:v33+s29+$0x0], $0xffff;
	v8 =	vmov s26;
	v2 =	vadd.f32 v13, v2;
	v5 =	vadd.f32 v14, v5  }
0xec: {  	v9 =	vld [tilespmem:s23+$0x0];
	v8 =	vshll.u32 v8, $0x7  }
0xed: {  	s28 =	simm.s32 $0x30;
	v33 =	vld [tilespmem:s20+$0x0];
	v8 =	vor.u32 v0, v8;
	v2 =	vadd.f32 v15, v2;
	v5 =	vadd.f32 v16, v5  }
0xee: {  	v10 =	vld [tilespmem:s19+$0xFFFFFFF0];
	v11 =	vmov s28;
	v52 =	vor.u32 $0x1, v8  }
0xef: {  	v12 =	vld [tilespmem:s20+$0xFFFFFFF0];
	v34 =	vor.u32 $0x2, v8;
	v2 =	vadd.f32 v17, v2;
	v5 =	vadd.f32 v18, v5  }
0xf0: {  	v11 =	vshll.u32 v11, $0x7;
	v55 =	vor.u32 $0x3, v8;
	v13 =	vld [tilespmem:s18+$0xFFFFFFF0]  }
0xf1: {  	v11 =	vor.u32 v0, v11;
	v16 =	vld [tilespmem:s23+$0xFFFFFFF0];
	v2 =	vadd.f32 v19, v2;
	v5 =	vadd.f32 v20, v5  }
0xf2: {  	v53 =	vor.u32 $0x1, v11;
	v54 =	vld.idx.msk [tilespmem:v8+s29+$0x0], $0xffff  }
0xf3: {  	v59 =	vor.u32 $0x5, v8;
	v14 =	vld.idx.msk [tilespmem:v52+s29+$0x0], $0xffff;
	v2 =	vadd.f32 v21, v2;
	v5 =	vadd.f32 v22, v5  }
0xf4: {  	v37 =	vor.u32 $0x2, v11;
	v58 =	vld.idx.msk [tilespmem:v34+s29+$0x0], $0xffff  }
0xf5: {  	v56 =	vor.u32 $0x4, v8;
	v18 =	vld.idx.msk [tilespmem:v55+s29+$0x0], $0xffff;
	v2 =	vadd.f32 v23, v2;
	v5 =	vadd.f32 v24, v5  }
0xf6: {  	v57 =	vor.u32 $0x3, v11;
	v36 =	vld.idx.msk [tilespmem:v11+s29+$0x0], $0xffff  }
0xf7: {  	v61 =	vor.u32 $0x6, v8;
	v15 =	vld.idx.msk [tilespmem:v53+s29+$0x0], $0xffff;
	v2 =	vadd.f32 v25, v2;
	v5 =	vadd.f32 v26, v5  }
0xf8: {  	v60 =	vor.u32 $0x4, v11;
	v40 =	vld.idx.msk [tilespmem:v59+s29+$0x0], $0xffff  }
0xf9: {  	v39 =	vor.u32 $0x7, v8;
	v62 =	vld.idx.msk [tilespmem:v37+s29+$0x0], $0xffff;
	v2 =	vadd.f32 v27, v2;
	v5 =	vadd.f32 v28, v5  }
0xfa: {  	v63 =	vor.u32 $0x5, v11;
	v19 =	vld.idx.msk [tilespmem:v56+s29+$0x0], $0xffff;
	v14 =	vadd.f32 v14, v54  }
0xfb: {  	v42 =	vor.u32 $0x8, v8;
	v20 =	vld.idx.msk [tilespmem:v57+s29+$0x0], $0xffff;
	v2 =	vadd.f32 v29, v2;
	v5 =	vadd.f32 v30, v5  }
0xfc: {  	v41 =	vor.u32 $0x6, v11;
	v44 =	vld.idx.msk [tilespmem:v61+s29+$0x0], $0xffff;
	v15 =	vadd.f32 v15, v36;
	v14 =	vadd.f32 v58, v14  }
0xfd: {  	v46 =	vor.u32 $0x9, v8;
	v43 =	vld.idx.msk [tilespmem:v60+s29+$0x0], $0xffff;
	v2 =	vadd.f32 v7, v2;
	v5 =	vadd.f32 v51, v5  }
0xfe: {  	v45 =	vor.u32 $0x7, v11;
	v48 =	vld.idx.msk [tilespmem:v39+s29+$0x0], $0xffff;
	v14 =	vadd.f32 v18, v14;
	v15 =	vadd.f32 v62, v15  }
0xff: {  	v47 =	vld.idx.msk [tilespmem:v63+s29+$0x0], $0xffff;
	v53 =	vor.u32 $0xA, v11;
	v2 =	vadd.f32 v3, v2;
	v3 =	vadd.f32 v6, v5  }
0x100: {  	v49 =	vor.u32 $0x8, v11;
	v50 =	vld.idx.msk [tilespmem:v42+s29+$0x0], $0xffff;
	v14 =	vadd.f32 v19, v14;
	v15 =	vadd.f32 v20, v15  }
0x101: {  	v22 =	vld.idx.msk [tilespmem:v41+s29+$0x0], $0xffff;
	v7 =	vor.u32 $0xA, v8;
	v2 =	vadd.f32 v10, v2;
	v3 =	vadd.f32 v4, v3  }
0x102: {  	v52 =	vld.idx.msk [tilespmem:v46+s29+$0x0], $0xffff;
	v14 =	vadd.f32 v40, v14;
	v15 =	vadd.f32 v43, v15;
	v51 =	vor.u32 $0x9, v11  }
0x103: {  	v5 =	vor.u32 $0xB, v8;
	v6 =	vld.idx.msk [tilespmem:v45+s29+$0x0], $0xffff;
	v2 =	vadd.f32 v12, v2;
	v3 =	vadd.f32 v32, v3  }
0x104: {  	v58 =	vld.idx.msk [tilespmem:v53+s29+$0x0], $0xffff;
	v14 =	vadd.f32 v44, v14;
	v15 =	vadd.f32 v47, v15;
	v4 =	vor.u32 $0xC, v8  }
0x105: {  	v54 =	vor.u32 $0xB, v11;
	v10 =	vld.idx.msk [tilespmem:v49+s29+$0x0], $0xffff;
	v2 =	vsub.f32 v2, v13;
	v3 =	vadd.f32 v33, v3  }
0x106: {  	v55 =	vor.u32 $0xD, v8;
	v14 =	vadd.f32 v48, v14;
	v15 =	vadd.f32 v22, v15;
	v7 =	vld.idx.msk [tilespmem:v7+s29+$0x0], $0xffff  }
0x107: {  	v57 =	vor.u32 $0xE, v8;
	v20 =	vld.idx.msk [tilespmem:v51+s29+$0x0], $0xffff;
	v3 =	vsub.f32 v3, v35;
	v16 =	vmul.f32 v2, v16  }
0x108: {  	v56 =	vor.u32 $0xC, v11;
	v14 =	vadd.f32 v50, v14;
	v5 =	vld.idx.msk [tilespmem:v5+s29+$0x0], $0xffff;
	v6 =	vadd.f32 v6, v15  }
0x109: {  	v59 =	vld.idx.msk [tilespmem:v4+s29+$0x0], $0xffff;
	v4 =	vor.u32 $0xD, v11;
	v2 =	vmul.f32 v16, v2;
	v61 =	vmul.f32 v3, v9  }
0x10a: {  	v60 =	vor.u32 $0xF, v8;
	v21 =	vld.idx.msk [tilespmem:v54+s29+$0x0], $0xffff;
	v14 =	vadd.f32 v52, v14;
	v6 =	vadd.f32 v10, v6  }
0x10b: {  	v8 =	vld.idx.msk [tilespmem:v55+s29+$0x0], $0xffff;
	v10 =	vor.u32 $0xE, v11;
	v1 =	vadd.f32 v2, v1;
	v2 =	vmul.f32 v61, v3  }
0x10c: {  	v14 =	vadd.f32 v7, v14;
	v62 =	vadd.f32 v20, v6;
	v6 =	vld.idx.msk [tilespmem:v57+s29+$0x0], $0xffff  }
0x10d: {  	v9 =	vld.idx.msk [tilespmem:v56+s29+$0x0], $0xffff;
	v1 =	vadd.f32 v2, v1;
	v2 =	vor.u32 $0xF, v11  }
0x10e: {  	v63 =	vadd.f32 v58, v62;
	v7 =	vld.idx.msk [tilespmem:v4+s29+$0x0], $0xffff;
	v3 =	vadd.f32 v5, v14  }
0x10f: {  	v5 =	vld.idx.msk [tilespmem:v60+s29+$0x0], $0xffff  }
0x110: {  	s21 =	simm.s32 $0x630;
	v4 =	vld.idx.msk [tilespmem:v10+s29+$0x0], $0xffff;
	v10 =	vadd.f32 v21, v63;
	v11 =	vadd.f32 v59, v3  }
0x111: {  	s24 =	simm.s32 $0x40;
	s23 =	simm.s32 $0x2;
	v3 =	vld [tilespmem:s21+$0x0]  }
.LBB2_4:
0x112: {  	s25 =	sadd.s32 $0x10, s24;
	v8 =	vadd.f32 v8, v11;
	v9 =	vadd.f32 v9, v10;
	v2 =	vld.idx.msk [tilespmem:v2+s29+$0x0], $0xffff;
	s19 =	sadd.s32 $0x20, s19  }
0x113: {  	v10 =	vmov s24;
	s20 =	sadd.s32 $0x20, s20;
	v11 =	vmov s25;
	v12 =	vld [tilespmem:s19+$0xFFFFFFF0]  }
0x114: {  	s23 =	sadd.s32 $0x2, s23;
	v10 =	vshll.u32 v10, $0x7;
	v6 =	vadd.f32 v6, v8;
	v8 =	vld [tilespmem:s20+$0xFFFFFFF0];
	v7 =	vadd.f32 v7, v9  }
0x115: {  	s18 =	sadd.s32 $0x20, s18;
	p0 =	slt.u32 s23, $0x6;
	v9 =	vor.u32 v0, v10;
	v10 =	vshll.u32 v11, $0x7;
	v11 =	vld [tilespmem:s19+$0x0]  }
0x116: {  	v10 =	vor.u32 v0, v10;
	v5 =	vadd.f32 v5, v6;
	v6 =	vld [tilespmem:s18+$0xFFFFFFF0];
	v4 =	vadd.f32 v4, v7  }
0x117: {  	v7 =	vor.u32 $0x1, v9;
	v13 =	vld [tilespmem:s20+$0x0]  }
0x118: {  	v14 =	vor.u32 $0x1, v10;
	v15 =	vld [tilespmem:s21+$0xFFFFFFF0];
	v5 =	vadd.f32 v12, v5;
	v2 =	vadd.f32 v2, v4  }
0x119: {  	v4 =	vor.u32 $0x2, v9;
	v12 =	vld [tilespmem:s18+$0x0]  }
0x11a: {  	v17 =	vor.u32 $0x3, v9;
	v16 =	vld.idx.msk [tilespmem:v9+s29+$0x0], $0xffff;
	v5 =	vadd.f32 v8, v5;
	v2 =	vadd.f32 v11, v2  }
0x11b: {  	v11 =	vor.u32 $0x2, v10;
	v8 =	vld.idx.msk [tilespmem:v10+s29+$0x0], $0xffff  }
0x11c: {  	v18 =	vor.u32 $0x4, v9;
	v7 =	vld.idx.msk [tilespmem:v7+s29+$0x0], $0xffff;
	v5 =	vsub.f32 v5, v6;
	v2 =	vadd.f32 v13, v2  }
0x11d: {  	v13 =	vor.u32 $0x3, v10;
	v6 =	vld.idx.msk [tilespmem:v14+s29+$0x0], $0xffff  }
0x11e: {  	v14 =	vor.u32 $0x5, v9;
	v4 =	vld.idx.msk [tilespmem:v4+s29+$0x0], $0xffff;
	v15 =	vmul.f32 v5, v15;
	v2 =	vsub.f32 v2, v12  }
0x11f: {  	v12 =	vld.idx.msk [tilespmem:v17+s29+$0x0], $0xffff;
	v17 =	vor.u32 $0x4, v10  }
0x120: {  	v19 =	vor.u32 $0x6, v9;
	v11 =	vld.idx.msk [tilespmem:v11+s29+$0x0], $0xffff;
	v5 =	vmul.f32 v15, v5;
	v3 =	vmul.f32 v2, v3  }
0x121: {  	v20 =	vor.u32 $0x5, v10;
	v15 =	vld.idx.msk [tilespmem:v18+s29+$0x0], $0xffff;
	v18 =	vor.u32 $0x7, v9  }
0x122: {  	v7 =	vadd.f32 v7, v16;
	v13 =	vld.idx.msk [tilespmem:v13+s29+$0x0], $0xffff;
	v1 =	vadd.f32 v5, v1;
	v2 =	vmul.f32 v3, v2  }
0x123: {  	v5 =	vadd.f32 v6, v8;
	v6 =	vor.u32 $0x6, v10;
	v3 =	vld.idx.msk [tilespmem:v14+s29+$0x0], $0xffff  }
0x124: {  	v4 =	vadd.f32 v4, v7;
	v7 =	vor.u32 $0x8, v9;
	v8 =	vld.idx.msk [tilespmem:v17+s29+$0x0], $0xffff;
	v1 =	vadd.f32 v2, v1  }
0x125: {  	v14 =	vor.u32 $0x7, v10;
	v2 =	vld.idx.msk [tilespmem:v19+s29+$0x0], $0xffff  }
0x126: {  	v4 =	vadd.f32 v12, v4;
	v12 =	vor.u32 $0x9, v9;
	v5 =	vadd.f32 v11, v5;
	v11 =	vld.idx.msk [tilespmem:v20+s29+$0x0], $0xffff  }
0x127: {  	v17 =	vor.u32 $0x8, v10;
	v16 =	vld.idx.msk [tilespmem:v18+s29+$0x0], $0xffff  }
0x128: {  	v4 =	vadd.f32 v15, v4;
	v15 =	vor.u32 $0xA, v9;
	v5 =	vadd.f32 v13, v5;
	v6 =	vld.idx.msk [tilespmem:v6+s29+$0x0], $0xffff  }
0x129: {  	v13 =	vor.u32 $0x9, v10;
	v7 =	vld.idx.msk [tilespmem:v7+s29+$0x0], $0xffff  }
0x12a: {  	v3 =	vadd.f32 v3, v4;
	v4 =	vor.u32 $0xB, v9;
	v5 =	vadd.f32 v8, v5;
	v8 =	vld.idx.msk [tilespmem:v14+s29+$0x0], $0xffff  }
0x12b: {  	v14 =	vor.u32 $0xA, v10;
	v12 =	vld.idx.msk [tilespmem:v12+s29+$0x0], $0xffff  }
0x12c: {  	v2 =	vadd.f32 v2, v3;
	v3 =	vor.u32 $0xC, v9;
	v5 =	vadd.f32 v11, v5;
	v11 =	vld.idx.msk [tilespmem:v17+s29+$0x0], $0xffff  }
0x12d: {  	v17 =	vor.u32 $0xB, v10;
	v15 =	vld.idx.msk [tilespmem:v15+s29+$0x0], $0xffff  }
0x12e: {  	v2 =	vadd.f32 v16, v2;
	v16 =	vor.u32 $0xD, v9;
	v5 =	vadd.f32 v6, v5;
	v6 =	vld.idx.msk [tilespmem:v13+s29+$0x0], $0xffff  }
0x12f: {  	v13 =	vor.u32 $0xC, v10;
	v4 =	vld.idx.msk [tilespmem:v4+s29+$0x0], $0xffff  }
0x130: {  	v2 =	vadd.f32 v7, v2;
	v7 =	vor.u32 $0xE, v9;
	v5 =	vadd.f32 v8, v5;
	v14 =	vld.idx.msk [tilespmem:v14+s29+$0x0], $0xffff  }
0x131: {  	v18 =	vor.u32 $0xD, v10;
	v3 =	vld.idx.msk [tilespmem:v3+s29+$0x0], $0xffff  }
0x132: {  	v2 =	vadd.f32 v12, v2;
	v12 =	vor.u32 $0xF, v9;
	v5 =	vadd.f32 v11, v5;
	v17 =	vld.idx.msk [tilespmem:v17+s29+$0x0], $0xffff  }
0x133: {  	v8 =	vld.idx.msk [tilespmem:v16+s29+$0x0], $0xffff;
	v16 =	vor.u32 $0xE, v10  }
0x134: {  	v11 =	vadd.f32 v15, v2;
	v5 =	vadd.f32 v6, v5;
	v9 =	vld.idx.msk [tilespmem:v13+s29+$0x0], $0xffff  }
.Ltmp1:
0x135: {  	v2 =	vor.u32 $0xF, v10;
	v6 =	vld.idx.msk [tilespmem:v7+s29+$0x0], $0xffff;
	(pc) =	sbr.rel @p0 .LBB2_4-.Ltmp1, $4  }
0x136: {  	v4 =	vadd.f32 v4, v11;
	v10 =	vadd.f32 v14, v5;
	v7 =	vld.idx.msk [tilespmem:v18+s29+$0x0], $0xffff  }
0x137: {  	v5 =	vld.idx.msk [tilespmem:v12+s29+$0x0], $0xffff  }
0x138: {  	s21 =	sadd.s32 $0x20, s21;
	v11 =	vadd.f32 v3, v4;
	v10 =	vadd.f32 v17, v10;
	v4 =	vld.idx.msk [tilespmem:v16+s29+$0x0], $0xffff  }
0x139: {  	s24 =	sadd.s32 $0x20, s24;
	v3 =	vld [tilespmem:s21+$0x0]  }
0x13a: {  	_ =	sdelay $0x3  }
0x13b: {  	v12 =	vld.idx.msk [tilespmem:v2+s29+$0x0], $0xffff  }
0x13c: {  	s19 =	sadd.s32 $0x20, s19;
	v18 =	vld [tilespmem:s21+$0xFFFFFFF0]  }
0x13d: {  	s20 =	sadd.s32 $0x20, s20;
	v13 =	vld [tilespmem:s19+$0xFFFFFFF0]  }
0x13e: {  	v14 =	vld [tilespmem:s20+$0xFFFFFFF0]  }
0x13f: {  	s18 =	sadd.s32 $0x20, s18;
	v15 =	vld [tilespmem:s19+$0x0]  }
0x140: {  	v16 =	vld [tilespmem:s18+$0xFFFFFFF0]  }
0x141: {  	v17 =	vld [tilespmem:s20+$0x0]  }
0x142: {  	v19 =	vld [tilespmem:s18+$0x0];
	_ =	swait.ge [sflag:s30], $0x4000  }
0x143: {  	[sflag:s30] =	ssyncset.done $0x0  }
0x144: {  	[sflag:s30] =	ssyncadd.s32 $0xFFFFC000  }
0x145: {  	_ =	swait.ge [sflag:s30], $0x4000  }
0x146: {  	[sflag:s30] =	ssyncset.done $0x0  }
0x147: {  	[sflag:s30] =	ssyncadd.s32 $0xFFFFC000  }
0x148: {  	_ =	swait.ge [sflag:s30], $0x80  }
0x149: {  	[sflag:s30] =	ssyncset.done $0x0  }
0x14a: {  	[sflag:s30] =	ssyncadd.s32 $0xFFFFFF80  }
0x14b: {  	_ =	swait.ge [sflag:s30], $0x80  }
0x14c: {  	[sflag:s30] =	ssyncset.done $0x0  }
0x14d: {  	s24 =	simm.s32 $0x800;
	[sflag:s30] =	ssyncadd.s32 $0xFFFFFF80  }
0x14e: {  	[tilespmem:s24], [sflag:$0x1] =	stream.indirect.gather [hbm4b:s1+s17], $0x80, s31, s17, $0xb8;
	[tilespmem:$0x14A80] =	vst v63  }
0x14f: {  	s25 =	simm.s32 $0x4800  }
0x150: {  	[tilespmem:s25], [sflag:$0x1] =	stream.indirect.gather [hbm4b:s2+s17], $0x80, s0, s17, $0xb8;
	[tilespmem:$0x14A80] =	vst v63  }
0x151: {  	s26 =	simm.s32 $0x8800  }
0x152: {  	[tilespmem:s26], [sflag:$0x1] =	stream.indirect.gather [hbm4b:s3+s17], $0x1, s31, s17, $0xb8;
	[tilespmem:$0x14A80] =	vst v63  }
0x153: {  	s28 =	simm.s32 $0x8880;
	s26 =	simm.s32 $0x8A00  }
0x154: {  	[tilespmem:s28], [sflag:$0x1] =	stream.indirect.gather [hbm4b:s5+s17], $0x1, s0, s17, $0xb8;
	[tilespmem:$0x14A80] =	vst v63  }
0x155: {  	s21 =	simm.s32 $0xCA00;
	v20 =	vld [tilespmem:s26+$0x80]  }
0x156: {  	v21 =	vld [tilespmem:s21+$0x80]  }
0x157: {  	v22 =	vld [tilespmem:s26+$0x90]  }
0x158: {  	v23 =	vld [tilespmem:s21+$0x90]  }
0x159: {  	v24 =	vld [tilespmem:s26+$0xA0]  }
0x15a: {  	v25 =	vld [tilespmem:s21+$0xA0]  }
0x15b: {  	v26 =	vld [tilespmem:s26+$0xB0]  }
0x15c: {  	v27 =	vld [tilespmem:s21+$0xB0]  }
0x15d: {  	v28 =	vld [tilespmem:s26+$0xC0]  }
0x15e: {  	v29 =	vld [tilespmem:s21+$0xC0]  }
0x15f: {  	v30 =	vld [tilespmem:s26+$0xD0]  }
0x160: {  	v31 =	vld [tilespmem:s21+$0xD0]  }
0x161: {  	v32 =	vld [tilespmem:s26+$0xE0]  }
0x162: {  	v33 =	vld [tilespmem:s21+$0xE0]  }
0x163: {  	v34 =	vld [tilespmem:s26+$0xF0]  }
0x164: {  	v35 =	vld [tilespmem:s21+$0xF0]  }
0x165: {  	v2 =	vld [tilespmem:s21+$0xFFFFFF00]  }
0x166: {  	v36 =	vld [tilespmem:s26+$0xFFFFFF10]  }
0x167: {  	v37 =	vld [tilespmem:s21+$0xFFFFFF10]  }
0x168: {  	v38 =	vld [tilespmem:s26+$0xFFFFFF20]  }
0x169: {  	v39 =	vld [tilespmem:s21+$0xFFFFFF20]  }
0x16a: {  	v40 =	vld [tilespmem:s26+$0xFFFFFF30]  }
0x16b: {  	v41 =	vld [tilespmem:s21+$0xFFFFFF30]  }
0x16c: {  	v42 =	vld [tilespmem:s26+$0xFFFFFF40]  }
0x16d: {  	v43 =	vld [tilespmem:s21+$0xFFFFFF40]  }
0x16e: {  	v44 =	vld [tilespmem:s26+$0xFFFFFF50]  }
0x16f: {  	v45 =	vld [tilespmem:s21+$0xFFFFFF50]  }
0x170: {  	v46 =	vld [tilespmem:s26+$0xFFFFFF60]  }
0x171: {  	v9 =	vadd.f32 v9, v10;
	v47 =	vld [tilespmem:s21+$0xFFFFFF60]  }
0x172: {  	v8 =	vadd.f32 v8, v11;
	v48 =	vld [tilespmem:s26+$0xFFFFFF70]  }
0x173: {  	v7 =	vadd.f32 v7, v9;
	v11 =	vld [tilespmem:s21+$0xFFFFFF70]  }
0x174: {  	v6 =	vadd.f32 v6, v8;
	v49 =	vld [tilespmem:s26+$0xFFFFFF80]  }
0x175: {  	v4 =	vadd.f32 v4, v7;
	v8 =	vld [tilespmem:s21+$0xFFFFFF80]  }
0x176: {  	v5 =	vadd.f32 v5, v6;
	v10 =	vld [tilespmem:s26+$0xFFFFFF90]  }
0x177: {  	v4 =	vadd.f32 v12, v4;
	v6 =	vld [tilespmem:s21+$0xFFFFFF90]  }
0x178: {  	v5 =	vadd.f32 v13, v5;
	v9 =	vld [tilespmem:s26+$0xFFFFFFA0]  }
0x179: {  	v4 =	vadd.f32 v15, v4;
	v13 =	vld [tilespmem:s21+$0xFFFFFFA0]  }
0x17a: {  	v5 =	vadd.f32 v14, v5;
	v7 =	vld [tilespmem:s26+$0xFFFFFFB0]  }
0x17b: {  	v4 =	vadd.f32 v17, v4;
	v14 =	vld [tilespmem:s21+$0xFFFFFFB0]  }
0x17c: {  	v5 =	vsub.f32 v5, v16;
	v12 =	vld [tilespmem:s26+$0xFFFFFFC0]  }
0x17d: {  	v4 =	vsub.f32 v4, v19;
	v16 =	vld [tilespmem:s21+$0xFFFFFFC0]  }
0x17e: {  	v18 =	vmul.f32 v5, v18;
	v15 =	vld [tilespmem:s26+$0xFFFFFFD0]  }
0x17f: {  	v3 =	vmul.f32 v4, v3;
	v50 =	vld [tilespmem:s21+$0xFFFFFFD0]  }
0x180: {  	v5 =	vmul.f32 v18, v5;
	v17 =	vld [tilespmem:s26+$0xFFFFFFE0]  }
0x181: {  	v3 =	vmul.f32 v3, v4;
	v58 =	vld [tilespmem:s26+$0xFFFFFFF0];
	v55 =	vmul.f32 v21, v20  }
0x182: {  	v61 =	vld [tilespmem:s21+$0xFFFFFFF0];
	v56 =	vmul.f32 v23, v22;
	v57 =	vmul.f32 v25, v24  }
0x183: {  	v63 =	vld [tilespmem:s26+$0x0];
	v59 =	vmul.f32 v27, v26;
	v60 =	vmul.f32 v29, v28  }
0x184: {  	v1 =	vadd.f32 v5, v1;
	v51 =	vld [tilespmem:s21+$0x0];
	v62 =	vmul.f32 v31, v30;
	v5 =	vmul.f32 v33, v32  }
0x185: {  	v53 =	vld [tilespmem:s26+$0x10];
	v35 =	vmul.f32 v35, v34;
	v8 =	vmul.f32 v8, v49  }
0x186: {  	v1 =	vadd.f32 v3, v1;
	v20 =	vld [tilespmem:s21+$0xFFFFFFE0];
	v6 =	vmul.f32 v6, v10;
	v9 =	vmul.f32 v13, v9  }
0x187: {  	v10 =	vld [tilespmem:s26+$0x20];
	v7 =	vmul.f32 v14, v7;
	v4 =	vadd.f32 v56, v55;
	v52 =	vadd.f32 v59, v57  }
0x188: {  	v13 =	vld [tilespmem:s21+$0x20];
	v3 =	vmul.f32 v16, v12;
	v54 =	vadd.f32 v62, v60;
	v5 =	vadd.f32 v35, v5  }
0x189: {  	v12 =	vmul.f32 v50, v15;
	v14 =	vld [tilespmem:s26+$0x30];
	v15 =	vmul.f32 v61, v58  }
0x18a: {  	v58 =	vmul.f32 v43, v42;
	v57 =	vld [tilespmem:s21+$0x30];
	v4 =	vadd.f32 v52, v4;
	v5 =	vadd.f32 v5, v54  }
0x18b: {  	v11 =	vmul.f32 v11, v48;
	v55 =	vmul.f32 v39, v38;
	v56 =	vld [tilespmem:s21+$0x10]  }
0x18c: {  	v61 =	vld [tilespmem:s21+$0x50];
	v6 =	vadd.f32 v6, v8;
	v4 =	vadd.f32 v5, v4;
	v5 =	vmul.f32 v20, v17  }
0x18d: {  	v7 =	vadd.f32 v7, v9;
	v59 =	vld [tilespmem:s26+$0x40];
	v8 =	vmul.f32 v45, v44;
	v3 =	vadd.f32 v12, v3  }
0x18e: {  	v12 =	vld [tilespmem:s21+$0x40];
	v9 =	vmul.f32 v47, v46;
	v60 =	vmul.f32 v51, v63;
	v5 =	vadd.f32 v15, v5  }
0x18f: {  	v6 =	vadd.f32 v7, v6;
	v10 =	vmul.f32 v13, v10;
	v13 =	vmul.f32 v57, v14;
	v15 =	vld [tilespmem:s26+$0x50]  }
0x190: {  	v7 =	vld [tilespmem:s26+$0x60];
	v11 =	vadd.f32 v11, v9;
	v3 =	vadd.f32 v5, v3;
	v5 =	vmul.f32 v56, v53  }
0x191: {  	v17 =	vadd.f32 v8, v58;
	v8 =	vld [tilespmem:s21+$0x60];
	v14 =	vmul.f32 v41, v40;
	v63 =	vadd.f32 v13, v10  }
0x192: {  	s24 =	simm.s32 $0x10B00;
	v9 =	vld [tilespmem:s26+$0x70];
	v6 =	vadd.f32 v3, v6;
	v62 =	vadd.f32 v5, v60  }
0x193: {  	s23 =	simm.s32 $0x690;
	s18 =	simm.s32 $0x490;
	s19 =	simm.s32 $0x10910;
	[tilespmem:s24+$0x80] =	vst v4;
	v4 =	vadd.f32 v14, v55;
	v10 =	vld [tilespmem:s21+$0x70];
	v3 =	vmul.f32 v37, v36;
	v5 =	vadd.f32 v11, v17  }
0x194: {  	s20 =	simm.s32 $0x10990;
	s25 =	simm.s32 $0x0;
	v11 =	vmul.f32 v12, v59;
	v12 =	vld [tilespmem:s26+$0xFFFFFF00];
	s26 =	simm.s32 $0x8C00;
	v13 =	vmul.f32 v61, v15;
	[tilespmem:s24+$0xFFFFFF80] =	vst v6;
	v6 =	vadd.f32 v63, v62  }
.LBB2_6:
0x195: {  	v14 =	vld [tilespmem:s26+$0x80];
	s21 =	sadd.s32 $0x200, s21  }
0x196: {  	v15 =	vld [tilespmem:s21+$0x80];
	v7 =	vmul.f32 v8, v7;
	v8 =	vadd.f32 v13, v11  }
0x197: {  	v11 =	vld [tilespmem:s26+$0x90]  }
0x198: {  	v13 =	vld [tilespmem:s21+$0x90];
	v9 =	vmul.f32 v10, v9  }
0x199: {  	v10 =	vld [tilespmem:s26+$0xA0];
	v2 =	vmul.f32 v2, v12  }
0x19a: {  	v12 =	vld [tilespmem:s21+$0xA0];
	v7 =	vadd.f32 v9, v7  }
0x19b: {  	v9 =	vld [tilespmem:s26+$0xB0];
	v2 =	vadd.f32 v3, v2  }
0x19c: {  	v3 =	vld [tilespmem:s21+$0xB0];
	v7 =	vadd.f32 v7, v8  }
0x19d: {  	v8 =	vld [tilespmem:s26+$0xC0];
	v2 =	vadd.f32 v4, v2  }
0x19e: {  	v4 =	vld [tilespmem:s21+$0xC0];
	v6 =	vadd.f32 v7, v6  }
0x19f: {  	v7 =	vld [tilespmem:s26+$0xD0];
	v2 =	vadd.f32 v5, v2  }
0x1a0: {  	v5 =	vld [tilespmem:s21+$0xD0];
	[tilespmem:s24+$0x0] =	vst v6  }
0x1a1: {  	v6 =	vld [tilespmem:s26+$0xE0];
	[tilespmem:s24+$0xFFFFFF00] =	vst v2  }
0x1a2: {  	v16 =	vld [tilespmem:s21+$0xE0]  }
0x1a3: {  	v17 =	vld [tilespmem:s26+$0xF0]  }
0x1a4: {  	s25 =	sadd.s32 $0x4, s25;
	v18 =	vld [tilespmem:s21+$0xF0]  }
0x1a5: {  	p0 =	slt.u32 s25, $0x7C;
	v2 =	vld [tilespmem:s21+$0xFFFFFF00]  }
0x1a6: {  	v14 =	vmul.f32 v15, v14;
	v11 =	vmul.f32 v13, v11;
	v19 =	vld [tilespmem:s26+$0xFFFFFF10]  }
0x1a7: {  	v10 =	vmul.f32 v12, v10;
	v3 =	vmul.f32 v3, v9;
	v13 =	vld [tilespmem:s21+$0xFFFFFF10]  }
0x1a8: {  	v4 =	vmul.f32 v4, v8;
	v5 =	vmul.f32 v5, v7;
	v9 =	vld [tilespmem:s26+$0xFFFFFF20]  }
0x1a9: {  	v6 =	vmul.f32 v16, v6;
	v7 =	vld [tilespmem:s21+$0xFFFFFF20];
	v8 =	vmul.f32 v18, v17  }
0x1aa: {  	v11 =	vadd.f32 v11, v14;
	v10 =	vadd.f32 v3, v10;
	v12 =	vld [tilespmem:s26+$0xFFFFFF30]  }
0x1ab: {  	v4 =	vadd.f32 v5, v4;
	v14 =	vld [tilespmem:s21+$0xFFFFFF30];
	v5 =	vadd.f32 v8, v6  }
0x1ac: {  	v3 =	vmul.f32 v13, v19;
	v6 =	vld [tilespmem:s26+$0xFFFFFF40]  }
0x1ad: {  	v10 =	vadd.f32 v10, v11;
	v8 =	vld [tilespmem:s21+$0xFFFFFF40];
	v4 =	vadd.f32 v5, v4  }
0x1ae: {  	v5 =	vmul.f32 v7, v9;
	v7 =	vld [tilespmem:s26+$0xFFFFFF50]  }
0x1af: {  	v9 =	vld [tilespmem:s21+$0xFFFFFF50];
	v4 =	vadd.f32 v4, v10  }
0x1b0: {  	s24 =	sadd.s32 $0x200, s24;
	v10 =	vmul.f32 v14, v12;
	v11 =	vld [tilespmem:s26+$0xFFFFFF60]  }
0x1b1: {  	s28 =	simm.s32 $0x0;
	v12 =	vld [tilespmem:s21+$0xFFFFFF60];
	[tilespmem:s24+$0x80] =	vst v4  }
0x1b2: {  	v6 =	vmul.f32 v8, v6;
	v8 =	vld [tilespmem:s26+$0xFFFFFF70];
	v4 =	vadd.f32 v10, v5  }
0x1b3: {  	v5 =	vld [tilespmem:s21+$0xFFFFFF70]  }
0x1b4: {  	v7 =	vmul.f32 v9, v7;
	v9 =	vld [tilespmem:s26+$0xFFFFFF80]  }
0x1b5: {  	v10 =	vld [tilespmem:s21+$0xFFFFFF80]  }
0x1b6: {  	v11 =	vmul.f32 v12, v11;
	v6 =	vadd.f32 v7, v6;
	v7 =	vld [tilespmem:s26+$0xFFFFFF90]  }
0x1b7: {  	v12 =	vld [tilespmem:s21+$0xFFFFFF90]  }
0x1b8: {  	v5 =	vmul.f32 v5, v8;
	v8 =	vld [tilespmem:s26+$0xFFFFFFA0]  }
0x1b9: {  	v13 =	vld [tilespmem:s21+$0xFFFFFFA0]  }
0x1ba: {  	v5 =	vadd.f32 v5, v11;
	v9 =	vmul.f32 v10, v9;
	v10 =	vld [tilespmem:s26+$0xFFFFFFB0]  }
0x1bb: {  	v11 =	vld [tilespmem:s21+$0xFFFFFFB0]  }
0x1bc: {  	v5 =	vadd.f32 v5, v6;
	v6 =	vmul.f32 v12, v7;
	v7 =	vld [tilespmem:s26+$0xFFFFFFC0]  }
0x1bd: {  	v12 =	vld [tilespmem:s21+$0xFFFFFFC0]  }
0x1be: {  	v8 =	vmul.f32 v13, v8;
	v13 =	vld [tilespmem:s26+$0xFFFFFFD0];
	v6 =	vadd.f32 v6, v9  }
0x1bf: {  	v9 =	vld [tilespmem:s21+$0xFFFFFFD0]  }
0x1c0: {  	v10 =	vmul.f32 v11, v10;
	v11 =	vld [tilespmem:s26+$0xFFFFFFE0]  }
0x1c1: {  	v14 =	vld [tilespmem:s21+$0xFFFFFFE0]  }
0x1c2: {  	v7 =	vmul.f32 v12, v7;
	v12 =	vld [tilespmem:s26+$0xFFFFFFF0];
	v8 =	vadd.f32 v10, v8  }
0x1c3: {  	v10 =	vld [tilespmem:s21+$0xFFFFFFF0]  }
0x1c4: {  	v9 =	vmul.f32 v9, v13;
	v6 =	vadd.f32 v8, v6;
	v8 =	vld [tilespmem:s26+$0x0]  }
0x1c5: {  	v13 =	vld [tilespmem:s21+$0x0]  }
0x1c6: {  	v11 =	vmul.f32 v14, v11;
	v7 =	vadd.f32 v9, v7;
	v9 =	vld [tilespmem:s26+$0x10]  }
0x1c7: {  	v14 =	vld [tilespmem:s21+$0x10]  }
0x1c8: {  	v10 =	vmul.f32 v10, v12;
	v12 =	vld [tilespmem:s26+$0x20]  }
0x1c9: {  	v15 =	vld [tilespmem:s21+$0x20]  }
0x1ca: {  	v10 =	vadd.f32 v10, v11;
	v8 =	vmul.f32 v13, v8;
	v11 =	vld [tilespmem:s26+$0x30]  }
0x1cb: {  	v13 =	vld [tilespmem:s21+$0x30]  }
0x1cc: {  	v7 =	vadd.f32 v10, v7;
	v9 =	vmul.f32 v14, v9;
	v10 =	vld [tilespmem:s26+$0x40]  }
0x1cd: {  	v14 =	vld [tilespmem:s21+$0x40]  }
0x1ce: {  	v6 =	vadd.f32 v7, v6;
	v12 =	vmul.f32 v15, v12;
	v15 =	vld [tilespmem:s26+$0x50];
	v16 =	vadd.f32 v9, v8  }
0x1cf: {  	v17 =	vld [tilespmem:s21+$0x50]  }
.Ltmp2:
0x1d0: {  	[tilespmem:s24+$0xFFFFFF80] =	vst v6;
	v6 =	vmul.f32 v13, v11;
	v7 =	vld [tilespmem:s26+$0x60];
	(pc) =	sbr.rel @p0 .LBB2_6-.Ltmp2, $4  }
0x1d1: {  	v8 =	vld [tilespmem:s21+$0x60]  }
0x1d2: {  	v11 =	vmul.f32 v14, v10;
	v9 =	vld [tilespmem:s26+$0x70];
	v6 =	vadd.f32 v6, v12  }
0x1d3: {  	v10 =	vld [tilespmem:s21+$0x70]  }
0x1d4: {  	v12 =	vld [tilespmem:s26+$0xFFFFFF00];
	v13 =	vmul.f32 v17, v15;
	v6 =	vadd.f32 v6, v16;
	s26 =	sadd.s32 $0x200, s26  }
0x1d5: {  	_ =	sdelay $0x2  }
0x1d6: {  	v7 =	vmul.f32 v8, v7;
	v8 =	vmul.f32 v10, v9  }
0x1d7: {  	v2 =	vmul.f32 v2, v12  }
0x1d8: {  	v9 =	vadd.f32 v13, v11;
	v7 =	vadd.f32 v8, v7  }
0x1d9: {  	v2 =	vadd.f32 v3, v2;
	v3 =	vmov s28  }
0x1da: {  	s21 =	simm.s32 $0x10;
	v7 =	vadd.f32 v7, v9;
	v3 =	vshll.u32 v3, $0x7  }
0x1db: {  	v8 =	vmov s21;
	v2 =	vadd.f32 v4, v2;
	v3 =	vor.u32 v0, v3  }
0x1dc: {  	v4 =	vshll.u32 v8, $0x7;
	v6 =	vadd.f32 v7, v6  }
0x1dd: {  	v4 =	vor.u32 v0, v4;
	v2 =	vadd.f32 v5, v2  }
0x1de: {  	v8 =	vor.u32 $0x3, v3;
	[tilespmem:s24+$0x0] =	vst v6  }
0x1df: {  	v11 =	vor.u32 $0x4, v3;
	[tilespmem:s24+$0xFFFFFF00] =	vst v2  }
0x1e0: {  	v50 =	vor.u32 $0x5, v3;
	v7 =	vld.idx.msk [tilespmem:v3+s29+$0x0], $0xffff  }
0x1e1: {  	v15 =	vor.u32 $0x6, v3;
	v35 =	vld [tilespmem:s18+$0x0]  }
0x1e2: {  	v17 =	vor.u32 $0x7, v3;
	v9 =	vld.idx.msk [tilespmem:v4+s29+$0x0], $0xffff  }
0x1e3: {  	v19 =	vor.u32 $0x8, v3;
	v8 =	vld.idx.msk [tilespmem:v8+s29+$0x0], $0xffff  }
0x1e4: {  	v21 =	vor.u32 $0x9, v3;
	v11 =	vld.idx.msk [tilespmem:v11+s29+$0x0], $0xffff  }
0x1e5: {  	v23 =	vor.u32 $0xA, v3;
	v13 =	vld.idx.msk [tilespmem:v50+s29+$0x0], $0xffff  }
0x1e6: {  	v25 =	vor.u32 $0xB, v3;
	v15 =	vld.idx.msk [tilespmem:v15+s29+$0x0], $0xffff  }
0x1e7: {  	v27 =	vor.u32 $0xC, v3;
	v17 =	vld.idx.msk [tilespmem:v17+s29+$0x0], $0xffff  }
0x1e8: {  	v29 =	vor.u32 $0xD, v3;
	v19 =	vld.idx.msk [tilespmem:v19+s29+$0x0], $0xffff  }
0x1e9: {  	v5 =	vor.u32 $0x1, v3;
	v21 =	vld.idx.msk [tilespmem:v21+s29+$0x0], $0xffff  }
0x1ea: {  	v10 =	vor.u32 $0x2, v4;
	v23 =	vld.idx.msk [tilespmem:v23+s29+$0x0], $0xffff  }
0x1eb: {  	v49 =	vor.u32 $0x3, v4;
	v25 =	vld.idx.msk [tilespmem:v25+s29+$0x0], $0xffff  }
0x1ec: {  	v14 =	vor.u32 $0x4, v4;
	v27 =	vld.idx.msk [tilespmem:v27+s29+$0x0], $0xffff  }
0x1ed: {  	v16 =	vor.u32 $0x5, v4;
	v29 =	vld.idx.msk [tilespmem:v29+s29+$0x0], $0xffff  }
0x1ee: {  	v18 =	vor.u32 $0x6, v4;
	v5 =	vld.idx.msk [tilespmem:v5+s29+$0x0], $0xffff  }
0x1ef: {  	v20 =	vor.u32 $0x7, v4;
	v10 =	vld.idx.msk [tilespmem:v10+s29+$0x0], $0xffff  }
0x1f0: {  	v6 =	vor.u32 $0x1, v4;
	v12 =	vld.idx.msk [tilespmem:v49+s29+$0x0], $0xffff  }
0x1f1: {  	v2 =	vor.u32 $0x2, v3;
	v14 =	vld.idx.msk [tilespmem:v14+s29+$0x0], $0xffff  }
0x1f2: {  	v22 =	vor.u32 $0x8, v4;
	v16 =	vld.idx.msk [tilespmem:v16+s29+$0x0], $0xffff  }
0x1f3: {  	v24 =	vor.u32 $0x9, v4;
	v18 =	vld.idx.msk [tilespmem:v18+s29+$0x0], $0xffff  }
0x1f4: {  	v26 =	vor.u32 $0xA, v4;
	v20 =	vld.idx.msk [tilespmem:v20+s29+$0x0], $0xffff  }
0x1f5: {  	v28 =	vor.u32 $0xB, v4;
	v6 =	vld.idx.msk [tilespmem:v6+s29+$0x0], $0xffff  }
0x1f6: {  	v30 =	vor.u32 $0xC, v4;
	v2 =	vld.idx.msk [tilespmem:v2+s29+$0x0], $0xffff  }
0x1f7: {  	v32 =	vor.u32 $0xD, v4;
	v22 =	vld.idx.msk [tilespmem:v22+s29+$0x0], $0xffff  }
0x1f8: {  	v24 =	vld.idx.msk [tilespmem:v24+s29+$0x0], $0xffff  }
0x1f9: {  	v31 =	vor.u32 $0xE, v3;
	v3 =	vor.u32 $0xF, v3;
	v26 =	vld.idx.msk [tilespmem:v26+s29+$0x0], $0xffff;
	v5 =	vadd.f32 v5, v7  }
0x1fa: {  	v33 =	vor.u32 $0xE, v4;
	v4 =	vor.u32 $0xF, v4;
	v28 =	vld.idx.msk [tilespmem:v28+s29+$0x0], $0xffff  }
0x1fb: {  	v30 =	vld.idx.msk [tilespmem:v30+s29+$0x0], $0xffff;
	v2 =	vadd.f32 v2, v5;
	v5 =	vadd.f32 v6, v9  }
0x1fc: {  	v51 =	vld.idx.msk [tilespmem:v32+s29+$0x0], $0xffff  }
0x1fd: {  	v32 =	vld [tilespmem:s19+$0x0];
	v2 =	vadd.f32 v8, v2;
	v5 =	vadd.f32 v10, v5  }
0x1fe: {  	v3 =	vld.idx.msk [tilespmem:v3+s29+$0x0], $0xffff  }
0x1ff: {  	v4 =	vld.idx.msk [tilespmem:v4+s29+$0x0], $0xffff;
	v2 =	vadd.f32 v11, v2;
	v5 =	vadd.f32 v12, v5  }
0x200: {  	s26 =	simm.s32 $0x20;
	v7 =	vld.idx.msk [tilespmem:v31+s29+$0x0], $0xffff  }
0x201: {  	v6 =	vld.idx.msk [tilespmem:v33+s29+$0x0], $0xffff;
	v8 =	vmov s26;
	v2 =	vadd.f32 v13, v2;
	v5 =	vadd.f32 v14, v5  }
0x202: {  	v9 =	vld [tilespmem:s23+$0x0];
	v8 =	vshll.u32 v8, $0x7  }
0x203: {  	s28 =	simm.s32 $0x30;
	v33 =	vld [tilespmem:s20+$0x0];
	v8 =	vor.u32 v0, v8;
	v2 =	vadd.f32 v15, v2;
	v5 =	vadd.f32 v16, v5  }
0x204: {  	v10 =	vld [tilespmem:s19+$0xFFFFFFF0];
	v11 =	vmov s28;
	v52 =	vor.u32 $0x1, v8  }
0x205: {  	v12 =	vld [tilespmem:s20+$0xFFFFFFF0];
	v34 =	vor.u32 $0x2, v8;
	v2 =	vadd.f32 v17, v2;
	v5 =	vadd.f32 v18, v5  }
0x206: {  	v11 =	vshll.u32 v11, $0x7;
	v55 =	vor.u32 $0x3, v8;
	v13 =	vld [tilespmem:s18+$0xFFFFFFF0]  }
0x207: {  	v11 =	vor.u32 v0, v11;
	v16 =	vld [tilespmem:s23+$0xFFFFFFF0];
	v2 =	vadd.f32 v19, v2;
	v5 =	vadd.f32 v20, v5  }
0x208: {  	v53 =	vor.u32 $0x1, v11;
	v54 =	vld.idx.msk [tilespmem:v8+s29+$0x0], $0xffff  }
0x209: {  	v59 =	vor.u32 $0x5, v8;
	v14 =	vld.idx.msk [tilespmem:v52+s29+$0x0], $0xffff;
	v2 =	vadd.f32 v21, v2;
	v5 =	vadd.f32 v22, v5  }
0x20a: {  	v37 =	vor.u32 $0x2, v11;
	v58 =	vld.idx.msk [tilespmem:v34+s29+$0x0], $0xffff  }
0x20b: {  	v56 =	vor.u32 $0x4, v8;
	v18 =	vld.idx.msk [tilespmem:v55+s29+$0x0], $0xffff;
	v2 =	vadd.f32 v23, v2;
	v5 =	vadd.f32 v24, v5  }
0x20c: {  	v57 =	vor.u32 $0x3, v11;
	v36 =	vld.idx.msk [tilespmem:v11+s29+$0x0], $0xffff  }
0x20d: {  	v61 =	vor.u32 $0x6, v8;
	v15 =	vld.idx.msk [tilespmem:v53+s29+$0x0], $0xffff;
	v2 =	vadd.f32 v25, v2;
	v5 =	vadd.f32 v26, v5  }
0x20e: {  	v60 =	vor.u32 $0x4, v11;
	v40 =	vld.idx.msk [tilespmem:v59+s29+$0x0], $0xffff  }
0x20f: {  	v39 =	vor.u32 $0x7, v8;
	v62 =	vld.idx.msk [tilespmem:v37+s29+$0x0], $0xffff;
	v2 =	vadd.f32 v27, v2;
	v5 =	vadd.f32 v28, v5  }
0x210: {  	v63 =	vor.u32 $0x5, v11;
	v19 =	vld.idx.msk [tilespmem:v56+s29+$0x0], $0xffff;
	v14 =	vadd.f32 v14, v54  }
0x211: {  	v42 =	vor.u32 $0x8, v8;
	v20 =	vld.idx.msk [tilespmem:v57+s29+$0x0], $0xffff;
	v2 =	vadd.f32 v29, v2;
	v5 =	vadd.f32 v30, v5  }
0x212: {  	v41 =	vor.u32 $0x6, v11;
	v44 =	vld.idx.msk [tilespmem:v61+s29+$0x0], $0xffff;
	v15 =	vadd.f32 v15, v36;
	v14 =	vadd.f32 v58, v14  }
0x213: {  	v46 =	vor.u32 $0x9, v8;
	v43 =	vld.idx.msk [tilespmem:v60+s29+$0x0], $0xffff;
	v2 =	vadd.f32 v7, v2;
	v5 =	vadd.f32 v51, v5  }
0x214: {  	v45 =	vor.u32 $0x7, v11;
	v48 =	vld.idx.msk [tilespmem:v39+s29+$0x0], $0xffff;
	v14 =	vadd.f32 v18, v14;
	v15 =	vadd.f32 v62, v15  }
0x215: {  	v47 =	vld.idx.msk [tilespmem:v63+s29+$0x0], $0xffff;
	v53 =	vor.u32 $0xA, v11;
	v2 =	vadd.f32 v3, v2;
	v3 =	vadd.f32 v6, v5  }
0x216: {  	v49 =	vor.u32 $0x8, v11;
	v50 =	vld.idx.msk [tilespmem:v42+s29+$0x0], $0xffff;
	v14 =	vadd.f32 v19, v14;
	v15 =	vadd.f32 v20, v15  }
0x217: {  	v22 =	vld.idx.msk [tilespmem:v41+s29+$0x0], $0xffff;
	v7 =	vor.u32 $0xA, v8;
	v2 =	vadd.f32 v10, v2;
	v3 =	vadd.f32 v4, v3  }
0x218: {  	v52 =	vld.idx.msk [tilespmem:v46+s29+$0x0], $0xffff;
	v14 =	vadd.f32 v40, v14;
	v15 =	vadd.f32 v43, v15;
	v51 =	vor.u32 $0x9, v11  }
0x219: {  	v5 =	vor.u32 $0xB, v8;
	v6 =	vld.idx.msk [tilespmem:v45+s29+$0x0], $0xffff;
	v2 =	vadd.f32 v12, v2;
	v3 =	vadd.f32 v32, v3  }
0x21a: {  	v58 =	vld.idx.msk [tilespmem:v53+s29+$0x0], $0xffff;
	v14 =	vadd.f32 v44, v14;
	v15 =	vadd.f32 v47, v15;
	v4 =	vor.u32 $0xC, v8  }
0x21b: {  	v54 =	vor.u32 $0xB, v11;
	v10 =	vld.idx.msk [tilespmem:v49+s29+$0x0], $0xffff;
	v2 =	vsub.f32 v2, v13;
	v3 =	vadd.f32 v33, v3  }
0x21c: {  	v55 =	vor.u32 $0xD, v8;
	v14 =	vadd.f32 v48, v14;
	v15 =	vadd.f32 v22, v15;
	v7 =	vld.idx.msk [tilespmem:v7+s29+$0x0], $0xffff  }
0x21d: {  	v57 =	vor.u32 $0xE, v8;
	v20 =	vld.idx.msk [tilespmem:v51+s29+$0x0], $0xffff;
	v3 =	vsub.f32 v3, v35;
	v16 =	vmul.f32 v2, v16  }
0x21e: {  	v56 =	vor.u32 $0xC, v11;
	v14 =	vadd.f32 v50, v14;
	v5 =	vld.idx.msk [tilespmem:v5+s29+$0x0], $0xffff;
	v6 =	vadd.f32 v6, v15  }
0x21f: {  	v59 =	vld.idx.msk [tilespmem:v4+s29+$0x0], $0xffff;
	v4 =	vor.u32 $0xD, v11;
	v2 =	vmul.f32 v16, v2;
	v61 =	vmul.f32 v3, v9  }
0x220: {  	v60 =	vor.u32 $0xF, v8;
	v21 =	vld.idx.msk [tilespmem:v54+s29+$0x0], $0xffff;
	v14 =	vadd.f32 v52, v14;
	v6 =	vadd.f32 v10, v6  }
0x221: {  	v8 =	vld.idx.msk [tilespmem:v55+s29+$0x0], $0xffff;
	v10 =	vor.u32 $0xE, v11;
	v1 =	vadd.f32 v2, v1;
	v2 =	vmul.f32 v61, v3  }
0x222: {  	v14 =	vadd.f32 v7, v14;
	v62 =	vadd.f32 v20, v6;
	v6 =	vld.idx.msk [tilespmem:v57+s29+$0x0], $0xffff  }
0x223: {  	v9 =	vld.idx.msk [tilespmem:v56+s29+$0x0], $0xffff;
	v1 =	vadd.f32 v2, v1;
	v2 =	vor.u32 $0xF, v11  }
0x224: {  	v63 =	vadd.f32 v58, v62;
	v7 =	vld.idx.msk [tilespmem:v4+s29+$0x0], $0xffff;
	v3 =	vadd.f32 v5, v14  }
0x225: {  	v5 =	vld.idx.msk [tilespmem:v60+s29+$0x0], $0xffff  }
0x226: {  	s21 =	simm.s32 $0x6B0;
	v4 =	vld.idx.msk [tilespmem:v10+s29+$0x0], $0xffff;
	v10 =	vadd.f32 v21, v63;
	v11 =	vadd.f32 v59, v3  }
0x227: {  	s24 =	simm.s32 $0x40;
	s23 =	simm.s32 $0x2;
	v3 =	vld [tilespmem:s21+$0x0]  }
.LBB2_8:
0x228: {  	s25 =	sadd.s32 $0x10, s24;
	v8 =	vadd.f32 v8, v11;
	v9 =	vadd.f32 v9, v10;
	v2 =	vld.idx.msk [tilespmem:v2+s29+$0x0], $0xffff;
	s19 =	sadd.s32 $0x20, s19  }
0x229: {  	v10 =	vmov s24;
	s20 =	sadd.s32 $0x20, s20;
	v11 =	vmov s25;
	v12 =	vld [tilespmem:s19+$0xFFFFFFF0]  }
0x22a: {  	s23 =	sadd.s32 $0x2, s23;
	v10 =	vshll.u32 v10, $0x7;
	v6 =	vadd.f32 v6, v8;
	v8 =	vld [tilespmem:s20+$0xFFFFFFF0];
	v7 =	vadd.f32 v7, v9  }
0x22b: {  	s18 =	sadd.s32 $0x20, s18;
	p0 =	slt.u32 s23, $0x6;
	v9 =	vor.u32 v0, v10;
	v10 =	vshll.u32 v11, $0x7;
	v11 =	vld [tilespmem:s19+$0x0]  }
0x22c: {  	v10 =	vor.u32 v0, v10;
	v5 =	vadd.f32 v5, v6;
	v6 =	vld [tilespmem:s18+$0xFFFFFFF0];
	v4 =	vadd.f32 v4, v7  }
0x22d: {  	v7 =	vor.u32 $0x1, v9;
	v13 =	vld [tilespmem:s20+$0x0]  }
0x22e: {  	v14 =	vor.u32 $0x1, v10;
	v15 =	vld [tilespmem:s21+$0xFFFFFFF0];
	v5 =	vadd.f32 v12, v5;
	v2 =	vadd.f32 v2, v4  }
0x22f: {  	v4 =	vor.u32 $0x2, v9;
	v12 =	vld [tilespmem:s18+$0x0]  }
0x230: {  	v17 =	vor.u32 $0x3, v9;
	v16 =	vld.idx.msk [tilespmem:v9+s29+$0x0], $0xffff;
	v5 =	vadd.f32 v8, v5;
	v2 =	vadd.f32 v11, v2  }
0x231: {  	v11 =	vor.u32 $0x2, v10;
	v8 =	vld.idx.msk [tilespmem:v10+s29+$0x0], $0xffff  }
0x232: {  	v18 =	vor.u32 $0x4, v9;
	v7 =	vld.idx.msk [tilespmem:v7+s29+$0x0], $0xffff;
	v5 =	vsub.f32 v5, v6;
	v2 =	vadd.f32 v13, v2  }
0x233: {  	v13 =	vor.u32 $0x3, v10;
	v6 =	vld.idx.msk [tilespmem:v14+s29+$0x0], $0xffff  }
0x234: {  	v14 =	vor.u32 $0x5, v9;
	v4 =	vld.idx.msk [tilespmem:v4+s29+$0x0], $0xffff;
	v15 =	vmul.f32 v5, v15;
	v2 =	vsub.f32 v2, v12  }
0x235: {  	v12 =	vld.idx.msk [tilespmem:v17+s29+$0x0], $0xffff;
	v17 =	vor.u32 $0x4, v10  }
0x236: {  	v19 =	vor.u32 $0x6, v9;
	v11 =	vld.idx.msk [tilespmem:v11+s29+$0x0], $0xffff;
	v5 =	vmul.f32 v15, v5;
	v3 =	vmul.f32 v2, v3  }
0x237: {  	v20 =	vor.u32 $0x5, v10;
	v15 =	vld.idx.msk [tilespmem:v18+s29+$0x0], $0xffff;
	v18 =	vor.u32 $0x7, v9  }
0x238: {  	v7 =	vadd.f32 v7, v16;
	v13 =	vld.idx.msk [tilespmem:v13+s29+$0x0], $0xffff;
	v1 =	vadd.f32 v5, v1;
	v2 =	vmul.f32 v3, v2  }
0x239: {  	v5 =	vadd.f32 v6, v8;
	v6 =	vor.u32 $0x6, v10;
	v3 =	vld.idx.msk [tilespmem:v14+s29+$0x0], $0xffff  }
0x23a: {  	v4 =	vadd.f32 v4, v7;
	v7 =	vor.u32 $0x8, v9;
	v8 =	vld.idx.msk [tilespmem:v17+s29+$0x0], $0xffff;
	v1 =	vadd.f32 v2, v1  }
0x23b: {  	v14 =	vor.u32 $0x7, v10;
	v2 =	vld.idx.msk [tilespmem:v19+s29+$0x0], $0xffff  }
0x23c: {  	v4 =	vadd.f32 v12, v4;
	v12 =	vor.u32 $0x9, v9;
	v5 =	vadd.f32 v11, v5;
	v11 =	vld.idx.msk [tilespmem:v20+s29+$0x0], $0xffff  }
0x23d: {  	v17 =	vor.u32 $0x8, v10;
	v16 =	vld.idx.msk [tilespmem:v18+s29+$0x0], $0xffff  }
0x23e: {  	v4 =	vadd.f32 v15, v4;
	v15 =	vor.u32 $0xA, v9;
	v5 =	vadd.f32 v13, v5;
	v6 =	vld.idx.msk [tilespmem:v6+s29+$0x0], $0xffff  }
0x23f: {  	v13 =	vor.u32 $0x9, v10;
	v7 =	vld.idx.msk [tilespmem:v7+s29+$0x0], $0xffff  }
0x240: {  	v3 =	vadd.f32 v3, v4;
	v4 =	vor.u32 $0xB, v9;
	v5 =	vadd.f32 v8, v5;
	v8 =	vld.idx.msk [tilespmem:v14+s29+$0x0], $0xffff  }
0x241: {  	v14 =	vor.u32 $0xA, v10;
	v12 =	vld.idx.msk [tilespmem:v12+s29+$0x0], $0xffff  }
0x242: {  	v2 =	vadd.f32 v2, v3;
	v3 =	vor.u32 $0xC, v9;
	v5 =	vadd.f32 v11, v5;
	v11 =	vld.idx.msk [tilespmem:v17+s29+$0x0], $0xffff  }
0x243: {  	v17 =	vor.u32 $0xB, v10;
	v15 =	vld.idx.msk [tilespmem:v15+s29+$0x0], $0xffff  }
0x244: {  	v2 =	vadd.f32 v16, v2;
	v16 =	vor.u32 $0xD, v9;
	v5 =	vadd.f32 v6, v5;
	v6 =	vld.idx.msk [tilespmem:v13+s29+$0x0], $0xffff  }
0x245: {  	v13 =	vor.u32 $0xC, v10;
	v4 =	vld.idx.msk [tilespmem:v4+s29+$0x0], $0xffff  }
0x246: {  	v2 =	vadd.f32 v7, v2;
	v7 =	vor.u32 $0xE, v9;
	v5 =	vadd.f32 v8, v5;
	v14 =	vld.idx.msk [tilespmem:v14+s29+$0x0], $0xffff  }
0x247: {  	v18 =	vor.u32 $0xD, v10;
	v3 =	vld.idx.msk [tilespmem:v3+s29+$0x0], $0xffff  }
0x248: {  	v2 =	vadd.f32 v12, v2;
	v12 =	vor.u32 $0xF, v9;
	v5 =	vadd.f32 v11, v5;
	v17 =	vld.idx.msk [tilespmem:v17+s29+$0x0], $0xffff  }
0x249: {  	v8 =	vld.idx.msk [tilespmem:v16+s29+$0x0], $0xffff;
	v16 =	vor.u32 $0xE, v10  }
0x24a: {  	v11 =	vadd.f32 v15, v2;
	v5 =	vadd.f32 v6, v5;
	v9 =	vld.idx.msk [tilespmem:v13+s29+$0x0], $0xffff  }
.Ltmp3:
0x24b: {  	v2 =	vor.u32 $0xF, v10;
	v6 =	vld.idx.msk [tilespmem:v7+s29+$0x0], $0xffff;
	(pc) =	sbr.rel @p0 .LBB2_8-.Ltmp3, $4  }
0x24c: {  	v4 =	vadd.f32 v4, v11;
	v10 =	vadd.f32 v14, v5;
	v7 =	vld.idx.msk [tilespmem:v18+s29+$0x0], $0xffff  }
0x24d: {  	v5 =	vld.idx.msk [tilespmem:v12+s29+$0x0], $0xffff  }
0x24e: {  	s21 =	sadd.s32 $0x20, s21;
	v11 =	vadd.f32 v3, v4;
	v10 =	vadd.f32 v17, v10;
	v4 =	vld.idx.msk [tilespmem:v16+s29+$0x0], $0xffff  }
0x24f: {  	s24 =	sadd.s32 $0x20, s24;
	v3 =	vld [tilespmem:s21+$0x0]  }
0x250: {  	_ =	sdelay $0x3  }
0x251: {  	v12 =	vld.idx.msk [tilespmem:v2+s29+$0x0], $0xffff  }
0x252: {  	s19 =	sadd.s32 $0x20, s19;
	v18 =	vld [tilespmem:s21+$0xFFFFFFF0]  }
0x253: {  	s20 =	sadd.s32 $0x20, s20;
	v13 =	vld [tilespmem:s19+$0xFFFFFFF0]  }
0x254: {  	v14 =	vld [tilespmem:s20+$0xFFFFFFF0]  }
0x255: {  	s18 =	sadd.s32 $0x20, s18;
	v15 =	vld [tilespmem:s19+$0x0]  }
0x256: {  	v16 =	vld [tilespmem:s18+$0xFFFFFFF0]  }
0x257: {  	v17 =	vld [tilespmem:s20+$0x0]  }
0x258: {  	v19 =	vld [tilespmem:s18+$0x0];
	_ =	swait.ge [sflag:s22], $0x4000  }
0x259: {  	[sflag:s22] =	ssyncset.done $0x0  }
0x25a: {  	[sflag:s22] =	ssyncadd.s32 $0xFFFFC000  }
0x25b: {  	_ =	swait.ge [sflag:s22], $0x4000  }
0x25c: {  	[sflag:s22] =	ssyncset.done $0x0  }
0x25d: {  	[sflag:s22] =	ssyncadd.s32 $0xFFFFC000  }
0x25e: {  	_ =	swait.ge [sflag:s22], $0x80  }
0x25f: {  	[sflag:s22] =	ssyncset.done $0x0  }
0x260: {  	[sflag:s22] =	ssyncadd.s32 $0xFFFFFF80  }
0x261: {  	_ =	swait.ge [sflag:s22], $0x80  }
0x262: {  	[sflag:s22] =	ssyncset.done $0x0  }
0x263: {  	s23 =	simm.s32 $0x8900;
	[sflag:s22] =	ssyncadd.s32 $0xFFFFFF80  }
0x264: {  	[tilespmem:s23], [sflag:$0x2] =	stream.indirect.gather [hbm4b:s1+s17], $0x80, s4, s17, $0xb8;
	[tilespmem:$0x14A80] =	vst v63  }
0x265: {  	s24 =	simm.s32 $0xC900  }
0x266: {  	[tilespmem:s24], [sflag:$0x2] =	stream.indirect.gather [hbm4b:s2+s17], $0x80, s13, s17, $0xb8;
	[tilespmem:$0x14A80] =	vst v63  }
0x267: {  	s25 =	simm.s32 $0x10900  }
0x268: {  	[tilespmem:s25], [sflag:$0x2] =	stream.indirect.gather [hbm4b:s3+s17], $0x1, s4, s17, $0xb8;
	[tilespmem:$0x14A80] =	vst v63  }
0x269: {  	s26 =	simm.s32 $0x10980;
	s28 =	simm.s32 $0x900  }
0x26a: {  	[tilespmem:s26], [sflag:$0x2] =	stream.indirect.gather [hbm4b:s5+s17], $0x1, s13, s17, $0xb8;
	[tilespmem:$0x14A80] =	vst v63  }
0x26b: {  	s21 =	simm.s32 $0x4900;
	v20 =	vld [tilespmem:s28+$0x80]  }
0x26c: {  	v21 =	vld [tilespmem:s21+$0x80]  }
0x26d: {  	v22 =	vld [tilespmem:s28+$0x90]  }
0x26e: {  	v23 =	vld [tilespmem:s21+$0x90]  }
0x26f: {  	v24 =	vld [tilespmem:s28+$0xA0]  }
0x270: {  	v25 =	vld [tilespmem:s21+$0xA0]  }
0x271: {  	v26 =	vld [tilespmem:s28+$0xB0]  }
0x272: {  	v27 =	vld [tilespmem:s21+$0xB0]  }
0x273: {  	v28 =	vld [tilespmem:s28+$0xC0]  }
0x274: {  	v29 =	vld [tilespmem:s21+$0xC0]  }
0x275: {  	v30 =	vld [tilespmem:s28+$0xD0]  }
0x276: {  	v31 =	vld [tilespmem:s21+$0xD0]  }
0x277: {  	v32 =	vld [tilespmem:s28+$0xE0]  }
0x278: {  	v33 =	vld [tilespmem:s21+$0xE0]  }
0x279: {  	v34 =	vld [tilespmem:s28+$0xF0]  }
0x27a: {  	v35 =	vld [tilespmem:s21+$0xF0]  }
0x27b: {  	v2 =	vld [tilespmem:s21+$0xFFFFFF00]  }
0x27c: {  	v36 =	vld [tilespmem:s28+$0xFFFFFF10]  }
0x27d: {  	v37 =	vld [tilespmem:s21+$0xFFFFFF10]  }
0x27e: {  	v38 =	vld [tilespmem:s28+$0xFFFFFF20]  }
0x27f: {  	v39 =	vld [tilespmem:s21+$0xFFFFFF20]  }
0x280: {  	v40 =	vld [tilespmem:s28+$0xFFFFFF30]  }
0x281: {  	v41 =	vld [tilespmem:s21+$0xFFFFFF30]  }
0x282: {  	v42 =	vld [tilespmem:s28+$0xFFFFFF40]  }
0x283: {  	v43 =	vld [tilespmem:s21+$0xFFFFFF40]  }
0x284: {  	v44 =	vld [tilespmem:s28+$0xFFFFFF50]  }
0x285: {  	v45 =	vld [tilespmem:s21+$0xFFFFFF50]  }
0x286: {  	v46 =	vld [tilespmem:s28+$0xFFFFFF60]  }
0x287: {  	v9 =	vadd.f32 v9, v10;
	v47 =	vld [tilespmem:s21+$0xFFFFFF60]  }
0x288: {  	v8 =	vadd.f32 v8, v11;
	v48 =	vld [tilespmem:s28+$0xFFFFFF70]  }
0x289: {  	v7 =	vadd.f32 v7, v9;
	v11 =	vld [tilespmem:s21+$0xFFFFFF70]  }
0x28a: {  	v6 =	vadd.f32 v6, v8;
	v49 =	vld [tilespmem:s28+$0xFFFFFF80]  }
0x28b: {  	v4 =	vadd.f32 v4, v7;
	v8 =	vld [tilespmem:s21+$0xFFFFFF80]  }
0x28c: {  	v5 =	vadd.f32 v5, v6;
	v10 =	vld [tilespmem:s28+$0xFFFFFF90]  }
0x28d: {  	v4 =	vadd.f32 v12, v4;
	v6 =	vld [tilespmem:s21+$0xFFFFFF90]  }
0x28e: {  	v5 =	vadd.f32 v13, v5;
	v9 =	vld [tilespmem:s28+$0xFFFFFFA0]  }
0x28f: {  	v4 =	vadd.f32 v15, v4;
	v13 =	vld [tilespmem:s21+$0xFFFFFFA0]  }
0x290: {  	v5 =	vadd.f32 v14, v5;
	v7 =	vld [tilespmem:s28+$0xFFFFFFB0]  }
0x291: {  	v4 =	vadd.f32 v17, v4;
	v14 =	vld [tilespmem:s21+$0xFFFFFFB0]  }
0x292: {  	v5 =	vsub.f32 v5, v16;
	v12 =	vld [tilespmem:s28+$0xFFFFFFC0]  }
0x293: {  	v4 =	vsub.f32 v4, v19;
	v16 =	vld [tilespmem:s21+$0xFFFFFFC0]  }
0x294: {  	v18 =	vmul.f32 v5, v18;
	v15 =	vld [tilespmem:s28+$0xFFFFFFD0]  }
0x295: {  	v3 =	vmul.f32 v4, v3;
	v50 =	vld [tilespmem:s21+$0xFFFFFFD0]  }
0x296: {  	v5 =	vmul.f32 v18, v5;
	v17 =	vld [tilespmem:s28+$0xFFFFFFE0]  }
0x297: {  	v3 =	vmul.f32 v3, v4;
	v58 =	vld [tilespmem:s28+$0xFFFFFFF0];
	v55 =	vmul.f32 v21, v20  }
0x298: {  	v61 =	vld [tilespmem:s21+$0xFFFFFFF0];
	v56 =	vmul.f32 v23, v22;
	v57 =	vmul.f32 v25, v24  }
0x299: {  	v63 =	vld [tilespmem:s28+$0x0];
	v59 =	vmul.f32 v27, v26;
	v60 =	vmul.f32 v29, v28  }
0x29a: {  	v1 =	vadd.f32 v5, v1;
	v51 =	vld [tilespmem:s21+$0x0];
	v62 =	vmul.f32 v31, v30;
	v5 =	vmul.f32 v33, v32  }
0x29b: {  	v53 =	vld [tilespmem:s28+$0x10];
	v35 =	vmul.f32 v35, v34;
	v8 =	vmul.f32 v8, v49  }
0x29c: {  	v1 =	vadd.f32 v3, v1;
	v20 =	vld [tilespmem:s21+$0xFFFFFFE0];
	v6 =	vmul.f32 v6, v10;
	v9 =	vmul.f32 v13, v9  }
0x29d: {  	v10 =	vld [tilespmem:s28+$0x20];
	v7 =	vmul.f32 v14, v7;
	v4 =	vadd.f32 v56, v55;
	v52 =	vadd.f32 v59, v57  }
0x29e: {  	v13 =	vld [tilespmem:s21+$0x20];
	v3 =	vmul.f32 v16, v12;
	v54 =	vadd.f32 v62, v60;
	v5 =	vadd.f32 v35, v5  }
0x29f: {  	v12 =	vmul.f32 v50, v15;
	v14 =	vld [tilespmem:s28+$0x30];
	v15 =	vmul.f32 v61, v58  }
0x2a0: {  	v58 =	vmul.f32 v43, v42;
	v57 =	vld [tilespmem:s21+$0x30];
	v4 =	vadd.f32 v52, v4;
	v5 =	vadd.f32 v5, v54  }
0x2a1: {  	v11 =	vmul.f32 v11, v48;
	v55 =	vmul.f32 v39, v38;
	v56 =	vld [tilespmem:s21+$0x10]  }
0x2a2: {  	v61 =	vld [tilespmem:s21+$0x50];
	v6 =	vadd.f32 v6, v8;
	v4 =	vadd.f32 v5, v4;
	v5 =	vmul.f32 v20, v17  }
0x2a3: {  	v7 =	vadd.f32 v7, v9;
	v59 =	vld [tilespmem:s28+$0x40];
	v8 =	vmul.f32 v45, v44;
	v3 =	vadd.f32 v12, v3  }
0x2a4: {  	v12 =	vld [tilespmem:s21+$0x40];
	v9 =	vmul.f32 v47, v46;
	v60 =	vmul.f32 v51, v63;
	v5 =	vadd.f32 v15, v5  }
0x2a5: {  	v6 =	vadd.f32 v7, v6;
	v10 =	vmul.f32 v13, v10;
	v13 =	vmul.f32 v57, v14;
	v15 =	vld [tilespmem:s28+$0x50]  }
0x2a6: {  	v7 =	vld [tilespmem:s28+$0x60];
	v11 =	vadd.f32 v11, v9;
	v3 =	vadd.f32 v5, v3;
	v5 =	vmul.f32 v56, v53  }
0x2a7: {  	v17 =	vadd.f32 v8, v58;
	v8 =	vld [tilespmem:s21+$0x60];
	v14 =	vmul.f32 v41, v40;
	v63 =	vadd.f32 v13, v10  }
0x2a8: {  	s24 =	simm.s32 $0x10B00;
	v9 =	vld [tilespmem:s28+$0x70];
	v6 =	vadd.f32 v3, v6;
	v62 =	vadd.f32 v5, v60  }
0x2a9: {  	s18 =	simm.s32 $0x510;
	[tilespmem:s24+$0x80] =	vst v4;
	v4 =	vadd.f32 v14, v55;
	v10 =	vld [tilespmem:s21+$0x70];
	v3 =	vmul.f32 v37, v36;
	v5 =	vadd.f32 v11, v17  }
0x2aa: {  	s23 =	simm.s32 $0x710;
	s25 =	simm.s32 $0x0;
	s26 =	simm.s32 $0xB00;
	v11 =	vmul.f32 v12, v59;
	v12 =	vld [tilespmem:s28+$0xFFFFFF00];
	v13 =	vmul.f32 v61, v15;
	[tilespmem:s24+$0xFFFFFF80] =	vst v6;
	v6 =	vadd.f32 v63, v62  }
.LBB2_10:
0x2ab: {  	v14 =	vld [tilespmem:s26+$0x80];
	s21 =	sadd.s32 $0x200, s21  }
0x2ac: {  	v15 =	vld [tilespmem:s21+$0x80];
	v7 =	vmul.f32 v8, v7;
	v8 =	vadd.f32 v13, v11  }
0x2ad: {  	v11 =	vld [tilespmem:s26+$0x90]  }
0x2ae: {  	v13 =	vld [tilespmem:s21+$0x90];
	v9 =	vmul.f32 v10, v9  }
0x2af: {  	v10 =	vld [tilespmem:s26+$0xA0];
	v2 =	vmul.f32 v2, v12  }
0x2b0: {  	v12 =	vld [tilespmem:s21+$0xA0];
	v7 =	vadd.f32 v9, v7  }
0x2b1: {  	v9 =	vld [tilespmem:s26+$0xB0];
	v2 =	vadd.f32 v3, v2  }
0x2b2: {  	v3 =	vld [tilespmem:s21+$0xB0];
	v7 =	vadd.f32 v7, v8  }
0x2b3: {  	v8 =	vld [tilespmem:s26+$0xC0];
	v2 =	vadd.f32 v4, v2  }
0x2b4: {  	v4 =	vld [tilespmem:s21+$0xC0];
	v6 =	vadd.f32 v7, v6  }
0x2b5: {  	v7 =	vld [tilespmem:s26+$0xD0];
	v2 =	vadd.f32 v5, v2  }
0x2b6: {  	v5 =	vld [tilespmem:s21+$0xD0];
	[tilespmem:s24+$0x0] =	vst v6  }
0x2b7: {  	v6 =	vld [tilespmem:s26+$0xE0];
	[tilespmem:s24+$0xFFFFFF00] =	vst v2  }
0x2b8: {  	v16 =	vld [tilespmem:s21+$0xE0]  }
0x2b9: {  	v17 =	vld [tilespmem:s26+$0xF0]  }
0x2ba: {  	s25 =	sadd.s32 $0x4, s25;
	v18 =	vld [tilespmem:s21+$0xF0]  }
0x2bb: {  	p0 =	slt.u32 s25, $0x7C;
	v2 =	vld [tilespmem:s21+$0xFFFFFF00]  }
0x2bc: {  	v14 =	vmul.f32 v15, v14;
	v11 =	vmul.f32 v13, v11;
	v19 =	vld [tilespmem:s26+$0xFFFFFF10]  }
0x2bd: {  	v10 =	vmul.f32 v12, v10;
	v3 =	vmul.f32 v3, v9;
	v13 =	vld [tilespmem:s21+$0xFFFFFF10]  }
0x2be: {  	v4 =	vmul.f32 v4, v8;
	v5 =	vmul.f32 v5, v7;
	v9 =	vld [tilespmem:s26+$0xFFFFFF20]  }
0x2bf: {  	v6 =	vmul.f32 v16, v6;
	v7 =	vld [tilespmem:s21+$0xFFFFFF20];
	v8 =	vmul.f32 v18, v17  }
0x2c0: {  	v11 =	vadd.f32 v11, v14;
	v10 =	vadd.f32 v3, v10;
	v12 =	vld [tilespmem:s26+$0xFFFFFF30]  }
0x2c1: {  	v4 =	vadd.f32 v5, v4;
	v14 =	vld [tilespmem:s21+$0xFFFFFF30];
	v5 =	vadd.f32 v8, v6  }
0x2c2: {  	v3 =	vmul.f32 v13, v19;
	v6 =	vld [tilespmem:s26+$0xFFFFFF40]  }
0x2c3: {  	v10 =	vadd.f32 v10, v11;
	v8 =	vld [tilespmem:s21+$0xFFFFFF40];
	v4 =	vadd.f32 v5, v4  }
0x2c4: {  	v5 =	vmul.f32 v7, v9;
	v7 =	vld [tilespmem:s26+$0xFFFFFF50]  }
0x2c5: {  	v9 =	vld [tilespmem:s21+$0xFFFFFF50];
	v4 =	vadd.f32 v4, v10  }
0x2c6: {  	s19 =	simm.s32 $0x8810;
	s24 =	sadd.s32 $0x200, s24;
	v10 =	vmul.f32 v14, v12;
	v11 =	vld [tilespmem:s26+$0xFFFFFF60]  }
0x2c7: {  	s28 =	simm.s32 $0x0;
	s20 =	simm.s32 $0x8890;
	v12 =	vld [tilespmem:s21+$0xFFFFFF60];
	[tilespmem:s24+$0x80] =	vst v4  }
0x2c8: {  	v6 =	vmul.f32 v8, v6;
	v8 =	vld [tilespmem:s26+$0xFFFFFF70];
	v4 =	vadd.f32 v10, v5  }
0x2c9: {  	v5 =	vld [tilespmem:s21+$0xFFFFFF70]  }
0x2ca: {  	v7 =	vmul.f32 v9, v7;
	v9 =	vld [tilespmem:s26+$0xFFFFFF80]  }
0x2cb: {  	v10 =	vld [tilespmem:s21+$0xFFFFFF80]  }
0x2cc: {  	v11 =	vmul.f32 v12, v11;
	v6 =	vadd.f32 v7, v6;
	v7 =	vld [tilespmem:s26+$0xFFFFFF90]  }
0x2cd: {  	v12 =	vld [tilespmem:s21+$0xFFFFFF90]  }
0x2ce: {  	v5 =	vmul.f32 v5, v8;
	v8 =	vld [tilespmem:s26+$0xFFFFFFA0]  }
0x2cf: {  	v13 =	vld [tilespmem:s21+$0xFFFFFFA0]  }
0x2d0: {  	v5 =	vadd.f32 v5, v11;
	v9 =	vmul.f32 v10, v9;
	v10 =	vld [tilespmem:s26+$0xFFFFFFB0]  }
0x2d1: {  	v11 =	vld [tilespmem:s21+$0xFFFFFFB0]  }
0x2d2: {  	v5 =	vadd.f32 v5, v6;
	v6 =	vmul.f32 v12, v7;
	v7 =	vld [tilespmem:s26+$0xFFFFFFC0]  }
0x2d3: {  	v12 =	vld [tilespmem:s21+$0xFFFFFFC0]  }
0x2d4: {  	v8 =	vmul.f32 v13, v8;
	v13 =	vld [tilespmem:s26+$0xFFFFFFD0];
	v6 =	vadd.f32 v6, v9  }
0x2d5: {  	v9 =	vld [tilespmem:s21+$0xFFFFFFD0]  }
0x2d6: {  	v10 =	vmul.f32 v11, v10;
	v11 =	vld [tilespmem:s26+$0xFFFFFFE0]  }
0x2d7: {  	v14 =	vld [tilespmem:s21+$0xFFFFFFE0]  }
0x2d8: {  	v7 =	vmul.f32 v12, v7;
	v12 =	vld [tilespmem:s26+$0xFFFFFFF0];
	v8 =	vadd.f32 v10, v8  }
0x2d9: {  	v10 =	vld [tilespmem:s21+$0xFFFFFFF0]  }
0x2da: {  	v9 =	vmul.f32 v9, v13;
	v6 =	vadd.f32 v8, v6;
	v8 =	vld [tilespmem:s26+$0x0]  }
0x2db: {  	v13 =	vld [tilespmem:s21+$0x0]  }
0x2dc: {  	v11 =	vmul.f32 v14, v11;
	v7 =	vadd.f32 v9, v7;
	v9 =	vld [tilespmem:s26+$0x10]  }
0x2dd: {  	v14 =	vld [tilespmem:s21+$0x10]  }
0x2de: {  	v10 =	vmul.f32 v10, v12;
	v12 =	vld [tilespmem:s26+$0x20]  }
0x2df: {  	v15 =	vld [tilespmem:s21+$0x20]  }
0x2e0: {  	v10 =	vadd.f32 v10, v11;
	v8 =	vmul.f32 v13, v8;
	v11 =	vld [tilespmem:s26+$0x30]  }
0x2e1: {  	v13 =	vld [tilespmem:s21+$0x30]  }
0x2e2: {  	v7 =	vadd.f32 v10, v7;
	v9 =	vmul.f32 v14, v9;
	v10 =	vld [tilespmem:s26+$0x40]  }
0x2e3: {  	v14 =	vld [tilespmem:s21+$0x40]  }
0x2e4: {  	v6 =	vadd.f32 v7, v6;
	v12 =	vmul.f32 v15, v12;
	v15 =	vld [tilespmem:s26+$0x50];
	v16 =	vadd.f32 v9, v8  }
0x2e5: {  	v17 =	vld [tilespmem:s21+$0x50]  }
.Ltmp4:
0x2e6: {  	[tilespmem:s24+$0xFFFFFF80] =	vst v6;
	v6 =	vmul.f32 v13, v11;
	v7 =	vld [tilespmem:s26+$0x60];
	(pc) =	sbr.rel @p0 .LBB2_10-.Ltmp4, $4  }
0x2e7: {  	v8 =	vld [tilespmem:s21+$0x60]  }
0x2e8: {  	v11 =	vmul.f32 v14, v10;
	v9 =	vld [tilespmem:s26+$0x70];
	v6 =	vadd.f32 v6, v12  }
0x2e9: {  	v10 =	vld [tilespmem:s21+$0x70]  }
0x2ea: {  	v12 =	vld [tilespmem:s26+$0xFFFFFF00];
	v13 =	vmul.f32 v17, v15;
	v6 =	vadd.f32 v6, v16;
	s26 =	sadd.s32 $0x200, s26  }
0x2eb: {  	_ =	sdelay $0x2  }
0x2ec: {  	v7 =	vmul.f32 v8, v7;
	v8 =	vmul.f32 v10, v9  }
0x2ed: {  	v2 =	vmul.f32 v2, v12  }
0x2ee: {  	v9 =	vadd.f32 v13, v11;
	v7 =	vadd.f32 v8, v7  }
0x2ef: {  	v2 =	vadd.f32 v3, v2;
	v3 =	vmov s28  }
0x2f0: {  	s21 =	simm.s32 $0x10;
	v7 =	vadd.f32 v7, v9;
	v3 =	vshll.u32 v3, $0x7  }
0x2f1: {  	v8 =	vmov s21;
	v2 =	vadd.f32 v4, v2;
	v3 =	vor.u32 v0, v3  }
0x2f2: {  	v4 =	vshll.u32 v8, $0x7;
	v6 =	vadd.f32 v7, v6  }
0x2f3: {  	v4 =	vor.u32 v0, v4;
	v2 =	vadd.f32 v5, v2  }
0x2f4: {  	v8 =	vor.u32 $0x3, v3;
	[tilespmem:s24+$0x0] =	vst v6  }
0x2f5: {  	v11 =	vor.u32 $0x4, v3;
	[tilespmem:s24+$0xFFFFFF00] =	vst v2  }
0x2f6: {  	v50 =	vor.u32 $0x5, v3;
	v7 =	vld.idx.msk [tilespmem:v3+s29+$0x0], $0xffff  }
0x2f7: {  	v15 =	vor.u32 $0x6, v3;
	v35 =	vld [tilespmem:s18+$0x0]  }
0x2f8: {  	v17 =	vor.u32 $0x7, v3;
	v9 =	vld.idx.msk [tilespmem:v4+s29+$0x0], $0xffff  }
0x2f9: {  	v19 =	vor.u32 $0x8, v3;
	v8 =	vld.idx.msk [tilespmem:v8+s29+$0x0], $0xffff  }
0x2fa: {  	v21 =	vor.u32 $0x9, v3;
	v11 =	vld.idx.msk [tilespmem:v11+s29+$0x0], $0xffff  }
0x2fb: {  	v23 =	vor.u32 $0xA, v3;
	v13 =	vld.idx.msk [tilespmem:v50+s29+$0x0], $0xffff  }
0x2fc: {  	v25 =	vor.u32 $0xB, v3;
	v15 =	vld.idx.msk [tilespmem:v15+s29+$0x0], $0xffff  }
0x2fd: {  	v27 =	vor.u32 $0xC, v3;
	v17 =	vld.idx.msk [tilespmem:v17+s29+$0x0], $0xffff  }
0x2fe: {  	v29 =	vor.u32 $0xD, v3;
	v19 =	vld.idx.msk [tilespmem:v19+s29+$0x0], $0xffff  }
0x2ff: {  	v5 =	vor.u32 $0x1, v3;
	v21 =	vld.idx.msk [tilespmem:v21+s29+$0x0], $0xffff  }
0x300: {  	v10 =	vor.u32 $0x2, v4;
	v23 =	vld.idx.msk [tilespmem:v23+s29+$0x0], $0xffff  }
0x301: {  	v49 =	vor.u32 $0x3, v4;
	v25 =	vld.idx.msk [tilespmem:v25+s29+$0x0], $0xffff  }
0x302: {  	v14 =	vor.u32 $0x4, v4;
	v27 =	vld.idx.msk [tilespmem:v27+s29+$0x0], $0xffff  }
0x303: {  	v16 =	vor.u32 $0x5, v4;
	v29 =	vld.idx.msk [tilespmem:v29+s29+$0x0], $0xffff  }
0x304: {  	v18 =	vor.u32 $0x6, v4;
	v5 =	vld.idx.msk [tilespmem:v5+s29+$0x0], $0xffff  }
0x305: {  	v20 =	vor.u32 $0x7, v4;
	v10 =	vld.idx.msk [tilespmem:v10+s29+$0x0], $0xffff  }
0x306: {  	v6 =	vor.u32 $0x1, v4;
	v12 =	vld.idx.msk [tilespmem:v49+s29+$0x0], $0xffff  }
0x307: {  	v2 =	vor.u32 $0x2, v3;
	v14 =	vld.idx.msk [tilespmem:v14+s29+$0x0], $0xffff  }
0x308: {  	v22 =	vor.u32 $0x8, v4;
	v16 =	vld.idx.msk [tilespmem:v16+s29+$0x0], $0xffff  }
0x309: {  	v24 =	vor.u32 $0x9, v4;
	v18 =	vld.idx.msk [tilespmem:v18+s29+$0x0], $0xffff  }
0x30a: {  	v26 =	vor.u32 $0xA, v4;
	v20 =	vld.idx.msk [tilespmem:v20+s29+$0x0], $0xffff  }
0x30b: {  	v28 =	vor.u32 $0xB, v4;
	v6 =	vld.idx.msk [tilespmem:v6+s29+$0x0], $0xffff  }
0x30c: {  	v30 =	vor.u32 $0xC, v4;
	v2 =	vld.idx.msk [tilespmem:v2+s29+$0x0], $0xffff  }
0x30d: {  	v32 =	vor.u32 $0xD, v4;
	v22 =	vld.idx.msk [tilespmem:v22+s29+$0x0], $0xffff  }
0x30e: {  	v24 =	vld.idx.msk [tilespmem:v24+s29+$0x0], $0xffff  }
0x30f: {  	v31 =	vor.u32 $0xE, v3;
	v3 =	vor.u32 $0xF, v3;
	v26 =	vld.idx.msk [tilespmem:v26+s29+$0x0], $0xffff;
	v5 =	vadd.f32 v5, v7  }
0x310: {  	v33 =	vor.u32 $0xE, v4;
	v4 =	vor.u32 $0xF, v4;
	v28 =	vld.idx.msk [tilespmem:v28+s29+$0x0], $0xffff  }
0x311: {  	v30 =	vld.idx.msk [tilespmem:v30+s29+$0x0], $0xffff;
	v2 =	vadd.f32 v2, v5;
	v5 =	vadd.f32 v6, v9  }
0x312: {  	v51 =	vld.idx.msk [tilespmem:v32+s29+$0x0], $0xffff  }
0x313: {  	v32 =	vld [tilespmem:s19+$0x0];
	v2 =	vadd.f32 v8, v2;
	v5 =	vadd.f32 v10, v5  }
0x314: {  	v3 =	vld.idx.msk [tilespmem:v3+s29+$0x0], $0xffff  }
0x315: {  	v4 =	vld.idx.msk [tilespmem:v4+s29+$0x0], $0xffff;
	v2 =	vadd.f32 v11, v2;
	v5 =	vadd.f32 v12, v5  }
0x316: {  	s26 =	simm.s32 $0x20;
	v7 =	vld.idx.msk [tilespmem:v31+s29+$0x0], $0xffff  }
0x317: {  	v6 =	vld.idx.msk [tilespmem:v33+s29+$0x0], $0xffff;
	v8 =	vmov s26;
	v2 =	vadd.f32 v13, v2;
	v5 =	vadd.f32 v14, v5  }
0x318: {  	v9 =	vld [tilespmem:s23+$0x0];
	v8 =	vshll.u32 v8, $0x7  }
0x319: {  	s28 =	simm.s32 $0x30;
	v33 =	vld [tilespmem:s20+$0x0];
	v8 =	vor.u32 v0, v8;
	v2 =	vadd.f32 v15, v2;
	v5 =	vadd.f32 v16, v5  }
0x31a: {  	v10 =	vld [tilespmem:s19+$0xFFFFFFF0];
	v11 =	vmov s28;
	v52 =	vor.u32 $0x1, v8  }
0x31b: {  	v12 =	vld [tilespmem:s20+$0xFFFFFFF0];
	v34 =	vor.u32 $0x2, v8;
	v2 =	vadd.f32 v17, v2;
	v5 =	vadd.f32 v18, v5  }
0x31c: {  	v11 =	vshll.u32 v11, $0x7;
	v55 =	vor.u32 $0x3, v8;
	v13 =	vld [tilespmem:s18+$0xFFFFFFF0]  }
0x31d: {  	v11 =	vor.u32 v0, v11;
	v16 =	vld [tilespmem:s23+$0xFFFFFFF0];
	v2 =	vadd.f32 v19, v2;
	v5 =	vadd.f32 v20, v5  }
0x31e: {  	v53 =	vor.u32 $0x1, v11;
	v54 =	vld.idx.msk [tilespmem:v8+s29+$0x0], $0xffff  }
0x31f: {  	v59 =	vor.u32 $0x5, v8;
	v14 =	vld.idx.msk [tilespmem:v52+s29+$0x0], $0xffff;
	v2 =	vadd.f32 v21, v2;
	v5 =	vadd.f32 v22, v5  }
0x320: {  	v37 =	vor.u32 $0x2, v11;
	v58 =	vld.idx.msk [tilespmem:v34+s29+$0x0], $0xffff  }
0x321: {  	v56 =	vor.u32 $0x4, v8;
	v18 =	vld.idx.msk [tilespmem:v55+s29+$0x0], $0xffff;
	v2 =	vadd.f32 v23, v2;
	v5 =	vadd.f32 v24, v5  }
0x322: {  	v57 =	vor.u32 $0x3, v11;
	v36 =	vld.idx.msk [tilespmem:v11+s29+$0x0], $0xffff  }
0x323: {  	v61 =	vor.u32 $0x6, v8;
	v15 =	vld.idx.msk [tilespmem:v53+s29+$0x0], $0xffff;
	v2 =	vadd.f32 v25, v2;
	v5 =	vadd.f32 v26, v5  }
0x324: {  	v60 =	vor.u32 $0x4, v11;
	v40 =	vld.idx.msk [tilespmem:v59+s29+$0x0], $0xffff  }
0x325: {  	v39 =	vor.u32 $0x7, v8;
	v62 =	vld.idx.msk [tilespmem:v37+s29+$0x0], $0xffff;
	v2 =	vadd.f32 v27, v2;
	v5 =	vadd.f32 v28, v5  }
0x326: {  	v63 =	vor.u32 $0x5, v11;
	v19 =	vld.idx.msk [tilespmem:v56+s29+$0x0], $0xffff;
	v14 =	vadd.f32 v14, v54  }
0x327: {  	v42 =	vor.u32 $0x8, v8;
	v20 =	vld.idx.msk [tilespmem:v57+s29+$0x0], $0xffff;
	v2 =	vadd.f32 v29, v2;
	v5 =	vadd.f32 v30, v5  }
0x328: {  	v41 =	vor.u32 $0x6, v11;
	v44 =	vld.idx.msk [tilespmem:v61+s29+$0x0], $0xffff;
	v15 =	vadd.f32 v15, v36;
	v14 =	vadd.f32 v58, v14  }
0x329: {  	v46 =	vor.u32 $0x9, v8;
	v43 =	vld.idx.msk [tilespmem:v60+s29+$0x0], $0xffff;
	v2 =	vadd.f32 v7, v2;
	v5 =	vadd.f32 v51, v5  }
0x32a: {  	v45 =	vor.u32 $0x7, v11;
	v48 =	vld.idx.msk [tilespmem:v39+s29+$0x0], $0xffff;
	v14 =	vadd.f32 v18, v14;
	v15 =	vadd.f32 v62, v15  }
0x32b: {  	v47 =	vld.idx.msk [tilespmem:v63+s29+$0x0], $0xffff;
	v53 =	vor.u32 $0xA, v11;
	v2 =	vadd.f32 v3, v2;
	v3 =	vadd.f32 v6, v5  }
0x32c: {  	v49 =	vor.u32 $0x8, v11;
	v50 =	vld.idx.msk [tilespmem:v42+s29+$0x0], $0xffff;
	v14 =	vadd.f32 v19, v14;
	v15 =	vadd.f32 v20, v15  }
0x32d: {  	v22 =	vld.idx.msk [tilespmem:v41+s29+$0x0], $0xffff;
	v7 =	vor.u32 $0xA, v8;
	v2 =	vadd.f32 v10, v2;
	v3 =	vadd.f32 v4, v3  }
0x32e: {  	v52 =	vld.idx.msk [tilespmem:v46+s29+$0x0], $0xffff;
	v14 =	vadd.f32 v40, v14;
	v15 =	vadd.f32 v43, v15;
	v51 =	vor.u32 $0x9, v11  }
0x32f: {  	v5 =	vor.u32 $0xB, v8;
	v6 =	vld.idx.msk [tilespmem:v45+s29+$0x0], $0xffff;
	v2 =	vadd.f32 v12, v2;
	v3 =	vadd.f32 v32, v3  }
0x330: {  	v58 =	vld.idx.msk [tilespmem:v53+s29+$0x0], $0xffff;
	v14 =	vadd.f32 v44, v14;
	v15 =	vadd.f32 v47, v15;
	v4 =	vor.u32 $0xC, v8  }
0x331: {  	v54 =	vor.u32 $0xB, v11;
	v10 =	vld.idx.msk [tilespmem:v49+s29+$0x0], $0xffff;
	v2 =	vsub.f32 v2, v13;
	v3 =	vadd.f32 v33, v3  }
0x332: {  	v55 =	vor.u32 $0xD, v8;
	v14 =	vadd.f32 v48, v14;
	v15 =	vadd.f32 v22, v15;
	v7 =	vld.idx.msk [tilespmem:v7+s29+$0x0], $0xffff  }
0x333: {  	v57 =	vor.u32 $0xE, v8;
	v20 =	vld.idx.msk [tilespmem:v51+s29+$0x0], $0xffff;
	v3 =	vsub.f32 v3, v35;
	v16 =	vmul.f32 v2, v16  }
0x334: {  	v56 =	vor.u32 $0xC, v11;
	v14 =	vadd.f32 v50, v14;
	v5 =	vld.idx.msk [tilespmem:v5+s29+$0x0], $0xffff;
	v6 =	vadd.f32 v6, v15  }
0x335: {  	v59 =	vld.idx.msk [tilespmem:v4+s29+$0x0], $0xffff;
	v4 =	vor.u32 $0xD, v11;
	v2 =	vmul.f32 v16, v2;
	v61 =	vmul.f32 v3, v9  }
0x336: {  	v60 =	vor.u32 $0xF, v8;
	v21 =	vld.idx.msk [tilespmem:v54+s29+$0x0], $0xffff;
	v14 =	vadd.f32 v52, v14;
	v6 =	vadd.f32 v10, v6  }
0x337: {  	v8 =	vld.idx.msk [tilespmem:v55+s29+$0x0], $0xffff;
	v10 =	vor.u32 $0xE, v11;
	v1 =	vadd.f32 v2, v1;
	v2 =	vmul.f32 v61, v3  }
0x338: {  	v14 =	vadd.f32 v7, v14;
	v62 =	vadd.f32 v20, v6;
	v6 =	vld.idx.msk [tilespmem:v57+s29+$0x0], $0xffff  }
0x339: {  	v9 =	vld.idx.msk [tilespmem:v56+s29+$0x0], $0xffff;
	v1 =	vadd.f32 v2, v1;
	v2 =	vor.u32 $0xF, v11  }
0x33a: {  	v63 =	vadd.f32 v58, v62;
	v7 =	vld.idx.msk [tilespmem:v4+s29+$0x0], $0xffff;
	v3 =	vadd.f32 v5, v14  }
0x33b: {  	v5 =	vld.idx.msk [tilespmem:v60+s29+$0x0], $0xffff  }
0x33c: {  	s21 =	simm.s32 $0x730;
	v4 =	vld.idx.msk [tilespmem:v10+s29+$0x0], $0xffff;
	v10 =	vadd.f32 v21, v63;
	v11 =	vadd.f32 v59, v3  }
0x33d: {  	s24 =	simm.s32 $0x40;
	s23 =	simm.s32 $0x2;
	v3 =	vld [tilespmem:s21+$0x0]  }
.LBB2_12:
0x33e: {  	s25 =	sadd.s32 $0x10, s24;
	v8 =	vadd.f32 v8, v11;
	v9 =	vadd.f32 v9, v10;
	v2 =	vld.idx.msk [tilespmem:v2+s29+$0x0], $0xffff;
	s19 =	sadd.s32 $0x20, s19  }
0x33f: {  	v10 =	vmov s24;
	s20 =	sadd.s32 $0x20, s20;
	v11 =	vmov s25;
	v12 =	vld [tilespmem:s19+$0xFFFFFFF0]  }
0x340: {  	s23 =	sadd.s32 $0x2, s23;
	v10 =	vshll.u32 v10, $0x7;
	v6 =	vadd.f32 v6, v8;
	v8 =	vld [tilespmem:s20+$0xFFFFFFF0];
	v7 =	vadd.f32 v7, v9  }
0x341: {  	s18 =	sadd.s32 $0x20, s18;
	p0 =	slt.u32 s23, $0x6;
	v9 =	vor.u32 v0, v10;
	v10 =	vshll.u32 v11, $0x7;
	v11 =	vld [tilespmem:s19+$0x0]  }
0x342: {  	v10 =	vor.u32 v0, v10;
	v5 =	vadd.f32 v5, v6;
	v6 =	vld [tilespmem:s18+$0xFFFFFFF0];
	v4 =	vadd.f32 v4, v7  }
0x343: {  	v7 =	vor.u32 $0x1, v9;
	v13 =	vld [tilespmem:s20+$0x0]  }
0x344: {  	v14 =	vor.u32 $0x1, v10;
	v15 =	vld [tilespmem:s21+$0xFFFFFFF0];
	v5 =	vadd.f32 v12, v5;
	v2 =	vadd.f32 v2, v4  }
0x345: {  	v4 =	vor.u32 $0x2, v9;
	v12 =	vld [tilespmem:s18+$0x0]  }
0x346: {  	v17 =	vor.u32 $0x3, v9;
	v16 =	vld.idx.msk [tilespmem:v9+s29+$0x0], $0xffff;
	v5 =	vadd.f32 v8, v5;
	v2 =	vadd.f32 v11, v2  }
0x347: {  	v11 =	vor.u32 $0x2, v10;
	v8 =	vld.idx.msk [tilespmem:v10+s29+$0x0], $0xffff  }
0x348: {  	v18 =	vor.u32 $0x4, v9;
	v7 =	vld.idx.msk [tilespmem:v7+s29+$0x0], $0xffff;
	v5 =	vsub.f32 v5, v6;
	v2 =	vadd.f32 v13, v2  }
0x349: {  	v13 =	vor.u32 $0x3, v10;
	v6 =	vld.idx.msk [tilespmem:v14+s29+$0x0], $0xffff  }
0x34a: {  	v14 =	vor.u32 $0x5, v9;
	v4 =	vld.idx.msk [tilespmem:v4+s29+$0x0], $0xffff;
	v15 =	vmul.f32 v5, v15;
	v2 =	vsub.f32 v2, v12  }
0x34b: {  	v12 =	vld.idx.msk [tilespmem:v17+s29+$0x0], $0xffff;
	v17 =	vor.u32 $0x4, v10  }
0x34c: {  	v19 =	vor.u32 $0x6, v9;
	v11 =	vld.idx.msk [tilespmem:v11+s29+$0x0], $0xffff;
	v5 =	vmul.f32 v15, v5;
	v3 =	vmul.f32 v2, v3  }
0x34d: {  	v20 =	vor.u32 $0x5, v10;
	v15 =	vld.idx.msk [tilespmem:v18+s29+$0x0], $0xffff;
	v18 =	vor.u32 $0x7, v9  }
0x34e: {  	v7 =	vadd.f32 v7, v16;
	v13 =	vld.idx.msk [tilespmem:v13+s29+$0x0], $0xffff;
	v1 =	vadd.f32 v5, v1;
	v2 =	vmul.f32 v3, v2  }
0x34f: {  	v5 =	vadd.f32 v6, v8;
	v6 =	vor.u32 $0x6, v10;
	v3 =	vld.idx.msk [tilespmem:v14+s29+$0x0], $0xffff  }
0x350: {  	v4 =	vadd.f32 v4, v7;
	v7 =	vor.u32 $0x8, v9;
	v8 =	vld.idx.msk [tilespmem:v17+s29+$0x0], $0xffff;
	v1 =	vadd.f32 v2, v1  }
0x351: {  	v14 =	vor.u32 $0x7, v10;
	v2 =	vld.idx.msk [tilespmem:v19+s29+$0x0], $0xffff  }
0x352: {  	v4 =	vadd.f32 v12, v4;
	v12 =	vor.u32 $0x9, v9;
	v5 =	vadd.f32 v11, v5;
	v11 =	vld.idx.msk [tilespmem:v20+s29+$0x0], $0xffff  }
0x353: {  	v17 =	vor.u32 $0x8, v10;
	v16 =	vld.idx.msk [tilespmem:v18+s29+$0x0], $0xffff  }
0x354: {  	v4 =	vadd.f32 v15, v4;
	v15 =	vor.u32 $0xA, v9;
	v5 =	vadd.f32 v13, v5;
	v6 =	vld.idx.msk [tilespmem:v6+s29+$0x0], $0xffff  }
0x355: {  	v13 =	vor.u32 $0x9, v10;
	v7 =	vld.idx.msk [tilespmem:v7+s29+$0x0], $0xffff  }
0x356: {  	v3 =	vadd.f32 v3, v4;
	v4 =	vor.u32 $0xB, v9;
	v5 =	vadd.f32 v8, v5;
	v8 =	vld.idx.msk [tilespmem:v14+s29+$0x0], $0xffff  }
0x357: {  	v14 =	vor.u32 $0xA, v10;
	v12 =	vld.idx.msk [tilespmem:v12+s29+$0x0], $0xffff  }
0x358: {  	v2 =	vadd.f32 v2, v3;
	v3 =	vor.u32 $0xC, v9;
	v5 =	vadd.f32 v11, v5;
	v11 =	vld.idx.msk [tilespmem:v17+s29+$0x0], $0xffff  }
0x359: {  	v17 =	vor.u32 $0xB, v10;
	v15 =	vld.idx.msk [tilespmem:v15+s29+$0x0], $0xffff  }
0x35a: {  	v2 =	vadd.f32 v16, v2;
	v16 =	vor.u32 $0xD, v9;
	v5 =	vadd.f32 v6, v5;
	v6 =	vld.idx.msk [tilespmem:v13+s29+$0x0], $0xffff  }
0x35b: {  	v13 =	vor.u32 $0xC, v10;
	v4 =	vld.idx.msk [tilespmem:v4+s29+$0x0], $0xffff  }
0x35c: {  	v2 =	vadd.f32 v7, v2;
	v7 =	vor.u32 $0xE, v9;
	v5 =	vadd.f32 v8, v5;
	v14 =	vld.idx.msk [tilespmem:v14+s29+$0x0], $0xffff  }
0x35d: {  	v18 =	vor.u32 $0xD, v10;
	v3 =	vld.idx.msk [tilespmem:v3+s29+$0x0], $0xffff  }
0x35e: {  	v2 =	vadd.f32 v12, v2;
	v12 =	vor.u32 $0xF, v9;
	v5 =	vadd.f32 v11, v5;
	v17 =	vld.idx.msk [tilespmem:v17+s29+$0x0], $0xffff  }
0x35f: {  	v8 =	vld.idx.msk [tilespmem:v16+s29+$0x0], $0xffff;
	v16 =	vor.u32 $0xE, v10  }
0x360: {  	v11 =	vadd.f32 v15, v2;
	v5 =	vadd.f32 v6, v5;
	v9 =	vld.idx.msk [tilespmem:v13+s29+$0x0], $0xffff  }
.Ltmp5:
0x361: {  	v2 =	vor.u32 $0xF, v10;
	v6 =	vld.idx.msk [tilespmem:v7+s29+$0x0], $0xffff;
	(pc) =	sbr.rel @p0 .LBB2_12-.Ltmp5, $4  }
0x362: {  	v4 =	vadd.f32 v4, v11;
	v10 =	vadd.f32 v14, v5;
	v7 =	vld.idx.msk [tilespmem:v18+s29+$0x0], $0xffff  }
0x363: {  	v5 =	vld.idx.msk [tilespmem:v12+s29+$0x0], $0xffff  }
0x364: {  	s21 =	sadd.s32 $0x20, s21;
	v11 =	vadd.f32 v3, v4;
	v10 =	vadd.f32 v17, v10;
	v4 =	vld.idx.msk [tilespmem:v16+s29+$0x0], $0xffff  }
0x365: {  	s24 =	sadd.s32 $0x20, s24;
	v3 =	vld [tilespmem:s21+$0x0]  }
0x366: {  	_ =	sdelay $0x3  }
0x367: {  	v12 =	vld.idx.msk [tilespmem:v2+s29+$0x0], $0xffff  }
0x368: {  	s19 =	sadd.s32 $0x20, s19;
	v18 =	vld [tilespmem:s21+$0xFFFFFFF0]  }
0x369: {  	s20 =	sadd.s32 $0x20, s20;
	v13 =	vld [tilespmem:s19+$0xFFFFFFF0]  }
0x36a: {  	v14 =	vld [tilespmem:s20+$0xFFFFFFF0]  }
0x36b: {  	s18 =	sadd.s32 $0x20, s18;
	v15 =	vld [tilespmem:s19+$0x0]  }
0x36c: {  	v16 =	vld [tilespmem:s18+$0xFFFFFFF0]  }
0x36d: {  	v17 =	vld [tilespmem:s20+$0x0]  }
0x36e: {  	v19 =	vld [tilespmem:s18+$0x0];
	_ =	swait.ge [sflag:s30], $0x4000  }
0x36f: {  	[sflag:s30] =	ssyncset.done $0x0  }
0x370: {  	[sflag:s30] =	ssyncadd.s32 $0xFFFFC000  }
0x371: {  	_ =	swait.ge [sflag:s30], $0x4000  }
0x372: {  	[sflag:s30] =	ssyncset.done $0x0  }
0x373: {  	[sflag:s30] =	ssyncadd.s32 $0xFFFFC000  }
0x374: {  	_ =	swait.ge [sflag:s30], $0x80  }
0x375: {  	[sflag:s30] =	ssyncset.done $0x0  }
0x376: {  	[sflag:s30] =	ssyncadd.s32 $0xFFFFFF80  }
0x377: {  	_ =	swait.ge [sflag:s30], $0x80  }
0x378: {  	[sflag:s30] =	ssyncset.done $0x0  }
0x379: {  	s28 =	simm.s32 $0x8A00;
	[sflag:s30] =	ssyncadd.s32 $0xFFFFFF80  }
0x37a: {  	s21 =	simm.s32 $0xCA00;
	v20 =	vld [tilespmem:s28+$0x80]  }
0x37b: {  	v21 =	vld [tilespmem:s21+$0x80]  }
0x37c: {  	v22 =	vld [tilespmem:s28+$0x90]  }
0x37d: {  	v23 =	vld [tilespmem:s21+$0x90]  }
0x37e: {  	v24 =	vld [tilespmem:s28+$0xA0]  }
0x37f: {  	v25 =	vld [tilespmem:s21+$0xA0]  }
0x380: {  	v26 =	vld [tilespmem:s28+$0xB0]  }
0x381: {  	v27 =	vld [tilespmem:s21+$0xB0]  }
0x382: {  	v28 =	vld [tilespmem:s28+$0xC0]  }
0x383: {  	v29 =	vld [tilespmem:s21+$0xC0]  }
0x384: {  	v30 =	vld [tilespmem:s28+$0xD0]  }
0x385: {  	v31 =	vld [tilespmem:s21+$0xD0]  }
0x386: {  	v32 =	vld [tilespmem:s28+$0xE0]  }
0x387: {  	v33 =	vld [tilespmem:s21+$0xE0]  }
0x388: {  	v34 =	vld [tilespmem:s28+$0xF0]  }
0x389: {  	v35 =	vld [tilespmem:s21+$0xF0]  }
0x38a: {  	v2 =	vld [tilespmem:s21+$0xFFFFFF00]  }
0x38b: {  	v36 =	vld [tilespmem:s28+$0xFFFFFF10]  }
0x38c: {  	v37 =	vld [tilespmem:s21+$0xFFFFFF10]  }
0x38d: {  	v38 =	vld [tilespmem:s28+$0xFFFFFF20]  }
0x38e: {  	v39 =	vld [tilespmem:s21+$0xFFFFFF20]  }
0x38f: {  	v40 =	vld [tilespmem:s28+$0xFFFFFF30]  }
0x390: {  	v41 =	vld [tilespmem:s21+$0xFFFFFF30]  }
0x391: {  	v42 =	vld [tilespmem:s28+$0xFFFFFF40]  }
0x392: {  	v43 =	vld [tilespmem:s21+$0xFFFFFF40]  }
0x393: {  	v44 =	vld [tilespmem:s28+$0xFFFFFF50]  }
0x394: {  	v45 =	vld [tilespmem:s21+$0xFFFFFF50]  }
0x395: {  	v46 =	vld [tilespmem:s28+$0xFFFFFF60]  }
0x396: {  	v9 =	vadd.f32 v9, v10;
	v47 =	vld [tilespmem:s21+$0xFFFFFF60]  }
0x397: {  	v8 =	vadd.f32 v8, v11;
	v48 =	vld [tilespmem:s28+$0xFFFFFF70]  }
0x398: {  	v7 =	vadd.f32 v7, v9;
	v11 =	vld [tilespmem:s21+$0xFFFFFF70]  }
0x399: {  	v6 =	vadd.f32 v6, v8;
	v49 =	vld [tilespmem:s28+$0xFFFFFF80]  }
0x39a: {  	v4 =	vadd.f32 v4, v7;
	v8 =	vld [tilespmem:s21+$0xFFFFFF80]  }
0x39b: {  	v5 =	vadd.f32 v5, v6;
	v10 =	vld [tilespmem:s28+$0xFFFFFF90]  }
0x39c: {  	v4 =	vadd.f32 v12, v4;
	v6 =	vld [tilespmem:s21+$0xFFFFFF90]  }
0x39d: {  	v5 =	vadd.f32 v13, v5;
	v9 =	vld [tilespmem:s28+$0xFFFFFFA0]  }
0x39e: {  	v4 =	vadd.f32 v15, v4;
	v13 =	vld [tilespmem:s21+$0xFFFFFFA0]  }
0x39f: {  	v5 =	vadd.f32 v14, v5;
	v7 =	vld [tilespmem:s28+$0xFFFFFFB0]  }
0x3a0: {  	v4 =	vadd.f32 v17, v4;
	v14 =	vld [tilespmem:s21+$0xFFFFFFB0]  }
0x3a1: {  	v5 =	vsub.f32 v5, v16;
	v12 =	vld [tilespmem:s28+$0xFFFFFFC0]  }
0x3a2: {  	v4 =	vsub.f32 v4, v19;
	v16 =	vld [tilespmem:s21+$0xFFFFFFC0]  }
0x3a3: {  	v18 =	vmul.f32 v5, v18;
	v15 =	vld [tilespmem:s28+$0xFFFFFFD0]  }
0x3a4: {  	v50 =	vld [tilespmem:s21+$0xFFFFFFD0];
	v3 =	vmul.f32 v4, v3  }
0x3a5: {  	v17 =	vld [tilespmem:s28+$0xFFFFFFE0];
	v5 =	vmul.f32 v18, v5  }
0x3a6: {  	v58 =	vld [tilespmem:s28+$0xFFFFFFF0];
	v3 =	vmul.f32 v3, v4;
	v55 =	vmul.f32 v21, v20  }
0x3a7: {  	v61 =	vld [tilespmem:s21+$0xFFFFFFF0];
	v56 =	vmul.f32 v23, v22;
	v57 =	vmul.f32 v25, v24  }
0x3a8: {  	v63 =	vld [tilespmem:s28+$0x0];
	v59 =	vmul.f32 v27, v26;
	v60 =	vmul.f32 v29, v28  }
0x3a9: {  	v51 =	vld [tilespmem:s21+$0x0];
	v1 =	vadd.f32 v5, v1;
	v62 =	vmul.f32 v31, v30;
	v5 =	vmul.f32 v33, v32  }
0x3aa: {  	v53 =	vld [tilespmem:s28+$0x10];
	v35 =	vmul.f32 v35, v34;
	v8 =	vmul.f32 v8, v49  }
0x3ab: {  	v20 =	vld [tilespmem:s21+$0xFFFFFFE0];
	v6 =	vmul.f32 v6, v10;
	v9 =	vmul.f32 v13, v9;
	v1 =	vadd.f32 v3, v1  }
0x3ac: {  	v10 =	vld [tilespmem:s28+$0x20];
	v7 =	vmul.f32 v14, v7;
	v4 =	vadd.f32 v56, v55;
	v52 =	vadd.f32 v59, v57  }
0x3ad: {  	v13 =	vld [tilespmem:s21+$0x20];
	v3 =	vmul.f32 v16, v12;
	v54 =	vadd.f32 v62, v60;
	v5 =	vadd.f32 v35, v5  }
0x3ae: {  	v12 =	vmul.f32 v50, v15;
	v14 =	vld [tilespmem:s28+$0x30];
	v15 =	vmul.f32 v61, v58  }
0x3af: {  	v58 =	vmul.f32 v43, v42;
	v57 =	vld [tilespmem:s21+$0x30];
	v4 =	vadd.f32 v52, v4;
	v5 =	vadd.f32 v5, v54  }
0x3b0: {  	v11 =	vmul.f32 v11, v48;
	v55 =	vmul.f32 v39, v38;
	v56 =	vld [tilespmem:s21+$0x10]  }
0x3b1: {  	v61 =	vld [tilespmem:s21+$0x50];
	v6 =	vadd.f32 v6, v8;
	v4 =	vadd.f32 v5, v4;
	v5 =	vmul.f32 v20, v17  }
0x3b2: {  	v7 =	vadd.f32 v7, v9;
	v59 =	vld [tilespmem:s28+$0x40];
	v8 =	vmul.f32 v45, v44;
	v3 =	vadd.f32 v12, v3  }
0x3b3: {  	v12 =	vld [tilespmem:s21+$0x40];
	v9 =	vmul.f32 v47, v46;
	v60 =	vmul.f32 v51, v63;
	v5 =	vadd.f32 v15, v5  }
0x3b4: {  	v6 =	vadd.f32 v7, v6;
	v10 =	vmul.f32 v13, v10;
	v13 =	vmul.f32 v57, v14;
	v15 =	vld [tilespmem:s28+$0x50]  }
0x3b5: {  	v7 =	vld [tilespmem:s28+$0x60];
	v11 =	vadd.f32 v11, v9;
	v3 =	vadd.f32 v5, v3;
	v5 =	vmul.f32 v56, v53  }
0x3b6: {  	v17 =	vadd.f32 v8, v58;
	v8 =	vld [tilespmem:s21+$0x60];
	v14 =	vmul.f32 v41, v40;
	v63 =	vadd.f32 v13, v10  }
0x3b7: {  	s24 =	simm.s32 $0x10B00;
	v9 =	vld [tilespmem:s28+$0x70];
	v6 =	vadd.f32 v3, v6;
	v62 =	vadd.f32 v5, v60  }
0x3b8: {  	s25 =	simm.s32 $0x0;
	[tilespmem:s24+$0x80] =	vst v4;
	v4 =	vadd.f32 v14, v55;
	v10 =	vld [tilespmem:s21+$0x70];
	v3 =	vmul.f32 v37, v36;
	v5 =	vadd.f32 v11, v17  }
0x3b9: {  	s23 =	simm.s32 $0x790;
	s26 =	simm.s32 $0x8C00;
	s18 =	simm.s32 $0x590;
	v11 =	vmul.f32 v12, v59;
	v12 =	vld [tilespmem:s28+$0xFFFFFF00];
	v13 =	vmul.f32 v61, v15;
	[tilespmem:s24+$0xFFFFFF80] =	vst v6;
	v6 =	vadd.f32 v63, v62  }
.LBB2_14:
0x3ba: {  	v14 =	vld [tilespmem:s26+$0x80];
	s21 =	sadd.s32 $0x200, s21  }
0x3bb: {  	v15 =	vld [tilespmem:s21+$0x80];
	v7 =	vmul.f32 v8, v7;
	v8 =	vadd.f32 v13, v11  }
0x3bc: {  	v11 =	vld [tilespmem:s26+$0x90]  }
0x3bd: {  	v13 =	vld [tilespmem:s21+$0x90];
	v9 =	vmul.f32 v10, v9  }
0x3be: {  	v10 =	vld [tilespmem:s26+$0xA0];
	v2 =	vmul.f32 v2, v12  }
0x3bf: {  	v12 =	vld [tilespmem:s21+$0xA0];
	v7 =	vadd.f32 v9, v7  }
0x3c0: {  	v9 =	vld [tilespmem:s26+$0xB0];
	v2 =	vadd.f32 v3, v2  }
0x3c1: {  	v3 =	vld [tilespmem:s21+$0xB0];
	v7 =	vadd.f32 v7, v8  }
0x3c2: {  	v8 =	vld [tilespmem:s26+$0xC0];
	v2 =	vadd.f32 v4, v2  }
0x3c3: {  	v4 =	vld [tilespmem:s21+$0xC0];
	v6 =	vadd.f32 v7, v6  }
0x3c4: {  	v7 =	vld [tilespmem:s26+$0xD0];
	v2 =	vadd.f32 v5, v2  }
0x3c5: {  	v5 =	vld [tilespmem:s21+$0xD0];
	[tilespmem:s24+$0x0] =	vst v6  }
0x3c6: {  	v6 =	vld [tilespmem:s26+$0xE0];
	[tilespmem:s24+$0xFFFFFF00] =	vst v2  }
0x3c7: {  	v16 =	vld [tilespmem:s21+$0xE0]  }
0x3c8: {  	v17 =	vld [tilespmem:s26+$0xF0]  }
0x3c9: {  	s25 =	sadd.s32 $0x4, s25;
	v18 =	vld [tilespmem:s21+$0xF0]  }
0x3ca: {  	p0 =	slt.u32 s25, $0x7C;
	v2 =	vld [tilespmem:s21+$0xFFFFFF00]  }
0x3cb: {  	v14 =	vmul.f32 v15, v14;
	v11 =	vmul.f32 v13, v11;
	v19 =	vld [tilespmem:s26+$0xFFFFFF10]  }
0x3cc: {  	v10 =	vmul.f32 v12, v10;
	v3 =	vmul.f32 v3, v9;
	v13 =	vld [tilespmem:s21+$0xFFFFFF10]  }
0x3cd: {  	v4 =	vmul.f32 v4, v8;
	v5 =	vmul.f32 v5, v7;
	v9 =	vld [tilespmem:s26+$0xFFFFFF20]  }
0x3ce: {  	v6 =	vmul.f32 v16, v6;
	v7 =	vld [tilespmem:s21+$0xFFFFFF20];
	v8 =	vmul.f32 v18, v17  }
0x3cf: {  	v11 =	vadd.f32 v11, v14;
	v10 =	vadd.f32 v3, v10;
	v12 =	vld [tilespmem:s26+$0xFFFFFF30]  }
0x3d0: {  	v4 =	vadd.f32 v5, v4;
	v14 =	vld [tilespmem:s21+$0xFFFFFF30];
	v5 =	vadd.f32 v8, v6  }
0x3d1: {  	v3 =	vmul.f32 v13, v19;
	v6 =	vld [tilespmem:s26+$0xFFFFFF40]  }
0x3d2: {  	v10 =	vadd.f32 v10, v11;
	v8 =	vld [tilespmem:s21+$0xFFFFFF40];
	v4 =	vadd.f32 v5, v4  }
0x3d3: {  	v5 =	vmul.f32 v7, v9;
	v7 =	vld [tilespmem:s26+$0xFFFFFF50]  }
0x3d4: {  	v9 =	vld [tilespmem:s21+$0xFFFFFF50];
	v4 =	vadd.f32 v4, v10  }
0x3d5: {  	s19 =	simm.s32 $0x10910;
	s24 =	sadd.s32 $0x200, s24;
	v10 =	vmul.f32 v14, v12;
	v11 =	vld [tilespmem:s26+$0xFFFFFF60]  }
0x3d6: {  	s28 =	simm.s32 $0x0;
	s20 =	simm.s32 $0x10990;
	v12 =	vld [tilespmem:s21+$0xFFFFFF60];
	[tilespmem:s24+$0x80] =	vst v4  }
0x3d7: {  	v6 =	vmul.f32 v8, v6;
	v8 =	vld [tilespmem:s26+$0xFFFFFF70];
	v4 =	vadd.f32 v10, v5  }
0x3d8: {  	v5 =	vld [tilespmem:s21+$0xFFFFFF70]  }
0x3d9: {  	v7 =	vmul.f32 v9, v7;
	v9 =	vld [tilespmem:s26+$0xFFFFFF80]  }
0x3da: {  	v10 =	vld [tilespmem:s21+$0xFFFFFF80]  }
0x3db: {  	v11 =	vmul.f32 v12, v11;
	v6 =	vadd.f32 v7, v6;
	v7 =	vld [tilespmem:s26+$0xFFFFFF90]  }
0x3dc: {  	v12 =	vld [tilespmem:s21+$0xFFFFFF90]  }
0x3dd: {  	v5 =	vmul.f32 v5, v8;
	v8 =	vld [tilespmem:s26+$0xFFFFFFA0]  }
0x3de: {  	v13 =	vld [tilespmem:s21+$0xFFFFFFA0]  }
0x3df: {  	v5 =	vadd.f32 v5, v11;
	v9 =	vmul.f32 v10, v9;
	v10 =	vld [tilespmem:s26+$0xFFFFFFB0]  }
0x3e0: {  	v11 =	vld [tilespmem:s21+$0xFFFFFFB0]  }
0x3e1: {  	v5 =	vadd.f32 v5, v6;
	v6 =	vmul.f32 v12, v7;
	v7 =	vld [tilespmem:s26+$0xFFFFFFC0]  }
0x3e2: {  	v12 =	vld [tilespmem:s21+$0xFFFFFFC0]  }
0x3e3: {  	v8 =	vmul.f32 v13, v8;
	v13 =	vld [tilespmem:s26+$0xFFFFFFD0];
	v6 =	vadd.f32 v6, v9  }
0x3e4: {  	v9 =	vld [tilespmem:s21+$0xFFFFFFD0]  }
0x3e5: {  	v10 =	vmul.f32 v11, v10;
	v11 =	vld [tilespmem:s26+$0xFFFFFFE0]  }
0x3e6: {  	v14 =	vld [tilespmem:s21+$0xFFFFFFE0]  }
0x3e7: {  	v7 =	vmul.f32 v12, v7;
	v12 =	vld [tilespmem:s26+$0xFFFFFFF0];
	v8 =	vadd.f32 v10, v8  }
0x3e8: {  	v10 =	vld [tilespmem:s21+$0xFFFFFFF0]  }
0x3e9: {  	v9 =	vmul.f32 v9, v13;
	v6 =	vadd.f32 v8, v6;
	v8 =	vld [tilespmem:s26+$0x0]  }
0x3ea: {  	v13 =	vld [tilespmem:s21+$0x0]  }
0x3eb: {  	v11 =	vmul.f32 v14, v11;
	v7 =	vadd.f32 v9, v7;
	v9 =	vld [tilespmem:s26+$0x10]  }
0x3ec: {  	v14 =	vld [tilespmem:s21+$0x10]  }
0x3ed: {  	v10 =	vmul.f32 v10, v12;
	v12 =	vld [tilespmem:s26+$0x20]  }
0x3ee: {  	v15 =	vld [tilespmem:s21+$0x20]  }
0x3ef: {  	v10 =	vadd.f32 v10, v11;
	v8 =	vmul.f32 v13, v8;
	v11 =	vld [tilespmem:s26+$0x30]  }
0x3f0: {  	v13 =	vld [tilespmem:s21+$0x30]  }
0x3f1: {  	v7 =	vadd.f32 v10, v7;
	v9 =	vmul.f32 v14, v9;
	v10 =	vld [tilespmem:s26+$0x40]  }
0x3f2: {  	v14 =	vld [tilespmem:s21+$0x40]  }
0x3f3: {  	v6 =	vadd.f32 v7, v6;
	v12 =	vmul.f32 v15, v12;
	v15 =	vld [tilespmem:s26+$0x50];
	v16 =	vadd.f32 v9, v8  }
0x3f4: {  	v17 =	vld [tilespmem:s21+$0x50]  }
.Ltmp6:
0x3f5: {  	[tilespmem:s24+$0xFFFFFF80] =	vst v6;
	v6 =	vmul.f32 v13, v11;
	v7 =	vld [tilespmem:s26+$0x60];
	(pc) =	sbr.rel @p0 .LBB2_14-.Ltmp6, $4  }
0x3f6: {  	v8 =	vld [tilespmem:s21+$0x60]  }
0x3f7: {  	v11 =	vmul.f32 v14, v10;
	v9 =	vld [tilespmem:s26+$0x70];
	v6 =	vadd.f32 v6, v12  }
0x3f8: {  	v10 =	vld [tilespmem:s21+$0x70]  }
0x3f9: {  	v12 =	vld [tilespmem:s26+$0xFFFFFF00];
	v13 =	vmul.f32 v17, v15;
	v6 =	vadd.f32 v6, v16;
	s26 =	sadd.s32 $0x200, s26  }
0x3fa: {  	_ =	sdelay $0x2  }
0x3fb: {  	v7 =	vmul.f32 v8, v7;
	v8 =	vmul.f32 v10, v9  }
0x3fc: {  	v2 =	vmul.f32 v2, v12  }
0x3fd: {  	v9 =	vadd.f32 v13, v11;
	v7 =	vadd.f32 v8, v7  }
0x3fe: {  	v2 =	vadd.f32 v3, v2;
	v3 =	vmov s28  }
0x3ff: {  	s21 =	simm.s32 $0x10;
	v7 =	vadd.f32 v7, v9;
	v3 =	vshll.u32 v3, $0x7  }
0x400: {  	v8 =	vmov s21;
	v2 =	vadd.f32 v4, v2;
	v3 =	vor.u32 v0, v3  }
0x401: {  	v4 =	vshll.u32 v8, $0x7;
	v6 =	vadd.f32 v7, v6  }
0x402: {  	v4 =	vor.u32 v0, v4;
	v2 =	vadd.f32 v5, v2  }
0x403: {  	v8 =	vor.u32 $0x3, v3;
	[tilespmem:s24+$0x0] =	vst v6  }
0x404: {  	v11 =	vor.u32 $0x4, v3;
	[tilespmem:s24+$0xFFFFFF00] =	vst v2  }
0x405: {  	v50 =	vor.u32 $0x5, v3;
	v7 =	vld.idx.msk [tilespmem:v3+s29+$0x0], $0xffff  }
0x406: {  	v15 =	vor.u32 $0x6, v3;
	v35 =	vld [tilespmem:s18+$0x0]  }
0x407: {  	v17 =	vor.u32 $0x7, v3;
	v9 =	vld.idx.msk [tilespmem:v4+s29+$0x0], $0xffff  }
0x408: {  	v19 =	vor.u32 $0x8, v3;
	v8 =	vld.idx.msk [tilespmem:v8+s29+$0x0], $0xffff  }
0x409: {  	v21 =	vor.u32 $0x9, v3;
	v11 =	vld.idx.msk [tilespmem:v11+s29+$0x0], $0xffff  }
0x40a: {  	v23 =	vor.u32 $0xA, v3;
	v13 =	vld.idx.msk [tilespmem:v50+s29+$0x0], $0xffff  }
0x40b: {  	v25 =	vor.u32 $0xB, v3;
	v15 =	vld.idx.msk [tilespmem:v15+s29+$0x0], $0xffff  }
0x40c: {  	v27 =	vor.u32 $0xC, v3;
	v17 =	vld.idx.msk [tilespmem:v17+s29+$0x0], $0xffff  }
0x40d: {  	v29 =	vor.u32 $0xD, v3;
	v19 =	vld.idx.msk [tilespmem:v19+s29+$0x0], $0xffff  }
0x40e: {  	v5 =	vor.u32 $0x1, v3;
	v21 =	vld.idx.msk [tilespmem:v21+s29+$0x0], $0xffff  }
0x40f: {  	v10 =	vor.u32 $0x2, v4;
	v23 =	vld.idx.msk [tilespmem:v23+s29+$0x0], $0xffff  }
0x410: {  	v49 =	vor.u32 $0x3, v4;
	v25 =	vld.idx.msk [tilespmem:v25+s29+$0x0], $0xffff  }
0x411: {  	v14 =	vor.u32 $0x4, v4;
	v27 =	vld.idx.msk [tilespmem:v27+s29+$0x0], $0xffff  }
0x412: {  	v16 =	vor.u32 $0x5, v4;
	v29 =	vld.idx.msk [tilespmem:v29+s29+$0x0], $0xffff  }
0x413: {  	v18 =	vor.u32 $0x6, v4;
	v5 =	vld.idx.msk [tilespmem:v5+s29+$0x0], $0xffff  }
0x414: {  	v20 =	vor.u32 $0x7, v4;
	v10 =	vld.idx.msk [tilespmem:v10+s29+$0x0], $0xffff  }
0x415: {  	v22 =	vor.u32 $0x8, v4;
	v12 =	vld.idx.msk [tilespmem:v49+s29+$0x0], $0xffff  }
0x416: {  	v24 =	vor.u32 $0x9, v4;
	v14 =	vld.idx.msk [tilespmem:v14+s29+$0x0], $0xffff  }
0x417: {  	v6 =	vor.u32 $0x1, v4;
	v16 =	vld.idx.msk [tilespmem:v16+s29+$0x0], $0xffff  }
0x418: {  	v2 =	vor.u32 $0x2, v3;
	v18 =	vld.idx.msk [tilespmem:v18+s29+$0x0], $0xffff  }
0x419: {  	v26 =	vor.u32 $0xA, v4;
	v20 =	vld.idx.msk [tilespmem:v20+s29+$0x0], $0xffff  }
0x41a: {  	v28 =	vor.u32 $0xB, v4;
	v22 =	vld.idx.msk [tilespmem:v22+s29+$0x0], $0xffff  }
0x41b: {  	v30 =	vor.u32 $0xC, v4;
	v24 =	vld.idx.msk [tilespmem:v24+s29+$0x0], $0xffff  }
0x41c: {  	v32 =	vor.u32 $0xD, v4;
	v6 =	vld.idx.msk [tilespmem:v6+s29+$0x0], $0xffff  }
0x41d: {  	v2 =	vld.idx.msk [tilespmem:v2+s29+$0x0], $0xffff  }
0x41e: {  	v31 =	vor.u32 $0xE, v3;
	v3 =	vor.u32 $0xF, v3;
	v26 =	vld.idx.msk [tilespmem:v26+s29+$0x0], $0xffff  }
0x41f: {  	v33 =	vor.u32 $0xE, v4;
	v4 =	vor.u32 $0xF, v4;
	v28 =	vld.idx.msk [tilespmem:v28+s29+$0x0], $0xffff  }
0x420: {  	v30 =	vld.idx.msk [tilespmem:v30+s29+$0x0], $0xffff;
	v5 =	vadd.f32 v5, v7  }
0x421: {  	v51 =	vld.idx.msk [tilespmem:v32+s29+$0x0], $0xffff  }
0x422: {  	v32 =	vld [tilespmem:s19+$0x0];
	v2 =	vadd.f32 v2, v5;
	v5 =	vadd.f32 v6, v9  }
0x423: {  	v3 =	vld.idx.msk [tilespmem:v3+s29+$0x0], $0xffff  }
0x424: {  	s26 =	simm.s32 $0x20;
	v4 =	vld.idx.msk [tilespmem:v4+s29+$0x0], $0xffff;
	v2 =	vadd.f32 v8, v2;
	v5 =	vadd.f32 v10, v5  }
0x425: {  	v7 =	vld.idx.msk [tilespmem:v31+s29+$0x0], $0xffff;
	v9 =	vmov s26  }
0x426: {  	v6 =	vld.idx.msk [tilespmem:v33+s29+$0x0], $0xffff;
	v9 =	vshll.u32 v9, $0x7;
	v2 =	vadd.f32 v11, v2;
	v5 =	vadd.f32 v12, v5  }
0x427: {  	v33 =	vld [tilespmem:s20+$0x0];
	v9 =	vor.u32 v0, v9  }
0x428: {  	v8 =	vld [tilespmem:s23+$0x0];
	v2 =	vadd.f32 v13, v2;
	v5 =	vadd.f32 v14, v5  }
0x429: {  	s28 =	simm.s32 $0x30;
	v10 =	vld [tilespmem:s19+$0xFFFFFFF0];
	v52 =	vor.u32 $0x1, v9;
	v34 =	vor.u32 $0x2, v9  }
0x42a: {  	v11 =	vmov s28;
	v12 =	vld [tilespmem:s20+$0xFFFFFFF0];
	v2 =	vadd.f32 v15, v2;
	v5 =	vadd.f32 v16, v5  }
0x42b: {  	v59 =	vor.u32 $0x5, v9;
	v11 =	vshll.u32 v11, $0x7;
	v13 =	vld [tilespmem:s18+$0xFFFFFFF0]  }
0x42c: {  	v11 =	vor.u32 v0, v11;
	v54 =	vld.idx.msk [tilespmem:v9+s29+$0x0], $0xffff;
	v2 =	vadd.f32 v17, v2;
	v5 =	vadd.f32 v18, v5  }
0x42d: {  	v53 =	vor.u32 $0x1, v11;
	v16 =	vld [tilespmem:s23+$0xFFFFFFF0]  }
0x42e: {  	v55 =	vor.u32 $0x3, v9;
	v14 =	vld.idx.msk [tilespmem:v52+s29+$0x0], $0xffff;
	v2 =	vadd.f32 v19, v2;
	v5 =	vadd.f32 v20, v5  }
0x42f: {  	v37 =	vor.u32 $0x2, v11;
	v58 =	vld.idx.msk [tilespmem:v34+s29+$0x0], $0xffff  }
0x430: {  	v56 =	vor.u32 $0x4, v9;
	v39 =	vld.idx.msk [tilespmem:v59+s29+$0x0], $0xffff;
	v2 =	vadd.f32 v21, v2;
	v5 =	vadd.f32 v22, v5  }
0x431: {  	v57 =	vor.u32 $0x3, v11;
	v36 =	vld.idx.msk [tilespmem:v11+s29+$0x0], $0xffff  }
0x432: {  	v61 =	vor.u32 $0x6, v9;
	v15 =	vld.idx.msk [tilespmem:v53+s29+$0x0], $0xffff;
	v2 =	vadd.f32 v23, v2;
	v5 =	vadd.f32 v24, v5  }
0x433: {  	v60 =	vor.u32 $0x4, v11;
	v18 =	vld.idx.msk [tilespmem:v55+s29+$0x0], $0xffff  }
0x434: {  	v38 =	vor.u32 $0x7, v9;
	v62 =	vld.idx.msk [tilespmem:v37+s29+$0x0], $0xffff;
	v2 =	vadd.f32 v25, v2;
	v5 =	vadd.f32 v26, v5  }
0x435: {  	v41 =	vor.u32 $0x8, v9;
	v63 =	vor.u32 $0x5, v11;
	v19 =	vld.idx.msk [tilespmem:v56+s29+$0x0], $0xffff;
	v14 =	vadd.f32 v14, v54  }
0x436: {  	v45 =	vor.u32 $0x9, v9;
	v20 =	vld.idx.msk [tilespmem:v57+s29+$0x0], $0xffff;
	v2 =	vadd.f32 v27, v2;
	v5 =	vadd.f32 v28, v5  }
0x437: {  	v40 =	vor.u32 $0x6, v11;
	v43 =	vld.idx.msk [tilespmem:v61+s29+$0x0], $0xffff;
	v14 =	vadd.f32 v58, v14;
	v15 =	vadd.f32 v15, v36  }
0x438: {  	v50 =	vor.u32 $0x9, v11;
	v42 =	vld.idx.msk [tilespmem:v60+s29+$0x0], $0xffff;
	v2 =	vadd.f32 v29, v2;
	v5 =	vadd.f32 v30, v5  }
0x439: {  	v44 =	vor.u32 $0x7, v11;
	v47 =	vld.idx.msk [tilespmem:v38+s29+$0x0], $0xffff;
	v14 =	vadd.f32 v18, v14;
	v15 =	vadd.f32 v62, v15  }
0x43a: {  	v48 =	vor.u32 $0x8, v11;
	v46 =	vld.idx.msk [tilespmem:v63+s29+$0x0], $0xffff;
	v2 =	vadd.f32 v7, v2;
	v5 =	vadd.f32 v51, v5  }
0x43b: {  	v49 =	vld.idx.msk [tilespmem:v41+s29+$0x0], $0xffff;
	v52 =	vor.u32 $0xA, v11;
	v14 =	vadd.f32 v19, v14;
	v15 =	vadd.f32 v20, v15  }
0x43c: {  	v22 =	vld.idx.msk [tilespmem:v40+s29+$0x0], $0xffff;
	v7 =	vor.u32 $0xA, v9;
	v2 =	vadd.f32 v3, v2;
	v3 =	vadd.f32 v6, v5  }
0x43d: {  	v14 =	vadd.f32 v39, v14;
	v20 =	vld.idx.msk [tilespmem:v50+s29+$0x0], $0xffff;
	v15 =	vadd.f32 v42, v15;
	v5 =	vor.u32 $0xB, v9  }
0x43e: {  	v53 =	vor.u32 $0xB, v11;
	v6 =	vld.idx.msk [tilespmem:v44+s29+$0x0], $0xffff;
	v2 =	vadd.f32 v10, v2;
	v3 =	vadd.f32 v4, v3  }
0x43f: {  	v56 =	vor.u32 $0xE, v9;
	v14 =	vadd.f32 v43, v14;
	v51 =	vld.idx.msk [tilespmem:v45+s29+$0x0], $0xffff;
	v15 =	vadd.f32 v46, v15  }
0x440: {  	v4 =	vor.u32 $0xC, v9;
	v10 =	vld.idx.msk [tilespmem:v48+s29+$0x0], $0xffff;
	v2 =	vadd.f32 v12, v2;
	v3 =	vadd.f32 v32, v3  }
0x441: {  	v54 =	vor.u32 $0xD, v9;
	v14 =	vadd.f32 v47, v14;
	v15 =	vadd.f32 v22, v15;
	v7 =	vld.idx.msk [tilespmem:v7+s29+$0x0], $0xffff  }
0x442: {  	v55 =	vld.idx.msk [tilespmem:v5+s29+$0x0], $0xffff;
	v5 =	vor.u32 $0xC, v11;
	v2 =	vsub.f32 v2, v13;
	v3 =	vadd.f32 v33, v3  }
0x443: {  	v57 =	vld.idx.msk [tilespmem:v52+s29+$0x0], $0xffff;
	v14 =	vadd.f32 v49, v14;
	v9 =	vor.u32 $0xF, v9;
	v6 =	vadd.f32 v6, v15  }
0x444: {  	v59 =	vld.idx.msk [tilespmem:v53+s29+$0x0], $0xffff;
	v3 =	vsub.f32 v3, v35;
	v16 =	vmul.f32 v2, v16  }
0x445: {  	v14 =	vadd.f32 v51, v14;
	v58 =	vld.idx.msk [tilespmem:v4+s29+$0x0], $0xffff;
	v4 =	vor.u32 $0xD, v11;
	v10 =	vadd.f32 v10, v6  }
0x446: {  	v60 =	vor.u32 $0xE, v11;
	v6 =	vld.idx.msk [tilespmem:v54+s29+$0x0], $0xffff;
	v2 =	vmul.f32 v16, v2;
	v61 =	vmul.f32 v3, v8  }
0x447: {  	v14 =	vadd.f32 v7, v14;
	v10 =	vadd.f32 v20, v10;
	v8 =	vld.idx.msk [tilespmem:v5+s29+$0x0], $0xffff  }
0x448: {  	v1 =	vadd.f32 v2, v1;
	v2 =	vmul.f32 v61, v3;
	v3 =	vld.idx.msk [tilespmem:v9+s29+$0x0], $0xffff;
	v9 =	vor.u32 $0xF, v11  }
0x449: {  	v5 =	vld.idx.msk [tilespmem:v56+s29+$0x0], $0xffff;
	v62 =	vadd.f32 v55, v14;
	v63 =	vadd.f32 v57, v10  }
0x44a: {  	v7 =	vld.idx.msk [tilespmem:v4+s29+$0x0], $0xffff  }
0x44b: {  	s21 =	simm.s32 $0x7B0;
	v4 =	vld.idx.msk [tilespmem:v60+s29+$0x0], $0xffff;
	v10 =	vadd.f32 v58, v62;
	v11 =	vadd.f32 v59, v63  }
0x44c: {  	s24 =	simm.s32 $0x40;
	s23 =	simm.s32 $0x2;
	v1 =	vadd.f32 v2, v1;
	v2 =	vld [tilespmem:s21+$0x0]  }
.LBB2_16:
0x44d: {  	s25 =	sadd.s32 $0x10, s24;
	v6 =	vadd.f32 v6, v10;
	v8 =	vadd.f32 v8, v11;
	v9 =	vld.idx.msk [tilespmem:v9+s29+$0x0], $0xffff;
	s19 =	sadd.s32 $0x20, s19  }
0x44e: {  	v10 =	vmov s24;
	s20 =	sadd.s32 $0x20, s20;
	v11 =	vmov s25;
	v12 =	vld [tilespmem:s19+$0xFFFFFFF0]  }
0x44f: {  	s23 =	sadd.s32 $0x2, s23;
	v10 =	vshll.u32 v10, $0x7;
	v5 =	vadd.f32 v5, v6;
	v6 =	vld [tilespmem:s20+$0xFFFFFFF0];
	v7 =	vadd.f32 v7, v8  }
0x450: {  	s18 =	sadd.s32 $0x20, s18;
	p0 =	slt.u32 s23, $0x6;
	v8 =	vor.u32 v0, v10;
	v10 =	vshll.u32 v11, $0x7;
	v11 =	vld [tilespmem:s19+$0x0]  }
0x451: {  	v10 =	vor.u32 v0, v10;
	v3 =	vadd.f32 v3, v5;
	v5 =	vld [tilespmem:s18+$0xFFFFFFF0];
	v4 =	vadd.f32 v4, v7  }
0x452: {  	v7 =	vor.u32 $0x1, v8;
	v13 =	vld [tilespmem:s20+$0x0]  }
0x453: {  	v14 =	vor.u32 $0x1, v10;
	v15 =	vld [tilespmem:s21+$0xFFFFFFF0];
	v3 =	vadd.f32 v12, v3;
	v4 =	vadd.f32 v9, v4  }
0x454: {  	v9 =	vor.u32 $0x2, v8;
	v12 =	vld [tilespmem:s18+$0x0]  }
0x455: {  	v17 =	vor.u32 $0x3, v8;
	v16 =	vld.idx.msk [tilespmem:v8+s29+$0x0], $0xffff;
	v3 =	vadd.f32 v6, v3;
	v4 =	vadd.f32 v11, v4  }
0x456: {  	v11 =	vor.u32 $0x2, v10;
	v6 =	vld.idx.msk [tilespmem:v10+s29+$0x0], $0xffff  }
0x457: {  	v18 =	vor.u32 $0x4, v8;
	v7 =	vld.idx.msk [tilespmem:v7+s29+$0x0], $0xffff;
	v3 =	vsub.f32 v3, v5;
	v4 =	vadd.f32 v13, v4  }
0x458: {  	v13 =	vor.u32 $0x3, v10;
	v5 =	vld.idx.msk [tilespmem:v14+s29+$0x0], $0xffff  }
0x459: {  	v14 =	vor.u32 $0x5, v8;
	v9 =	vld.idx.msk [tilespmem:v9+s29+$0x0], $0xffff;
	v15 =	vmul.f32 v3, v15;
	v4 =	vsub.f32 v4, v12  }
0x45a: {  	v12 =	vld.idx.msk [tilespmem:v17+s29+$0x0], $0xffff;
	v17 =	vor.u32 $0x4, v10  }
0x45b: {  	v19 =	vor.u32 $0x6, v8;
	v11 =	vld.idx.msk [tilespmem:v11+s29+$0x0], $0xffff;
	v3 =	vmul.f32 v15, v3;
	v2 =	vmul.f32 v4, v2  }
0x45c: {  	v20 =	vor.u32 $0x5, v10;
	v15 =	vld.idx.msk [tilespmem:v18+s29+$0x0], $0xffff;
	v18 =	vor.u32 $0x7, v8  }
0x45d: {  	v7 =	vadd.f32 v7, v16;
	v13 =	vld.idx.msk [tilespmem:v13+s29+$0x0], $0xffff;
	v1 =	vadd.f32 v3, v1;
	v2 =	vmul.f32 v2, v4  }
0x45e: {  	v4 =	vadd.f32 v5, v6;
	v5 =	vor.u32 $0x6, v10;
	v3 =	vld.idx.msk [tilespmem:v14+s29+$0x0], $0xffff  }
0x45f: {  	v6 =	vadd.f32 v9, v7;
	v7 =	vor.u32 $0x8, v8;
	v9 =	vld.idx.msk [tilespmem:v17+s29+$0x0], $0xffff;
	v1 =	vadd.f32 v2, v1  }
0x460: {  	v14 =	vor.u32 $0x7, v10;
	v2 =	vld.idx.msk [tilespmem:v19+s29+$0x0], $0xffff  }
0x461: {  	v6 =	vadd.f32 v12, v6;
	v12 =	vor.u32 $0x9, v8;
	v4 =	vadd.f32 v11, v4;
	v11 =	vld.idx.msk [tilespmem:v20+s29+$0x0], $0xffff  }
0x462: {  	v17 =	vor.u32 $0x8, v10;
	v16 =	vld.idx.msk [tilespmem:v18+s29+$0x0], $0xffff  }
0x463: {  	v6 =	vadd.f32 v15, v6;
	v15 =	vor.u32 $0xA, v8;
	v4 =	vadd.f32 v13, v4;
	v5 =	vld.idx.msk [tilespmem:v5+s29+$0x0], $0xffff  }
0x464: {  	v13 =	vor.u32 $0x9, v10;
	v7 =	vld.idx.msk [tilespmem:v7+s29+$0x0], $0xffff  }
0x465: {  	v3 =	vadd.f32 v3, v6;
	v6 =	vor.u32 $0xB, v8;
	v4 =	vadd.f32 v9, v4;
	v9 =	vld.idx.msk [tilespmem:v14+s29+$0x0], $0xffff  }
0x466: {  	v14 =	vor.u32 $0xA, v10;
	v12 =	vld.idx.msk [tilespmem:v12+s29+$0x0], $0xffff  }
0x467: {  	v2 =	vadd.f32 v2, v3;
	v3 =	vor.u32 $0xC, v8;
	v4 =	vadd.f32 v11, v4;
	v11 =	vld.idx.msk [tilespmem:v17+s29+$0x0], $0xffff  }
0x468: {  	v17 =	vor.u32 $0xB, v10;
	v15 =	vld.idx.msk [tilespmem:v15+s29+$0x0], $0xffff  }
0x469: {  	v2 =	vadd.f32 v16, v2;
	v16 =	vor.u32 $0xD, v8;
	v4 =	vadd.f32 v5, v4;
	v5 =	vld.idx.msk [tilespmem:v13+s29+$0x0], $0xffff  }
0x46a: {  	v18 =	vor.u32 $0xC, v10;
	v13 =	vld.idx.msk [tilespmem:v6+s29+$0x0], $0xffff  }
0x46b: {  	v2 =	vadd.f32 v7, v2;
	v7 =	vor.u32 $0xE, v8;
	v4 =	vadd.f32 v9, v4;
	v14 =	vld.idx.msk [tilespmem:v14+s29+$0x0], $0xffff  }
0x46c: {  	v19 =	vld.idx.msk [tilespmem:v3+s29+$0x0], $0xffff;
	v3 =	vor.u32 $0xD, v10  }
0x46d: {  	v2 =	vadd.f32 v12, v2;
	v12 =	vor.u32 $0xF, v8;
	v4 =	vadd.f32 v11, v4;
	v11 =	vld.idx.msk [tilespmem:v17+s29+$0x0], $0xffff  }
0x46e: {  	v6 =	vld.idx.msk [tilespmem:v16+s29+$0x0], $0xffff;
	v16 =	vor.u32 $0xE, v10  }
0x46f: {  	v2 =	vadd.f32 v15, v2;
	v4 =	vadd.f32 v5, v4;
	v8 =	vld.idx.msk [tilespmem:v18+s29+$0x0], $0xffff  }
.Ltmp7:
0x470: {  	v9 =	vor.u32 $0xF, v10;
	v5 =	vld.idx.msk [tilespmem:v7+s29+$0x0], $0xffff;
	(pc) =	sbr.rel @p0 .LBB2_16-.Ltmp7, $4  }
0x471: {  	v2 =	vadd.f32 v13, v2;
	v4 =	vadd.f32 v14, v4;
	v7 =	vld.idx.msk [tilespmem:v3+s29+$0x0], $0xffff  }
0x472: {  	v3 =	vld.idx.msk [tilespmem:v12+s29+$0x0], $0xffff  }
0x473: {  	s21 =	sadd.s32 $0x20, s21;
	v10 =	vadd.f32 v19, v2;
	v11 =	vadd.f32 v11, v4;
	v4 =	vld.idx.msk [tilespmem:v16+s29+$0x0], $0xffff  }
0x474: {  	s24 =	sadd.s32 $0x20, s24;
	v2 =	vld [tilespmem:s21+$0x0]  }
0x475: {  	_ =	sdelay $0x3  }
0x476: {  	v6 =	vadd.f32 v6, v10;
	v8 =	vadd.f32 v8, v11;
	v9 =	vld.idx.msk [tilespmem:v9+s29+$0x0], $0xffff;
	s19 =	sadd.s32 $0x20, s19  }
0x477: {  	s20 =	sadd.s32 $0x20, s20;
	v57 =	vld [tilespmem:s19+$0xFFFFFFF0]  }
0x478: {  	v58 =	vld [tilespmem:s20+$0xFFFFFFF0];
	v5 =	vadd.f32 v5, v6;
	v7 =	vadd.f32 v7, v8  }
0x479: {  	s18 =	sadd.s32 $0x20, s18;
	v59 =	vld [tilespmem:s19+$0x0]  }
0x47a: {  	v60 =	vld [tilespmem:s18+$0xFFFFFFF0];
	v3 =	vadd.f32 v3, v5;
	v4 =	vadd.f32 v4, v7  }
0x47b: {  	v61 =	vld [tilespmem:s20+$0x0]  }
0x47c: {  	v62 =	vld [tilespmem:s21+$0xFFFFFFF0];
	v3 =	vadd.f32 v57, v3;
	v4 =	vadd.f32 v9, v4  }
0x47d: {  	v63 =	vld [tilespmem:s18+$0x0]  }
0x47e: {  	v3 =	vadd.f32 v58, v3;
	v4 =	vadd.f32 v59, v4;
	_ =	sdelay $0x1  }
0x47f: {  	v3 =	vsub.f32 v3, v60;
	v4 =	vadd.f32 v61, v4;
	_ =	sdelay $0x1  }
0x480: {  	v5 =	vmul.f32 v3, v62;
	v4 =	vsub.f32 v4, v63;
	_ =	sdelay $0x1  }
0x481: {  	v3 =	vmul.f32 v5, v3;
	v2 =	vmul.f32 v4, v2;
	_ =	sdelay $0x1  }
0x482: {  	v1 =	vadd.f32 v3, v1;
	v2 =	vmul.f32 v2, v4;
	_ =	sdelay $0x1  }
0x483: {  	s15 =	sadd.s32 $0x1, s15;
	v1 =	vadd.f32 v2, v1  }
0x484: {  	p0 =	sne.s32 s15, s12  }
.Ltmp8:
0x485: {  	s28 =	simm.s32 $0x14A00;
	[tilespmem:$0x14A00] =	vst v1;
	(pc) =	sbr.rel @p0 .LBB2_1-.Ltmp8, $4  }
0x486: {  	[hbm4b:s11+s6] =	stream.linear.scatter [tilespmem:s28], [sflag:$0x3], $0x80, $0x38;
	[tilespmem:$0x14A80] =	vst v63  }
0x487: {  	_ =	swait.ge [sflag:s14], $0x80  }
0x488: {  	[sflag:s14] =	ssyncset.done $0x0  }
0x489: {  	[sflag:s14] =	ssyncadd.s32 $0xFFFFFF80  }
0x48a: {  	_ =	sfence.sel $0x180000  }
0x48b: {  	[bflag:$0x0] =	sbarrier.arrive $0xFFFF  }
0x48c: {  	_ =	strace $0x90000047  }
0x48d: {  	s0 =	stileid.u32;
	[bflag:$0x2] =	sbarrier.arrive $0xFFFF  }
0x48e: {  	p0 =	sne.s32 s0, $0x0;
	s0 =	rddreg [dreg:$0x9]  }
0x48f: {  	s0 =	sadd.s32 @!p0 $0x100000, s0  }
0x490: {  	[sflag:s0] =	ssyncadd.tile.s32 @!p0 $0x1;
	_ =	shalt  }
.Lfunc_end2:
_tile_overlayer_lowered:
.L_overlay_start_2:
0x491: {  	(tag) =	ssettag $0x2  }
0x492: {  	s0 =	rddreg [dreg:$0x0];
	s2 =	stileid.u32  }
0x493: {  	s1 =	rddreg [dreg:$0x1];
	p0 =	sne.s32 s2, $0x0  }
0x494: {  	s3 =	rddreg [dreg:$0x2];
	[bflag:$0x3] =	sbarrier.arrive $0xFFFF;
	s2 =	simm.s32 @!p0 $0x1C03  }
0x495: {  	[timem:s3], [sflag:s2] =	dma.local @!p0 [hbm:s0], s1  }
0x496: {  	s0 =	simm.s32 @!p0 $0x3  }
0x497: {  	_ =	swait.ge @!p0 [sflag:s0], s1  }
0x498: {  	s1 =	ssub.s32 @!p0 $0x0, s1;
	[sflag:s0] =	ssyncset.done @!p0 $0x0  }
0x499: {  	[sflag:s0] =	ssyncadd.s32 @!p0 s1  }
0x49a: {  	[bflag:$0x3] =	sbarrier.arrive $0xFFFF  }
0x49b: {  	_ =	shalt  }

</sc_bundles>
